<compile_context>
chip_gen: v7x
topology: tpu7x:2x2x1
jax: 0.10.2.dev20260603
libtpu: 0.0.44.dev20260713+nightly
codegen_flags: <defaults>
</compile_context>

<pallas_src>
import functools

import jax
import jax.numpy as jnp
from jax import lax
from jax.experimental import pallas as pl
from jax.experimental.pallas import tpu as pltpu
from jax.experimental.pallas import tpu_sc as plsc

NC = 2
NS = 16
NW = NC * NS
KB = 16
LOG_LB = 14
LB = 1 << LOG_LB


def _tc_pack(table_t):
  D, V = table_t.shape
  nblk = pl.cdiv(V, LB)

  def body(x_ref, out_ref):
    xt = x_ref[...].T
    out_ref[...] = jnp.concatenate(
        [xt[: LB // 2, :], xt[LB // 2 :, :]], axis=1)

  return pl.pallas_call(
      body,
      grid=(nblk,),
      in_specs=[pl.BlockSpec((D, LB), lambda j: (0, j))],
      out_specs=pl.BlockSpec((LB // 2, 2 * D), lambda j: (j, 0)),
      out_shape=jax.ShapeDtypeStruct((nblk * LB // 2, 2 * D), jnp.float32),
  )(table_t)


def _sc_gather_one(idx2, packed):
  NWl, BPW = idx2.shape
  P, D2 = packed.shape
  D = D2 // 2
  B = NWl * BPW

  mesh = plsc.VectorSubcoreMesh(core_axis_name="c", subcore_axis_name="s",
                                num_cores=NC, num_subcores=NS)

  @functools.partial(
      pl.kernel,
      out_type=jax.ShapeDtypeStruct((B, D), jnp.float32),
      mesh=mesh,
      compiler_params=pltpu.CompilerParams(
          use_tc_tiling_on_sc=False, needs_layout_passes=False),
      scratch_types=[
          pltpu.VMEM((BPW,), jnp.int32),
          pltpu.VMEM((BPW, D), jnp.float32),
          pltpu.SemaphoreType.DMA,
      ],
  )
  def sc_kernel(idx_hbm, tab_hbm, emb_hbm, idx_v, rows, sem):
    wid = lax.axis_index("s") * NC + lax.axis_index("c")
    base = wid * BPW

    pltpu.sync_copy(idx_hbm.at[wid], idx_v)

    lane = lax.iota(jnp.int32, KB)

    def batch(c, _):
      off = pl.multiple_of(c * KB, KB)
      vec = idx_v[pl.ds(off, KB)]
      copies = []
      for k in range(KB):
        i = jnp.sum(jnp.where(lane == k, vec, 0))
        p = (i >> LOG_LB) * (LB // 2) + (i & (LB // 2 - 1))
        h = pl.multiple_of(((i >> (LOG_LB - 1)) & 1) * D, D)
        copies.append(pltpu.async_copy(
            tab_hbm.at[p, pl.ds(h, D)], rows.at[c * KB + k], sem))
      for cp in copies:
        cp.wait()
      return 0

    lax.fori_loop(0, BPW // KB, batch, 0)

    pltpu.sync_copy(rows, emb_hbm.at[pl.ds(base, BPW)])

  return sc_kernel(idx2, packed)


def _tc_loss(emb_u, emb_v):
  def body(u_ref, v_ref, out_ref):
    score = jnp.sum(u_ref[...] * v_ref[...], axis=1)
    out_ref[0, 0] = -jnp.mean(jax.nn.log_sigmoid(score))

  out = pl.pallas_call(
      body,
      out_shape=jax.ShapeDtypeStruct((1, 1), jnp.float32),
      out_specs=pl.BlockSpec(memory_space=pltpu.SMEM),
  )(emb_u, emb_v)
  return out[0, 0]


def kernel(word, context, W_in, W_out):
  B = word.shape[0]
  word2 = word.astype(jnp.int32).reshape(NW, B // NW)
  ctx2 = context.astype(jnp.int32).reshape(NW, B // NW)
  packed_u = _tc_pack(W_in.T)
  embed_u = _sc_gather_one(word2, packed_u)
  packed_v = _tc_pack(W_out.T)
  embed_v = _sc_gather_one(ctx2, packed_v)
  loss = _tc_loss(embed_u, embed_v)
  return (loss, embed_u)

# --- scband reference (transcript-rebuilt; emitter-appended) ---
"""Pipeline reference for scband-skip-gram-18416819765364 (READ-ONLY COPY).

The authoritative reference and input builder live on the scoring server;
editing this copy changes nothing except your own understanding.
"""

import jax, jax.numpy as jnp
import numpy as np

VOCAB = 1000000
DIM = 64
BATCH = 16384

def setup_inputs(seed: int = 0) -> dict:
    key = jax.random.key(seed)
    k_word, k_ctx, k_win, k_wout = jax.random.split(key, 4)
    word = jax.random.randint(k_word, (BATCH,), 0, VOCAB, dtype=jnp.int64 if jax.config.jax_enable_x64 else jnp.int32)
    context = jax.random.randint(k_ctx, (BATCH,), 0, VOCAB, dtype=jnp.int64 if jax.config.jax_enable_x64 else jnp.int32)
    initrange = (2.0 / (VOCAB + DIM)) ** 0.5
    W_in = jax.random.uniform(k_win, (VOCAB, DIM), dtype=jnp.float32, minval=-initrange, maxval=initrange)
    # original torch inits context table to zero; use small uniform so outputs are non-degenerate
    W_out = jax.random.uniform(k_wout, (VOCAB, DIM), dtype=jnp.float32, minval=-initrange, maxval=initrange)
    return {"word": word, "context": context, "W_in": W_in, "W_out": W_out}

def reference(word, context, W_in, W_out):
    embed_u = jnp.take(W_in, word, axis=0)          # embedding lookup [B, D]
    embed_v = jnp.take(W_out, context, axis=0)      # embedding lookup [B, D]
    score = jnp.sum(embed_u * embed_v, axis=1)      # [B]
    log_target = jax.nn.log_sigmoid(score)
    loss = -1.0 * jnp.mean(log_target)
    return (loss, embed_u)

if __name__ == "__main__":
    import jax
    _d = setup_inputs()
    print(jax.jit(kernel)(*tuple(_d.values())))

</pallas_src>

<mosaic_0001>
#map = affine_map<(d0, d1) -> (0, 0)>
module attributes {stable_mosaic.version = 14 : i64} {
  func.func @sc_kernel(%arg0: i32, %arg1: i32, %arg2: memref<32x512xi32, #tpu.memory_space<hbm>>, %arg3: memref<507904x128xf32, #tpu.memory_space<hbm>>, %arg4: memref<16384x64xf32, #tpu.memory_space<hbm>>, %arg5: memref<512xi32, #tpu.memory_space<vmem>>, %arg6: memref<512x64xf32, #tpu.memory_space<vmem>>, %arg7: memref<!tpu.dma_semaphore, #tpu.memory_space<semaphore_mem>>) attributes {dimension_semantics = [#tpu.dimension_semantics<core_parallel>, #tpu.dimension_semantics<subcore_parallel>], iteration_bounds = array<i64: 2, 16>, scalar_prefetch = 0 : i64, scratch_operands = 3 : i64, tpu.core_type = #tpu.core_type<sc_vector_subcore>, window_params = [{transform_indices = #map}, {transform_indices = #map}, {transform_indices = #map}]} {
    %mul3A = arith.constant 2 : i32
    %mul3A_0 = arith.muli %arg1, %mul3A : i32
    %add3A = arith.addi %mul3A_0, %arg0 : i32
    %mul3A_1 = arith.constant 512 : i32
    %mul3A_2 = arith.muli %add3A, %mul3A_1 : i32
    "tpu.region"() ({
      %run_scoped3A = tpu.sem_alloc : memref<!tpu.dma_semaphore, #tpu.memory_space<semaphore_mem>>
      %dma_start3A = arith.constant 0 : i32
      %dma_start3A_9 = tpu.memref_slice %arg2[%add3A, %dma_start3A] : memref<32x512xi32, #tpu.memory_space<hbm>> -> memref<1x512xi32, #tpu.memory_space<hbm>>
      %dma_start3A_10 = tpu.memref_squeeze %dma_start3A_9 : memref<1x512xi32, #tpu.memory_space<hbm>> -> memref<512xi32, #tpu.memory_space<hbm>>
      %dma_start3A_11 = arith.constant 0 : i32
      %dma_start3A_12 = tpu.memref_slice %arg2[%add3A, %dma_start3A_11] : memref<32x512xi32, #tpu.memory_space<hbm>> -> memref<1x512xi32, #tpu.memory_space<hbm>>
      %dma_start3A_13 = tpu.memref_squeeze %dma_start3A_12 : memref<1x512xi32, #tpu.memory_space<hbm>> -> memref<512xi32, #tpu.memory_space<hbm>>
      tpu.enqueue_dma source(%dma_start3A_13 : memref<512xi32, #tpu.memory_space<hbm>>) target(%arg5 : memref<512xi32, #tpu.memory_space<vmem>>) target_semaphore(%run_scoped3A : memref<!tpu.dma_semaphore, #tpu.memory_space<semaphore_mem>>)
      %dma_wait3A = arith.constant 0 : i32
      %dma_wait3A_14 = tpu.memref_slice %arg2[%add3A, %dma_wait3A] : memref<32x512xi32, #tpu.memory_space<hbm>> -> memref<1x512xi32, #tpu.memory_space<hbm>>
      %dma_wait3A_15 = tpu.memref_squeeze %dma_wait3A_14 : memref<1x512xi32, #tpu.memory_space<hbm>> -> memref<512xi32, #tpu.memory_space<hbm>>
      %dma_wait3A_16 = arith.constant 0 : i32
      %dma_wait3A_17 = tpu.memref_slice %arg2[%add3A, %dma_wait3A_16] : memref<32x512xi32, #tpu.memory_space<hbm>> -> memref<1x512xi32, #tpu.memory_space<hbm>>
      %dma_wait3A_18 = tpu.memref_squeeze %dma_wait3A_17 : memref<1x512xi32, #tpu.memory_space<hbm>> -> memref<512xi32, #tpu.memory_space<hbm>>
      tpu.wait_dma2 semaphore(%run_scoped3A : memref<!tpu.dma_semaphore, #tpu.memory_space<semaphore_mem>>) src(%dma_wait3A_18 : memref<512xi32, #tpu.memory_space<hbm>>) dst(%arg5 : memref<512xi32, #tpu.memory_space<vmem>>)
      tpu.yield
    }) : () -> ()
    %iota3A = tpu.iota {dimensions = array<i32: 0>} : vector<16xi32>
    %scan3A = arith.constant 0 : i32
    %scan3A_3 = arith.constant 0 : i32
    %scan3A_4 = arith.constant 32 : i32
    %scan3A_5 = arith.addi %scan3A_3, %scan3A_4 : i32
    %scan3A_6 = arith.constant 1 : i32
    %scan3A_7 = scf.for %scan3A_9 = %scan3A_3 to %scan3A_5 step %scan3A_6 iter_args(%scan3A_10 = %scan3A) -> (i32)  : i32 {
      %mul3A_11 = arith.constant 16 : i32
      %mul3A_12 = arith.muli %scan3A_9, %mul3A_11 : i32
      %multiple_of3A = tpu.assume_multiple %mul3A_12, 16 : i32
      %get3A = arith.index_cast %multiple_of3A : i32 to index
      %get3A_13 = tpu.vector_load %arg5[%get3A] {strides = array<i32>} : memref<512xi32, #tpu.memory_space<vmem>>, vector<16xi32>,
      %eq3A = arith.constant 0 : i32
      %eq3A_14 = vector.broadcast %eq3A : i32 to vector<16xi32>
      %eq3A_15 = arith.cmpi eq, %iota3A, %eq3A_14 : vector<16xi32>
      %jit3A = arith.constant 0 : i32
      %broadcast_in_dim3A = vector.broadcast %jit3A : i32 to vector<16xi32>
      %select_n3A = arith.select %eq3A_15, %get3A_13, %broadcast_in_dim3A : vector<16xi1>, vector<16xi32>
      %reduce_sum3A = arith.constant true
      %reduce_sum3A_16 = vector.broadcast %reduce_sum3A : i1 to vector<16xi1>
      %reduce_sum3A_17 = tpu.scan <sum>, %select_n3A masked %reduce_sum3A_16 : vector<16xi32>, vector<16xi1> -> vector<16xi32>
      %reduce_sum3A_18 = vector.extract %reduce_sum3A_17[15] : i32 from vector<16xi32>
      %shift_right_arithmetic3A = arith.constant 14 : i32
      %shift_right_arithmetic3A_19 = arith.shrsi %reduce_sum3A_18, %shift_right_arithmetic3A : i32
      %mul3A_20 = arith.constant 8192 : i32
      %mul3A_21 = arith.muli %shift_right_arithmetic3A_19, %mul3A_20 : i32
      %and3A = arith.constant 8191 : i32
      %and3A_22 = arith.andi %reduce_sum3A_18, %and3A : i32
      %add3A_23 = arith.addi %mul3A_21, %and3A_22 : i32
      %shift_right_arithmetic3A_24 = arith.constant 13 : i32
      %shift_right_arithmetic3A_25 = arith.shrsi %reduce_sum3A_18, %shift_right_arithmetic3A_24 : i32
      %and3A_26 = arith.constant 1 : i32
      %and3A_27 = arith.andi %shift_right_arithmetic3A_25, %and3A_26 : i32
      %mul3A_28 = arith.constant 64 : i32
      %mul3A_29 = arith.muli %and3A_27, %mul3A_28 : i32
      %multiple_of3A_30 = tpu.assume_multiple %mul3A_29, 64 : i32
      %mul3A_31 = arith.constant 16 : i32
      %mul3A_32 = arith.muli %scan3A_9, %mul3A_31 : i32
      %add3A_33 = arith.constant 0 : i32
      %add3A_34 = arith.addi %mul3A_32, %add3A_33 : i32
      %dma_start3A = arith.constant 0 : i32
      %dma_start3A_35 = tpu.memref_slice %arg6[%add3A_34, %dma_start3A] : memref<512x64xf32, #tpu.memory_space<vmem>> -> memref<1x64xf32, #tpu.memory_space<vmem>>
      %dma_start3A_36 = tpu.memref_squeeze %dma_start3A_35 : memref<1x64xf32, #tpu.memory_space<vmem>> -> memref<64xf32, #tpu.memory_space<vmem>>
      %dma_start3A_37 = tpu.memref_slice %arg3[%add3A_23, %multiple_of3A_30] : memref<507904x128xf32, #tpu.memory_space<hbm>> -> memref<1x64xf32, #tpu.memory_space<hbm>>
      %dma_start3A_38 = tpu.memref_squeeze %dma_start3A_37 : memref<1x64xf32, #tpu.memory_space<hbm>> -> memref<64xf32, #tpu.memory_space<hbm>>
      %dma_start3A_39 = arith.constant 0 : i32
      %dma_start3A_40 = tpu.memref_slice %arg6[%add3A_34, %dma_start3A_39] : memref<512x64xf32, #tpu.memory_space<vmem>> -> memref<1x64xf32, #tpu.memory_space<vmem>>
      %dma_start3A_41 = tpu.memref_squeeze %dma_start3A_40 : memref<1x64xf32, #tpu.memory_space<vmem>> -> memref<64xf32, #tpu.memory_space<vmem>>
      %dma_start3A_42 = tpu.memref_slice %arg3[%add3A_23, %multiple_of3A_30] : memref<507904x128xf32, #tpu.memory_space<hbm>> -> memref<1x64xf32, #tpu.memory_space<hbm>>
      %dma_start3A_43 = tpu.memref_squeeze %dma_start3A_42 : memref<1x64xf32, #tpu.memory_space<hbm>> -> memref<64xf32, #tpu.memory_space<hbm>>
      tpu.enqueue_dma source(%dma_start3A_43 : memref<64xf32, #tpu.memory_space<hbm>>) target(%dma_start3A_41 : memref<64xf32, #tpu.memory_space<vmem>>) target_semaphore(%arg7 : memref<!tpu.dma_semaphore, #tpu.memory_space<semaphore_mem>>)
      %eq3A_44 = arith.constant 1 : i32
      %eq3A_45 = vector.broadcast %eq3A_44 : i32 to vector<16xi32>
      %eq3A_46 = arith.cmpi eq, %iota3A, %eq3A_45 : vector<16xi32>
      %jit3A_47 = arith.constant 0 : i32
      %broadcast_in_dim3A_48 = vector.broadcast %jit3A_47 : i32 to vector<16xi32>
      %select_n3A_49 = arith.select %eq3A_46, %get3A_13, %broadcast_in_dim3A_48 : vector<16xi1>, vector<16xi32>
      %reduce_sum3A_50 = arith.constant true
      %reduce_sum3A_51 = vector.broadcast %reduce_sum3A_50 : i1 to vector<16xi1>
      %reduce_sum3A_52 = tpu.scan <sum>, %select_n3A_49 masked %reduce_sum3A_51 : vector<16xi32>, vector<16xi1> -> vector<16xi32>
      %reduce_sum3A_53 = vector.extract %reduce_sum3A_52[15] : i32 from vector<16xi32>
      %shift_right_arithmetic3A_54 = arith.constant 14 : i32
      %shift_right_arithmetic3A_55 = arith.shrsi %reduce_sum3A_53, %shift_right_arithmetic3A_54 : i32
      %mul3A_56 = arith.constant 8192 : i32
      %mul3A_57 = arith.muli %shift_right_arithmetic3A_55, %mul3A_56 : i32
      %and3A_58 = arith.constant 8191 : i32
      %and3A_59 = arith.andi %reduce_sum3A_53, %and3A_58 : i32
      %add3A_60 = arith.addi %mul3A_57, %and3A_59 : i32
      %shift_right_arithmetic3A_61 = arith.constant 13 : i32
      %shift_right_arithmetic3A_62 = arith.shrsi %reduce_sum3A_53, %shift_right_arithmetic3A_61 : i32
      %and3A_63 = arith.constant 1 : i32
      %and3A_64 = arith.andi %shift_right_arithmetic3A_62, %and3A_63 : i32
      %mul3A_65 = arith.constant 64 : i32
      %mul3A_66 = arith.muli %and3A_64, %mul3A_65 : i32
      %multiple_of3A_67 = tpu.assume_multiple %mul3A_66, 64 : i32
      %mul3A_68 = arith.constant 16 : i32
      %mul3A_69 = arith.muli %scan3A_9, %mul3A_68 : i32
      %add3A_70 = arith.constant 1 : i32
      %add3A_71 = arith.addi %mul3A_69, %add3A_70 : i32
      %dma_start3A_72 = arith.constant 0 : i32
      %dma_start3A_73 = tpu.memref_slice %arg6[%add3A_71, %dma_start3A_72] : memref<512x64xf32, #tpu.memory_space<vmem>> -> memref<1x64xf32, #tpu.memory_space<vmem>>
      %dma_start3A_74 = tpu.memref_squeeze %dma_start3A_73 : memref<1x64xf32, #tpu.memory_space<vmem>> -> memref<64xf32, #tpu.memory_space<vmem>>
      %dma_start3A_75 = tpu.memref_slice %arg3[%add3A_60, %multiple_of3A_67] : memref<507904x128xf32, #tpu.memory_space<hbm>> -> memref<1x64xf32, #tpu.memory_space<hbm>>
      %dma_start3A_76 = tpu.memref_squeeze %dma_start3A_75 : memref<1x64xf32, #tpu.memory_space<hbm>> -> memref<64xf32, #tpu.memory_space<hbm>>
      %dma_start3A_77 = arith.constant 0 : i32
      %dma_start3A_78 = tpu.memref_slice %arg6[%add3A_71, %dma_start3A_77] : memref<512x64xf32, #tpu.memory_space<vmem>> -> memref<1x64xf32, #tpu.memory_space<vmem>>
      %dma_start3A_79 = tpu.memref_squeeze %dma_start3A_78 : memref<1x64xf32, #tpu.memory_space<vmem>> -> memref<64xf32, #tpu.memory_space<vmem>>
      %dma_start3A_80 = tpu.memref_slice %arg3[%add3A_60, %multiple_of3A_67] : memref<507904x128xf32, #tpu.memory_space<hbm>> -> memref<1x64xf32, #tpu.memory_space<hbm>>
      %dma_start3A_81 = tpu.memref_squeeze %dma_start3A_80 : memref<1x64xf32, #tpu.memory_space<hbm>> -> memref<64xf32, #tpu.memory_space<hbm>>
      tpu.enqueue_dma source(%dma_start3A_81 : memref<64xf32, #tpu.memory_space<hbm>>) target(%dma_start3A_79 : memref<64xf32, #tpu.memory_space<vmem>>) target_semaphore(%arg7 : memref<!tpu.dma_semaphore, #tpu.memory_space<semaphore_mem>>)
      %eq3A_82 = arith.constant 2 : i32
      %eq3A_83 = vector.broadcast %eq3A_82 : i32 to vector<16xi32>
      %eq3A_84 = arith.cmpi eq, %iota3A, %eq3A_83 : vector<16xi32>
      %jit3A_85 = arith.constant 0 : i32
      %broadcast_in_dim3A_86 = vector.broadcast %jit3A_85 : i32 to vector<16xi32>
      %select_n3A_87 = arith.select %eq3A_84, %get3A_13, %broadcast_in_dim3A_86 : vector<16xi1>, vector<16xi32>
      %reduce_sum3A_88 = arith.constant true
      %reduce_sum3A_89 = vector.broadcast %reduce_sum3A_88 : i1 to vector<16xi1>
      %reduce_sum3A_90 = tpu.scan <sum>, %select_n3A_87 masked %reduce_sum3A_89 : vector<16xi32>, vector<16xi1> -> vector<16xi32>
      %reduce_sum3A_91 = vector.extract %reduce_sum3A_90[15] : i32 from vector<16xi32>
      %shift_right_arithmetic3A_92 = arith.constant 14 : i32
      %shift_right_arithmetic3A_93 = arith.shrsi %reduce_sum3A_91, %shift_right_arithmetic3A_92 : i32
      %mul3A_94 = arith.constant 8192 : i32
      %mul3A_95 = arith.muli %shift_right_arithmetic3A_93, %mul3A_94 : i32
      %and3A_96 = arith.constant 8191 : i32
      %and3A_97 = arith.andi %reduce_sum3A_91, %and3A_96 : i32
      %add3A_98 = arith.addi %mul3A_95, %and3A_97 : i32
      %shift_right_arithmetic3A_99 = arith.constant 13 : i32
      %shift_right_arithmetic3A_100 = arith.shrsi %reduce_sum3A_91, %shift_right_arithmetic3A_99 : i32
      %and3A_101 = arith.constant 1 : i32
      %and3A_102 = arith.andi %shift_right_arithmetic3A_100, %and3A_101 : i32
      %mul3A_103 = arith.constant 64 : i32
      %mul3A_104 = arith.muli %and3A_102, %mul3A_103 : i32
      %multiple_of3A_105 = tpu.assume_multiple %mul3A_104, 64 : i32
      %mul3A_106 = arith.constant 16 : i32
      %mul3A_107 = arith.muli %scan3A_9, %mul3A_106 : i32
      %add3A_108 = arith.constant 2 : i32
      %add3A_109 = arith.addi %mul3A_107, %add3A_108 : i32
      %dma_start3A_110 = arith.constant 0 : i32
      %dma_start3A_111 = tpu.memref_slice %arg6[%add3A_109, %dma_start3A_110] : memref<512x64xf32, #tpu.memory_space<vmem>> -> memref<1x64xf32, #tpu.memory_space<vmem>>
      %dma_start3A_112 = tpu.memref_squeeze %dma_start3A_111 : memref<1x64xf32, #tpu.memory_space<vmem>> -> memref<64xf32, #tpu.memory_space<vmem>>
      %dma_start3A_113 = tpu.memref_slice %arg3[%add3A_98, %multiple_of3A_105] : memref<507904x128xf32, #tpu.memory_space<hbm>> -> memref<1x64xf32, #tpu.memory_space<hbm>>
      %dma_start3A_114 = tpu.memref_squeeze %dma_start3A_113 : memref<1x64xf32, #tpu.memory_space<hbm>> -> memref<64xf32, #tpu.memory_space<hbm>>
      %dma_start3A_115 = arith.constant 0 : i32
      %dma_start3A_116 = tpu.memref_slice %arg6[%add3A_109, %dma_start3A_115] : memref<512x64xf32, #tpu.memory_space<vmem>> -> memref<1x64xf32, #tpu.memory_space<vmem>>
      %dma_start3A_117 = tpu.memref_squeeze %dma_start3A_116 : memref<1x64xf32, #tpu.memory_space<vmem>> -> memref<64xf32, #tpu.memory_space<vmem>>
      %dma_start3A_118 = tpu.memref_slice %arg3[%add3A_98, %multiple_of3A_105] : memref<507904x128xf32, #tpu.memory_space<hbm>> -> memref<1x64xf32, #tpu.memory_space<hbm>>
      %dma_start3A_119 = tpu.memref_squeeze %dma_start3A_118 : memref<1x64xf32, #tpu.memory_space<hbm>> -> memref<64xf32, #tpu.memory_space<hbm>>
      tpu.enqueue_dma source(%dma_start3A_119 : memref<64xf32, #tpu.memory_space<hbm>>) target(%dma_start3A_117 : memref<64xf32, #tpu.memory_space<vmem>>) target_semaphore(%arg7 : memref<!tpu.dma_semaphore, #tpu.memory_space<semaphore_mem>>)
      %eq3A_120 = arith.constant 3 : i32
      %eq3A_121 = vector.broadcast %eq3A_120 : i32 to vector<16xi32>
      %eq3A_122 = arith.cmpi eq, %iota3A, %eq3A_121 : vector<16xi32>
      %jit3A_123 = arith.constant 0 : i32
      %broadcast_in_dim3A_124 = vector.broadcast %jit3A_123 : i32 to vector<16xi32>
      %select_n3A_125 = arith.select %eq3A_122, %get3A_13, %broadcast_in_dim3A_124 : vector<16xi1>, vector<16xi32>
      %reduce_sum3A_126 = arith.constant true
      %reduce_sum3A_127 = vector.broadcast %reduce_sum3A_126 : i1 to vector<16xi1>
      %reduce_sum3A_128 = tpu.scan <sum>, %select_n3A_125 masked %reduce_sum3A_127 : vector<16xi32>, vector<16xi1> -> vector<16xi32>
      %reduce_sum3A_129 = vector.extract %reduce_sum3A_128[15] : i32 from vector<16xi32>
      %shift_right_arithmetic3A_130 = arith.constant 14 : i32
      %shift_right_arithmetic3A_131 = arith.shrsi %reduce_sum3A_129, %shift_right_arithmetic3A_130 : i32
      %mul3A_132 = arith.constant 8192 : i32
      %mul3A_133 = arith.muli %shift_right_arithmetic3A_131, %mul3A_132 : i32
      %and3A_134 = arith.constant 8191 : i32
      %and3A_135 = arith.andi %reduce_sum3A_129, %and3A_134 : i32
      %add3A_136 = arith.addi %mul3A_133, %and3A_135 : i32
      %shift_right_arithmetic3A_137 = arith.constant 13 : i32
      %shift_right_arithmetic3A_138 = arith.shrsi %reduce_sum3A_129, %shift_right_arithmetic3A_137 : i32
      %and3A_139 = arith.constant 1 : i32
      %and3A_140 = arith.andi %shift_right_arithmetic3A_138, %and3A_139 : i32
      %mul3A_141 = arith.constant 64 : i32
      %mul3A_142 = arith.muli %and3A_140, %mul3A_141 : i32
      %multiple_of3A_143 = tpu.assume_multiple %mul3A_142, 64 : i32
      %mul3A_144 = arith.constant 16 : i32
      %mul3A_145 = arith.muli %scan3A_9, %mul3A_144 : i32
      %add3A_146 = arith.constant 3 : i32
      %add3A_147 = arith.addi %mul3A_145, %add3A_146 : i32
      %dma_start3A_148 = arith.constant 0 : i32
      %dma_start3A_149 = tpu.memref_slice %arg6[%add3A_147, %dma_start3A_148] : memref<512x64xf32, #tpu.memory_space<vmem>> -> memref<1x64xf32, #tpu.memory_space<vmem>>
      %dma_start3A_150 = tpu.memref_squeeze %dma_start3A_149 : memref<1x64xf32, #tpu.memory_space<vmem>> -> memref<64xf32, #tpu.memory_space<vmem>>
      %dma_start3A_151 = tpu.memref_slice %arg3[%add3A_136, %multiple_of3A_143] : memref<507904x128xf32, #tpu.memory_space<hbm>> -> memref<1x64xf32, #tpu.memory_space<hbm>>
      %dma_start3A_152 = tpu.memref_squeeze %dma_start3A_151 : memref<1x64xf32, #tpu.memory_space<hbm>> -> memref<64xf32, #tpu.memory_space<hbm>>
      %dma_start3A_153 = arith.constant 0 : i32
      %dma_start3A_154 = tpu.memref_slice %arg6[%add3A_147, %dma_start3A_153] : memref<512x64xf32, #tpu.memory_space<vmem>> -> memref<1x64xf32, #tpu.memory_space<vmem>>
      %dma_start3A_155 = tpu.memref_squeeze %dma_start3A_154 : memref<1x64xf32, #tpu.memory_space<vmem>> -> memref<64xf32, #tpu.memory_space<vmem>>
      %dma_start3A_156 = tpu.memref_slice %arg3[%add3A_136, %multiple_of3A_143] : memref<507904x128xf32, #tpu.memory_space<hbm>> -> memref<1x64xf32, #tpu.memory_space<hbm>>
      %dma_start3A_157 = tpu.memref_squeeze %dma_start3A_156 : memref<1x64xf32, #tpu.memory_space<hbm>> -> memref<64xf32, #tpu.memory_space<hbm>>
      tpu.enqueue_dma source(%dma_start3A_157 : memref<64xf32, #tpu.memory_space<hbm>>) target(%dma_start3A_155 : memref<64xf32, #tpu.memory_space<vmem>>) target_semaphore(%arg7 : memref<!tpu.dma_semaphore, #tpu.memory_space<semaphore_mem>>)
      %eq3A_158 = arith.constant 4 : i32
      %eq3A_159 = vector.broadcast %eq3A_158 : i32 to vector<16xi32>
      %eq3A_160 = arith.cmpi eq, %iota3A, %eq3A_159 : vector<16xi32>
      %jit3A_161 = arith.constant 0 : i32
      %broadcast_in_dim3A_162 = vector.broadcast %jit3A_161 : i32 to vector<16xi32>
      %select_n3A_163 = arith.select %eq3A_160, %get3A_13, %broadcast_in_dim3A_162 : vector<16xi1>, vector<16xi32>
      %reduce_sum3A_164 = arith.constant true
      %reduce_sum3A_165 = vector.broadcast %reduce_sum3A_164 : i1 to vector<16xi1>
      %reduce_sum3A_166 = tpu.scan <sum>, %select_n3A_163 masked %reduce_sum3A_165 : vector<16xi32>, vector<16xi1> -> vector<16xi32>
      %reduce_sum3A_167 = vector.extract %reduce_sum3A_166[15] : i32 from vector<16xi32>
      %shift_right_arithmetic3A_168 = arith.constant 14 : i32
      %shift_right_arithmetic3A_169 = arith.shrsi %reduce_sum3A_167, %shift_right_arithmetic3A_168 : i32
      %mul3A_170 = arith.constant 8192 : i32
      %mul3A_171 = arith.muli %shift_right_arithmetic3A_169, %mul3A_170 : i32
      %and3A_172 = arith.constant 8191 : i32
      %and3A_173 = arith.andi %reduce_sum3A_167, %and3A_172 : i32
      %add3A_174 = arith.addi %mul3A_171, %and3A_173 : i32
      %shift_right_arithmetic3A_175 = arith.constant 13 : i32
      %shift_right_arithmetic3A_176 = arith.shrsi %reduce_sum3A_167, %shift_right_arithmetic3A_175 : i32
      %and3A_177 = arith.constant 1 : i32
      %and3A_178 = arith.andi %shift_right_arithmetic3A_176, %and3A_177 : i32
      %mul3A_179 = arith.constant 64 : i32
      %mul3A_180 = arith.muli %and3A_178, %mul3A_179 : i32
      %multiple_of3A_181 = tpu.assume_multiple %mul3A_180, 64 : i32
      %mul3A_182 = arith.constant 16 : i32
      %mul3A_183 = arith.muli %scan3A_9, %mul3A_182 : i32
      %add3A_184 = arith.constant 4 : i32
      %add3A_185 = arith.addi %mul3A_183, %add3A_184 : i32
      %dma_start3A_186 = arith.constant 0 : i32
      %dma_start3A_187 = tpu.memref_slice %arg6[%add3A_185, %dma_start3A_186] : memref<512x64xf32, #tpu.memory_space<vmem>> -> memref<1x64xf32, #tpu.memory_space<vmem>>
      %dma_start3A_188 = tpu.memref_squeeze %dma_start3A_187 : memref<1x64xf32, #tpu.memory_space<vmem>> -> memref<64xf32, #tpu.memory_space<vmem>>
      %dma_start3A_189 = tpu.memref_slice %arg3[%add3A_174, %multiple_of3A_181] : memref<507904x128xf32, #tpu.memory_space<hbm>> -> memref<1x64xf32, #tpu.memory_space<hbm>>
      %dma_start3A_190 = tpu.memref_squeeze %dma_start3A_189 : memref<1x64xf32, #tpu.memory_space<hbm>> -> memref<64xf32, #tpu.memory_space<hbm>>
      %dma_start3A_191 = arith.constant 0 : i32
      %dma_start3A_192 = tpu.memref_slice %arg6[%add3A_185, %dma_start3A_191] : memref<512x64xf32, #tpu.memory_space<vmem>> -> memref<1x64xf32, #tpu.memory_space<vmem>>
      %dma_start3A_193 = tpu.memref_squeeze %dma_start3A_192 : memref<1x64xf32, #tpu.memory_space<vmem>> -> memref<64xf32, #tpu.memory_space<vmem>>
      %dma_start3A_194 = tpu.memref_slice %arg3[%add3A_174, %multiple_of3A_181] : memref<507904x128xf32, #tpu.memory_space<hbm>> -> memref<1x64xf32, #tpu.memory_space<hbm>>
      %dma_start3A_195 = tpu.memref_squeeze %dma_start3A_194 : memref<1x64xf32, #tpu.memory_space<hbm>> -> memref<64xf32, #tpu.memory_space<hbm>>
      tpu.enqueue_dma source(%dma_start3A_195 : memref<64xf32, #tpu.memory_space<hbm>>) target(%dma_start3A_193 : memref<64xf32, #tpu.memory_space<vmem>>) target_semaphore(%arg7 : memref<!tpu.dma_semaphore, #tpu.memory_space<semaphore_mem>>)
      %eq3A_196 = arith.constant 5 : i32
      %eq3A_197 = vector.broadcast %eq3A_196 : i32 to vector<16xi32>
      %eq3A_198 = arith.cmpi eq, %iota3A, %eq3A_197 : vector<16xi32>
      %jit3A_199 = arith.constant 0 : i32
      %broadcast_in_dim3A_200 = vector.broadcast %jit3A_199 : i32 to vector<16xi32>
      %select_n3A_201 = arith.select %eq3A_198, %get3A_13, %broadcast_in_dim3A_200 : vector<16xi1>, vector<16xi32>
      %reduce_sum3A_202 = arith.constant true
      %reduce_sum3A_203 = vector.broadcast %reduce_sum3A_202 : i1 to vector<16xi1>
      %reduce_sum3A_204 = tpu.scan <sum>, %select_n3A_201 masked %reduce_sum3A_203 : vector<16xi32>, vector<16xi1> -> vector<16xi32>
      %reduce_sum3A_205 = vector.extract %reduce_sum3A_204[15] : i32 from vector<16xi32>
      %shift_right_arithmetic3A_206 = arith.constant 14 : i32
      %shift_right_arithmetic3A_207 = arith.shrsi %reduce_sum3A_205, %shift_right_arithmetic3A_206 : i32
      %mul3A_208 = arith.constant 8192 : i32
      %mul3A_209 = arith.muli %shift_right_arithmetic3A_207, %mul3A_208 : i32
      %and3A_210 = arith.constant 8191 : i32
      %and3A_211 = arith.andi %reduce_sum3A_205, %and3A_210 : i32
      %add3A_212 = arith.addi %mul3A_209, %and3A_211 : i32
      %shift_right_arithmetic3A_213 = arith.constant 13 : i32
      %shift_right_arithmetic3A_214 = arith.shrsi %reduce_sum3A_205, %shift_right_arithmetic3A_213 : i32
      %and3A_215 = arith.constant 1 : i32
      %and3A_216 = arith.andi %shift_right_arithmetic3A_214, %and3A_215 : i32
      %mul3A_217 = arith.constant 64 : i32
      %mul3A_218 = arith.muli %and3A_216, %mul3A_217 : i32
      %multiple_of3A_219 = tpu.assume_multiple %mul3A_218, 64 : i32
      %mul3A_220 = arith.constant 16 : i32
      %mul3A_221 = arith.muli %scan3A_9, %mul3A_220 : i32
      %add3A_222 = arith.constant 5 : i32
      %add3A_223 = arith.addi %mul3A_221, %add3A_222 : i32
      %dma_start3A_224 = arith.constant 0 : i32
      %dma_start3A_225 = tpu.memref_slice %arg6[%add3A_223, %dma_start3A_224] : memref<512x64xf32, #tpu.memory_space<vmem>> -> memref<1x64xf32, #tpu.memory_space<vmem>>
      %dma_start3A_226 = tpu.memref_squeeze %dma_start3A_225 : memref<1x64xf32, #tpu.memory_space<vmem>> -> memref<64xf32, #tpu.memory_space<vmem>>
      %dma_start3A_227 = tpu.memref_slice %arg3[%add3A_212, %multiple_of3A_219] : memref<507904x128xf32, #tpu.memory_space<hbm>> -> memref<1x64xf32, #tpu.memory_space<hbm>>
      %dma_start3A_228 = tpu.memref_squeeze %dma_start3A_227 : memref<1x64xf32, #tpu.memory_space<hbm>> -> memref<64xf32, #tpu.memory_space<hbm>>
      %dma_start3A_229 = arith.constant 0 : i32
      %dma_start3A_230 = tpu.memref_slice %arg6[%add3A_223, %dma_start3A_229] : memref<512x64xf32, #tpu.memory_space<vmem>> -> memref<1x64xf32, #tpu.memory_space<vmem>>
      %dma_start3A_231 = tpu.memref_squeeze %dma_start3A_230 : memref<1x64xf32, #tpu.memory_space<vmem>> -> memref<64xf32, #tpu.memory_space<vmem>>
      %dma_start3A_232 = tpu.memref_slice %arg3[%add3A_212, %multiple_of3A_219] : memref<507904x128xf32, #tpu.memory_space<hbm>> -> memref<1x64xf32, #tpu.memory_space<hbm>>
      %dma_start3A_233 = tpu.memref_squeeze %dma_start3A_232 : memref<1x64xf32, #tpu.memory_space<hbm>> -> memref<64xf32, #tpu.memory_space<hbm>>
      tpu.enqueue_dma source(%dma_start3A_233 : memref<64xf32, #tpu.memory_space<hbm>>) target(%dma_start3A_231 : memref<64xf32, #tpu.memory_space<vmem>>) target_semaphore(%arg7 : memref<!tpu.dma_semaphore, #tpu.memory_space<semaphore_mem>>)
      %eq3A_234 = arith.constant 6 : i32
      %eq3A_235 = vector.broadcast %eq3A_234 : i32 to vector<16xi32>
      %eq3A_236 = arith.cmpi eq, %iota3A, %eq3A_235 : vector<16xi32>
      %jit3A_237 = arith.constant 0 : i32
      %broadcast_in_dim3A_238 = vector.broadcast %jit3A_237 : i32 to vector<16xi32>
      %select_n3A_239 = arith.select %eq3A_236, %get3A_13, %broadcast_in_dim3A_238 : vector<16xi1>, vector<16xi32>
      %reduce_sum3A_240 = arith.constant true
      %reduce_sum3A_241 = vector.broadcast %reduce_sum3A_240 : i1 to vector<16xi1>
      %reduce_sum3A_242 = tpu.scan <sum>, %select_n3A_239 masked %reduce_sum3A_241 : vector<16xi32>, vector<16xi1> -> vector<16xi32>
      %reduce_sum3A_243 = vector.extract %reduce_sum3A_242[15] : i32 from vector<16xi32>
      %shift_right_arithmetic3A_244 = arith.constant 14 : i32
      %shift_right_arithmetic3A_245 = arith.shrsi %reduce_sum3A_243, %shift_right_arithmetic3A_244 : i32
      %mul3A_246 = arith.constant 8192 : i32
      %mul3A_247 = arith.muli %shift_right_arithmetic3A_245, %mul3A_246 : i32
      %and3A_248 = arith.constant 8191 : i32
      %and3A_249 = arith.andi %reduce_sum3A_243, %and3A_248 : i32
      %add3A_250 = arith.addi %mul3A_247, %and3A_249 : i32
      %shift_right_arithmetic3A_251 = arith.constant 13 : i32
      %shift_right_arithmetic3A_252 = arith.shrsi %reduce_sum3A_243, %shift_right_arithmetic3A_251 : i32
      %and3A_253 = arith.constant 1 : i32
      %and3A_254 = arith.andi %shift_right_arithmetic3A_252, %and3A_253 : i32
      %mul3A_255 = arith.constant 64 : i32
      %mul3A_256 = arith.muli %and3A_254, %mul3A_255 : i32
      %multiple_of3A_257 = tpu.assume_multiple %mul3A_256, 64 : i32
      %mul3A_258 = arith.constant 16 : i32
      %mul3A_259 = arith.muli %scan3A_9, %mul3A_258 : i32
      %add3A_260 = arith.constant 6 : i32
      %add3A_261 = arith.addi %mul3A_259, %add3A_260 : i32
      %dma_start3A_262 = arith.constant 0 : i32
      %dma_start3A_263 = tpu.memref_slice %arg6[%add3A_261, %dma_start3A_262] : memref<512x64xf32, #tpu.memory_space<vmem>> -> memref<1x64xf32, #tpu.memory_space<vmem>>
      %dma_start3A_264 = tpu.memref_squeeze %dma_start3A_263 : memref<1x64xf32, #tpu.memory_space<vmem>> -> memref<64xf32, #tpu.memory_space<vmem>>
      %dma_start3A_265 = tpu.memref_slice %arg3[%add3A_250, %multiple_of3A_257] : memref<507904x128xf32, #tpu.memory_space<hbm>> -> memref<1x64xf32, #tpu.memory_space<hbm>>
      %dma_start3A_266 = tpu.memref_squeeze %dma_start3A_265 : memref<1x64xf32, #tpu.memory_space<hbm>> -> memref<64xf32, #tpu.memory_space<hbm>>
      %dma_start3A_267 = arith.constant 0 : i32
      %dma_start3A_268 = tpu.memref_slice %arg6[%add3A_261, %dma_start3A_267] : memref<512x64xf32, #tpu.memory_space<vmem>> -> memref<1x64xf32, #tpu.memory_space<vmem>>
      %dma_start3A_269 = tpu.memref_squeeze %dma_start3A_268 : memref<1x64xf32, #tpu.memory_space<vmem>> -> memref<64xf32, #tpu.memory_space<vmem>>
      %dma_start3A_270 = tpu.memref_slice %arg3[%add3A_250, %multiple_of3A_257] : memref<507904x128xf32, #tpu.memory_space<hbm>> -> memref<1x64xf32, #tpu.memory_space<hbm>>
      %dma_start3A_271 = tpu.memref_squeeze %dma_start3A_270 : memref<1x64xf32, #tpu.memory_space<hbm>> -> memref<64xf32, #tpu.memory_space<hbm>>
      tpu.enqueue_dma source(%dma_start3A_271 : memref<64xf32, #tpu.memory_space<hbm>>) target(%dma_start3A_269 : memref<64xf32, #tpu.memory_space<vmem>>) target_semaphore(%arg7 : memref<!tpu.dma_semaphore, #tpu.memory_space<semaphore_mem>>)
      %eq3A_272 = arith.constant 7 : i32
      %eq3A_273 = vector.broadcast %eq3A_272 : i32 to vector<16xi32>
      %eq3A_274 = arith.cmpi eq, %iota3A, %eq3A_273 : vector<16xi32>
      %jit3A_275 = arith.constant 0 : i32
      %broadcast_in_dim3A_276 = vector.broadcast %jit3A_275 : i32 to vector<16xi32>
      %select_n3A_277 = arith.select %eq3A_274, %get3A_13, %broadcast_in_dim3A_276 : vector<16xi1>, vector<16xi32>
      %reduce_sum3A_278 = arith.constant true
      %reduce_sum3A_279 = vector.broadcast %reduce_sum3A_278 : i1 to vector<16xi1>
      %reduce_sum3A_280 = tpu.scan <sum>, %select_n3A_277 masked %reduce_sum3A_279 : vector<16xi32>, vector<16xi1> -> vector<16xi32>
      %reduce_sum3A_281 = vector.extract %reduce_sum3A_280[15] : i32 from vector<16xi32>
      %shift_right_arithmetic3A_282 = arith.constant 14 : i32
      %shift_right_arithmetic3A_283 = arith.shrsi %reduce_sum3A_281, %shift_right_arithmetic3A_282 : i32
      %mul3A_284 = arith.constant 8192 : i32
      %mul3A_285 = arith.muli %shift_right_arithmetic3A_283, %mul3A_284 : i32
      %and3A_286 = arith.constant 8191 : i32
      %and3A_287 = arith.andi %reduce_sum3A_281, %and3A_286 : i32
      %add3A_288 = arith.addi %mul3A_285, %and3A_287 : i32
      %shift_right_arithmetic3A_289 = arith.constant 13 : i32
      %shift_right_arithmetic3A_290 = arith.shrsi %reduce_sum3A_281, %shift_right_arithmetic3A_289 : i32
      %and3A_291 = arith.constant 1 : i32
      %and3A_292 = arith.andi %shift_right_arithmetic3A_290, %and3A_291 : i32
      %mul3A_293 = arith.constant 64 : i32
      %mul3A_294 = arith.muli %and3A_292, %mul3A_293 : i32
      %multiple_of3A_295 = tpu.assume_multiple %mul3A_294, 64 : i32
      %mul3A_296 = arith.constant 16 : i32
      %mul3A_297 = arith.muli %scan3A_9, %mul3A_296 : i32
      %add3A_298 = arith.constant 7 : i32
      %add3A_299 = arith.addi %mul3A_297, %add3A_298 : i32
      %dma_start3A_300 = arith.constant 0 : i32
      %dma_start3A_301 = tpu.memref_slice %arg6[%add3A_299, %dma_start3A_300] : memref<512x64xf32, #tpu.memory_space<vmem>> -> memref<1x64xf32, #tpu.memory_space<vmem>>
      %dma_start3A_302 = tpu.memref_squeeze %dma_start3A_301 : memref<1x64xf32, #tpu.memory_space<vmem>> -> memref<64xf32, #tpu.memory_space<vmem>>
      %dma_start3A_303 = tpu.memref_slice %arg3[%add3A_288, %multiple_of3A_295] : memref<507904x128xf32, #tpu.memory_space<hbm>> -> memref<1x64xf32, #tpu.memory_space<hbm>>
      %dma_start3A_304 = tpu.memref_squeeze %dma_start3A_303 : memref<1x64xf32, #tpu.memory_space<hbm>> -> memref<64xf32, #tpu.memory_space<hbm>>
      %dma_start3A_305 = arith.constant 0 : i32
      %dma_start3A_306 = tpu.memref_slice %arg6[%add3A_299, %dma_start3A_305] : memref<512x64xf32, #tpu.memory_space<vmem>> -> memref<1x64xf32, #tpu.memory_space<vmem>>
      %dma_start3A_307 = tpu.memref_squeeze %dma_start3A_306 : memref<1x64xf32, #tpu.memory_space<vmem>> -> memref<64xf32, #tpu.memory_space<vmem>>
      %dma_start3A_308 = tpu.memref_slice %arg3[%add3A_288, %multiple_of3A_295] : memref<507904x128xf32, #tpu.memory_space<hbm>> -> memref<1x64xf32, #tpu.memory_space<hbm>>
      %dma_start3A_309 = tpu.memref_squeeze %dma_start3A_308 : memref<1x64xf32, #tpu.memory_space<hbm>> -> memref<64xf32, #tpu.memory_space<hbm>>
      tpu.enqueue_dma source(%dma_start3A_309 : memref<64xf32, #tpu.memory_space<hbm>>) target(%dma_start3A_307 : memref<64xf32, #tpu.memory_space<vmem>>) target_semaphore(%arg7 : memref<!tpu.dma_semaphore, #tpu.memory_space<semaphore_mem>>)
      %eq3A_310 = arith.constant 8 : i32
      %eq3A_311 = vector.broadcast %eq3A_310 : i32 to vector<16xi32>
      %eq3A_312 = arith.cmpi eq, %iota3A, %eq3A_311 : vector<16xi32>
      %jit3A_313 = arith.constant 0 : i32
      %broadcast_in_dim3A_314 = vector.broadcast %jit3A_313 : i32 to vector<16xi32>
      %select_n3A_315 = arith.select %eq3A_312, %get3A_13, %broadcast_in_dim3A_314 : vector<16xi1>, vector<16xi32>
      %reduce_sum3A_316 = arith.constant true
      %reduce_sum3A_317 = vector.broadcast %reduce_sum3A_316 : i1 to vector<16xi1>
      %reduce_sum3A_318 = tpu.scan <sum>, %select_n3A_315 masked %reduce_sum3A_317 : vector<16xi32>, vector<16xi1> -> vector<16xi32>
      %reduce_sum3A_319 = vector.extract %reduce_sum3A_318[15] : i32 from vector<16xi32>
      %shift_right_arithmetic3A_320 = arith.constant 14 : i32
      %shift_right_arithmetic3A_321 = arith.shrsi %reduce_sum3A_319, %shift_right_arithmetic3A_320 : i32
      %mul3A_322 = arith.constant 8192 : i32
      %mul3A_323 = arith.muli %shift_right_arithmetic3A_321, %mul3A_322 : i32
      %and3A_324 = arith.constant 8191 : i32
      %and3A_325 = arith.andi %reduce_sum3A_319, %and3A_324 : i32
      %add3A_326 = arith.addi %mul3A_323, %and3A_325 : i32
      %shift_right_arithmetic3A_327 = arith.constant 13 : i32
      %shift_right_arithmetic3A_328 = arith.shrsi %reduce_sum3A_319, %shift_right_arithmetic3A_327 : i32
      %and3A_329 = arith.constant 1 : i32
      %and3A_330 = arith.andi %shift_right_arithmetic3A_328, %and3A_329 : i32
      %mul3A_331 = arith.constant 64 : i32
      %mul3A_332 = arith.muli %and3A_330, %mul3A_331 : i32
      %multiple_of3A_333 = tpu.assume_multiple %mul3A_332, 64 : i32
      %mul3A_334 = arith.constant 16 : i32
      %mul3A_335 = arith.muli %scan3A_9, %mul3A_334 : i32
      %add3A_336 = arith.constant 8 : i32
      %add3A_337 = arith.addi %mul3A_335, %add3A_336 : i32
      %dma_start3A_338 = arith.constant 0 : i32
      %dma_start3A_339 = tpu.memref_slice %arg6[%add3A_337, %dma_start3A_338] : memref<512x64xf32, #tpu.memory_space<vmem>> -> memref<1x64xf32, #tpu.memory_space<vmem>>
      %dma_start3A_340 = tpu.memref_squeeze %dma_start3A_339 : memref<1x64xf32, #tpu.memory_space<vmem>> -> memref<64xf32, #tpu.memory_space<vmem>>
      %dma_start3A_341 = tpu.memref_slice %arg3[%add3A_326, %multiple_of3A_333] : memref<507904x128xf32, #tpu.memory_space<hbm>> -> memref<1x64xf32, #tpu.memory_space<hbm>>
      %dma_start3A_342 = tpu.memref_squeeze %dma_start3A_341 : memref<1x64xf32, #tpu.memory_space<hbm>> -> memref<64xf32, #tpu.memory_space<hbm>>
      %dma_start3A_343 = arith.constant 0 : i32
      %dma_start3A_344 = tpu.memref_slice %arg6[%add3A_337, %dma_start3A_343] : memref<512x64xf32, #tpu.memory_space<vmem>> -> memref<1x64xf32, #tpu.memory_space<vmem>>
      %dma_start3A_345 = tpu.memref_squeeze %dma_start3A_344 : memref<1x64xf32, #tpu.memory_space<vmem>> -> memref<64xf32, #tpu.memory_space<vmem>>
      %dma_start3A_346 = tpu.memref_slice %arg3[%add3A_326, %multiple_of3A_333] : memref<507904x128xf32, #tpu.memory_space<hbm>> -> memref<1x64xf32, #tpu.memory_space<hbm>>
      %dma_start3A_347 = tpu.memref_squeeze %dma_start3A_346 : memref<1x64xf32, #tpu.memory_space<hbm>> -> memref<64xf32, #tpu.memory_space<hbm>>
      tpu.enqueue_dma source(%dma_start3A_347 : memref<64xf32, #tpu.memory_space<hbm>>) target(%dma_start3A_345 : memref<64xf32, #tpu.memory_space<vmem>>) target_semaphore(%arg7 : memref<!tpu.dma_semaphore, #tpu.memory_space<semaphore_mem>>)
      %eq3A_348 = arith.constant 9 : i32
      %eq3A_349 = vector.broadcast %eq3A_348 : i32 to vector<16xi32>
      %eq3A_350 = arith.cmpi eq, %iota3A, %eq3A_349 : vector<16xi32>
      %jit3A_351 = arith.constant 0 : i32
      %broadcast_in_dim3A_352 = vector.broadcast %jit3A_351 : i32 to vector<16xi32>
      %select_n3A_353 = arith.select %eq3A_350, %get3A_13, %broadcast_in_dim3A_352 : vector<16xi1>, vector<16xi32>
      %reduce_sum3A_354 = arith.constant true
      %reduce_sum3A_355 = vector.broadcast %reduce_sum3A_354 : i1 to vector<16xi1>
      %reduce_sum3A_356 = tpu.scan <sum>, %select_n3A_353 masked %reduce_sum3A_355 : vector<16xi32>, vector<16xi1> -> vector<16xi32>
      %reduce_sum3A_357 = vector.extract %reduce_sum3A_356[15] : i32 from vector<16xi32>
      %shift_right_arithmetic3A_358 = arith.constant 14 : i32
      %shift_right_arithmetic3A_359 = arith.shrsi %reduce_sum3A_357, %shift_right_arithmetic3A_358 : i32
      %mul3A_360 = arith.constant 8192 : i32
      %mul3A_361 = arith.muli %shift_right_arithmetic3A_359, %mul3A_360 : i32
      %and3A_362 = arith.constant 8191 : i32
      %and3A_363 = arith.andi %reduce_sum3A_357, %and3A_362 : i32
      %add3A_364 = arith.addi %mul3A_361, %and3A_363 : i32
      %shift_right_arithmetic3A_365 = arith.constant 13 : i32
      %shift_right_arithmetic3A_366 = arith.shrsi %reduce_sum3A_357, %shift_right_arithmetic3A_365 : i32
      %and3A_367 = arith.constant 1 : i32
      %and3A_368 = arith.andi %shift_right_arithmetic3A_366, %and3A_367 : i32
      %mul3A_369 = arith.constant 64 : i32
      %mul3A_370 = arith.muli %and3A_368, %mul3A_369 : i32
      %multiple_of3A_371 = tpu.assume_multiple %mul3A_370, 64 : i32
      %mul3A_372 = arith.constant 16 : i32
      %mul3A_373 = arith.muli %scan3A_9, %mul3A_372 : i32
      %add3A_374 = arith.constant 9 : i32
      %add3A_375 = arith.addi %mul3A_373, %add3A_374 : i32
      %dma_start3A_376 = arith.constant 0 : i32
      %dma_start3A_377 = tpu.memref_slice %arg6[%add3A_375, %dma_start3A_376] : memref<512x64xf32, #tpu.memory_space<vmem>> -> memref<1x64xf32, #tpu.memory_space<vmem>>
      %dma_start3A_378 = tpu.memref_squeeze %dma_start3A_377 : memref<1x64xf32, #tpu.memory_space<vmem>> -> memref<64xf32, #tpu.memory_space<vmem>>
      %dma_start3A_379 = tpu.memref_slice %arg3[%add3A_364, %multiple_of3A_371] : memref<507904x128xf32, #tpu.memory_space<hbm>> -> memref<1x64xf32, #tpu.memory_space<hbm>>
      %dma_start3A_380 = tpu.memref_squeeze %dma_start3A_379 : memref<1x64xf32, #tpu.memory_space<hbm>> -> memref<64xf32, #tpu.memory_space<hbm>>
      %dma_start3A_381 = arith.constant 0 : i32
      %dma_start3A_382 = tpu.memref_slice %arg6[%add3A_375, %dma_start3A_381] : memref<512x64xf32, #tpu.memory_space<vmem>> -> memref<1x64xf32, #tpu.memory_space<vmem>>
      %dma_start3A_383 = tpu.memref_squeeze %dma_start3A_382 : memref<1x64xf32, #tpu.memory_space<vmem>> -> memref<64xf32, #tpu.memory_space<vmem>>
      %dma_start3A_384 = tpu.memref_slice %arg3[%add3A_364, %multiple_of3A_371] : memref<507904x128xf32, #tpu.memory_space<hbm>> -> memref<1x64xf32, #tpu.memory_space<hbm>>
      %dma_start3A_385 = tpu.memref_squeeze %dma_start3A_384 : memref<1x64xf32, #tpu.memory_space<hbm>> -> memref<64xf32, #tpu.memory_space<hbm>>
      tpu.enqueue_dma source(%dma_start3A_385 : memref<64xf32, #tpu.memory_space<hbm>>) target(%dma_start3A_383 : memref<64xf32, #tpu.memory_space<vmem>>) target_semaphore(%arg7 : memref<!tpu.dma_semaphore, #tpu.memory_space<semaphore_mem>>)
      %eq3A_386 = arith.constant 10 : i32
      %eq3A_387 = vector.broadcast %eq3A_386 : i32 to vector<16xi32>
      %eq3A_388 = arith.cmpi eq, %iota3A, %eq3A_387 : vector<16xi32>
      %jit3A_389 = arith.constant 0 : i32
      %broadcast_in_dim3A_390 = vector.broadcast %jit3A_389 : i32 to vector<16xi32>
      %select_n3A_391 = arith.select %eq3A_388, %get3A_13, %broadcast_in_dim3A_390 : vector<16xi1>, vector<16xi32>
      %reduce_sum3A_392 = arith.constant true
      %reduce_sum3A_393 = vector.broadcast %reduce_sum3A_392 : i1 to vector<16xi1>
      %reduce_sum3A_394 = tpu.scan <sum>, %select_n3A_391 masked %reduce_sum3A_393 : vector<16xi32>, vector<16xi1> -> vector<16xi32>
      %reduce_sum3A_395 = vector.extract %reduce_sum3A_394[15] : i32 from vector<16xi32>
      %shift_right_arithmetic3A_396 = arith.constant 14 : i32
      %shift_right_arithmetic3A_397 = arith.shrsi %reduce_sum3A_395, %shift_right_arithmetic3A_396 : i32
      %mul3A_398 = arith.constant 8192 : i32
      %mul3A_399 = arith.muli %shift_right_arithmetic3A_397, %mul3A_398 : i32
      %and3A_400 = arith.constant 8191 : i32
      %and3A_401 = arith.andi %reduce_sum3A_395, %and3A_400 : i32
      %add3A_402 = arith.addi %mul3A_399, %and3A_401 : i32
      %shift_right_arithmetic3A_403 = arith.constant 13 : i32
      %shift_right_arithmetic3A_404 = arith.shrsi %reduce_sum3A_395, %shift_right_arithmetic3A_403 : i32
      %and3A_405 = arith.constant 1 : i32
      %and3A_406 = arith.andi %shift_right_arithmetic3A_404, %and3A_405 : i32
      %mul3A_407 = arith.constant 64 : i32
      %mul3A_408 = arith.muli %and3A_406, %mul3A_407 : i32
      %multiple_of3A_409 = tpu.assume_multiple %mul3A_408, 64 : i32
      %mul3A_410 = arith.constant 16 : i32
      %mul3A_411 = arith.muli %scan3A_9, %mul3A_410 : i32
      %add3A_412 = arith.constant 10 : i32
      %add3A_413 = arith.addi %mul3A_411, %add3A_412 : i32
      %dma_start3A_414 = arith.constant 0 : i32
      %dma_start3A_415 = tpu.memref_slice %arg6[%add3A_413, %dma_start3A_414] : memref<512x64xf32, #tpu.memory_space<vmem>> -> memref<1x64xf32, #tpu.memory_space<vmem>>
      %dma_start3A_416 = tpu.memref_squeeze %dma_start3A_415 : memref<1x64xf32, #tpu.memory_space<vmem>> -> memref<64xf32, #tpu.memory_space<vmem>>
      %dma_start3A_417 = tpu.memref_slice %arg3[%add3A_402, %multiple_of3A_409] : memref<507904x128xf32, #tpu.memory_space<hbm>> -> memref<1x64xf32, #tpu.memory_space<hbm>>
      %dma_start3A_418 = tpu.memref_squeeze %dma_start3A_417 : memref<1x64xf32, #tpu.memory_space<hbm>> -> memref<64xf32, #tpu.memory_space<hbm>>
      %dma_start3A_419 = arith.constant 0 : i32
      %dma_start3A_420 = tpu.memref_slice %arg6[%add3A_413, %dma_start3A_419] : memref<512x64xf32, #tpu.memory_space<vmem>> -> memref<1x64xf32, #tpu.memory_space<vmem>>
      %dma_start3A_421 = tpu.memref_squeeze %dma_start3A_420 : memref<1x64xf32, #tpu.memory_space<vmem>> -> memref<64xf32, #tpu.memory_space<vmem>>
      %dma_start3A_422 = tpu.memref_slice %arg3[%add3A_402, %multiple_of3A_409] : memref<507904x128xf32, #tpu.memory_space<hbm>> -> memref<1x64xf32, #tpu.memory_space<hbm>>
      %dma_start3A_423 = tpu.memref_squeeze %dma_start3A_422 : memref<1x64xf32, #tpu.memory_space<hbm>> -> memref<64xf32, #tpu.memory_space<hbm>>
      tpu.enqueue_dma source(%dma_start3A_423 : memref<64xf32, #tpu.memory_space<hbm>>) target(%dma_start3A_421 : memref<64xf32, #tpu.memory_space<vmem>>) target_semaphore(%arg7 : memref<!tpu.dma_semaphore, #tpu.memory_space<semaphore_mem>>)
      %eq3A_424 = arith.constant 11 : i32
      %eq3A_425 = vector.broadcast %eq3A_424 : i32 to vector<16xi32>
      %eq3A_426 = arith.cmpi eq, %iota3A, %eq3A_425 : vector<16xi32>
      %jit3A_427 = arith.constant 0 : i32
      %broadcast_in_dim3A_428 = vector.broadcast %jit3A_427 : i32 to vector<16xi32>
      %select_n3A_429 = arith.select %eq3A_426, %get3A_13, %broadcast_in_dim3A_428 : vector<16xi1>, vector<16xi32>
      %reduce_sum3A_430 = arith.constant true
      %reduce_sum3A_431 = vector.broadcast %reduce_sum3A_430 : i1 to vector<16xi1>
      %reduce_sum3A_432 = tpu.scan <sum>, %select_n3A_429 masked %reduce_sum3A_431 : vector<16xi32>, vector<16xi1> -> vector<16xi32>
      %reduce_sum3A_433 = vector.extract %reduce_sum3A_432[15] : i32 from vector<16xi32>
      %shift_right_arithmetic3A_434 = arith.constant 14 : i32
      %shift_right_arithmetic3A_435 = arith.shrsi %reduce_sum3A_433, %shift_right_arithmetic3A_434 : i32
      %mul3A_436 = arith.constant 8192 : i32
      %mul3A_437 = arith.muli %shift_right_arithmetic3A_435, %mul3A_436 : i32
      %and3A_438 = arith.constant 8191 : i32
      %and3A_439 = arith.andi %reduce_sum3A_433, %and3A_438 : i32
      %add3A_440 = arith.addi %mul3A_437, %and3A_439 : i32
      %shift_right_arithmetic3A_441 = arith.constant 13 : i32
      %shift_right_arithmetic3A_442 = arith.shrsi %reduce_sum3A_433, %shift_right_arithmetic3A_441 : i32
      %and3A_443 = arith.constant 1 : i32
      %and3A_444 = arith.andi %shift_right_arithmetic3A_442, %and3A_443 : i32
      %mul3A_445 = arith.constant 64 : i32
      %mul3A_446 = arith.muli %and3A_444, %mul3A_445 : i32
      %multiple_of3A_447 = tpu.assume_multiple %mul3A_446, 64 : i32
      %mul3A_448 = arith.constant 16 : i32
      %mul3A_449 = arith.muli %scan3A_9, %mul3A_448 : i32
      %add3A_450 = arith.constant 11 : i32
      %add3A_451 = arith.addi %mul3A_449, %add3A_450 : i32
      %dma_start3A_452 = arith.constant 0 : i32
      %dma_start3A_453 = tpu.memref_slice %arg6[%add3A_451, %dma_start3A_452] : memref<512x64xf32, #tpu.memory_space<vmem>> -> memref<1x64xf32, #tpu.memory_space<vmem>>
      %dma_start3A_454 = tpu.memref_squeeze %dma_start3A_453 : memref<1x64xf32, #tpu.memory_space<vmem>> -> memref<64xf32, #tpu.memory_space<vmem>>
      %dma_start3A_455 = tpu.memref_slice %arg3[%add3A_440, %multiple_of3A_447] : memref<507904x128xf32, #tpu.memory_space<hbm>> -> memref<1x64xf32, #tpu.memory_space<hbm>>
      %dma_start3A_456 = tpu.memref_squeeze %dma_start3A_455 : memref<1x64xf32, #tpu.memory_space<hbm>> -> memref<64xf32, #tpu.memory_space<hbm>>
      %dma_start3A_457 = arith.constant 0 : i32
      %dma_start3A_458 = tpu.memref_slice %arg6[%add3A_451, %dma_start3A_457] : memref<512x64xf32, #tpu.memory_space<vmem>> -> memref<1x64xf32, #tpu.memory_space<vmem>>
      %dma_start3A_459 = tpu.memref_squeeze %dma_start3A_458 : memref<1x64xf32, #tpu.memory_space<vmem>> -> memref<64xf32, #tpu.memory_space<vmem>>
      %dma_start3A_460 = tpu.memref_slice %arg3[%add3A_440, %multiple_of3A_447] : memref<507904x128xf32, #tpu.memory_space<hbm>> -> memref<1x64xf32, #tpu.memory_space<hbm>>
      %dma_start3A_461 = tpu.memref_squeeze %dma_start3A_460 : memref<1x64xf32, #tpu.memory_space<hbm>> -> memref<64xf32, #tpu.memory_space<hbm>>
      tpu.enqueue_dma source(%dma_start3A_461 : memref<64xf32, #tpu.memory_space<hbm>>) target(%dma_start3A_459 : memref<64xf32, #tpu.memory_space<vmem>>) target_semaphore(%arg7 : memref<!tpu.dma_semaphore, #tpu.memory_space<semaphore_mem>>)
      %eq3A_462 = arith.constant 12 : i32
      %eq3A_463 = vector.broadcast %eq3A_462 : i32 to vector<16xi32>
      %eq3A_464 = arith.cmpi eq, %iota3A, %eq3A_463 : vector<16xi32>
      %jit3A_465 = arith.constant 0 : i32
      %broadcast_in_dim3A_466 = vector.broadcast %jit3A_465 : i32 to vector<16xi32>
      %select_n3A_467 = arith.select %eq3A_464, %get3A_13, %broadcast_in_dim3A_466 : vector<16xi1>, vector<16xi32>
      %reduce_sum3A_468 = arith.constant true
      %reduce_sum3A_469 = vector.broadcast %reduce_sum3A_468 : i1 to vector<16xi1>
      %reduce_sum3A_470 = tpu.scan <sum>, %select_n3A_467 masked %reduce_sum3A_469 : vector<16xi32>, vector<16xi1> -> vector<16xi32>
      %reduce_sum3A_471 = vector.extract %reduce_sum3A_470[15] : i32 from vector<16xi32>
      %shift_right_arithmetic3A_472 = arith.constant 14 : i32
      %shift_right_arithmetic3A_473 = arith.shrsi %reduce_sum3A_471, %shift_right_arithmetic3A_472 : i32
      %mul3A_474 = arith.constant 8192 : i32
      %mul3A_475 = arith.muli %shift_right_arithmetic3A_473, %mul3A_474 : i32
      %and3A_476 = arith.constant 8191 : i32
      %and3A_477 = arith.andi %reduce_sum3A_471, %and3A_476 : i32
      %add3A_478 = arith.addi %mul3A_475, %and3A_477 : i32
      %shift_right_arithmetic3A_479 = arith.constant 13 : i32
      %shift_right_arithmetic3A_480 = arith.shrsi %reduce_sum3A_471, %shift_right_arithmetic3A_479 : i32
      %and3A_481 = arith.constant 1 : i32
      %and3A_482 = arith.andi %shift_right_arithmetic3A_480, %and3A_481 : i32
      %mul3A_483 = arith.constant 64 : i32
      %mul3A_484 = arith.muli %and3A_482, %mul3A_483 : i32
      %multiple_of3A_485 = tpu.assume_multiple %mul3A_484, 64 : i32
      %mul3A_486 = arith.constant 16 : i32
      %mul3A_487 = arith.muli %scan3A_9, %mul3A_486 : i32
      %add3A_488 = arith.constant 12 : i32
      %add3A_489 = arith.addi %mul3A_487, %add3A_488 : i32
      %dma_start3A_490 = arith.constant 0 : i32
      %dma_start3A_491 = tpu.memref_slice %arg6[%add3A_489, %dma_start3A_490] : memref<512x64xf32, #tpu.memory_space<vmem>> -> memref<1x64xf32, #tpu.memory_space<vmem>>
      %dma_start3A_492 = tpu.memref_squeeze %dma_start3A_491 : memref<1x64xf32, #tpu.memory_space<vmem>> -> memref<64xf32, #tpu.memory_space<vmem>>
      %dma_start3A_493 = tpu.memref_slice %arg3[%add3A_478, %multiple_of3A_485] : memref<507904x128xf32, #tpu.memory_space<hbm>> -> memref<1x64xf32, #tpu.memory_space<hbm>>
      %dma_start3A_494 = tpu.memref_squeeze %dma_start3A_493 : memref<1x64xf32, #tpu.memory_space<hbm>> -> memref<64xf32, #tpu.memory_space<hbm>>
      %dma_start3A_495 = arith.constant 0 : i32
      %dma_start3A_496 = tpu.memref_slice %arg6[%add3A_489, %dma_start3A_495] : memref<512x64xf32, #tpu.memory_space<vmem>> -> memref<1x64xf32, #tpu.memory_space<vmem>>
      %dma_start3A_497 = tpu.memref_squeeze %dma_start3A_496 : memref<1x64xf32, #tpu.memory_space<vmem>> -> memref<64xf32, #tpu.memory_space<vmem>>
      %dma_start3A_498 = tpu.memref_slice %arg3[%add3A_478, %multiple_of3A_485] : memref<507904x128xf32, #tpu.memory_space<hbm>> -> memref<1x64xf32, #tpu.memory_space<hbm>>
      %dma_start3A_499 = tpu.memref_squeeze %dma_start3A_498 : memref<1x64xf32, #tpu.memory_space<hbm>> -> memref<64xf32, #tpu.memory_space<hbm>>
      tpu.enqueue_dma source(%dma_start3A_499 : memref<64xf32, #tpu.memory_space<hbm>>) target(%dma_start3A_497 : memref<64xf32, #tpu.memory_space<vmem>>) target_semaphore(%arg7 : memref<!tpu.dma_semaphore, #tpu.memory_space<semaphore_mem>>)
      %eq3A_500 = arith.constant 13 : i32
      %eq3A_501 = vector.broadcast %eq3A_500 : i32 to vector<16xi32>
      %eq3A_502 = arith.cmpi eq, %iota3A, %eq3A_501 : vector<16xi32>
      %jit3A_503 = arith.constant 0 : i32
      %broadcast_in_dim3A_504 = vector.broadcast %jit3A_503 : i32 to vector<16xi32>
      %select_n3A_505 = arith.select %eq3A_502, %get3A_13, %broadcast_in_dim3A_504 : vector<16xi1>, vector<16xi32>
      %reduce_sum3A_506 = arith.constant true
      %reduce_sum3A_507 = vector.broadcast %reduce_sum3A_506 : i1 to vector<16xi1>
      %reduce_sum3A_508 = tpu.scan <sum>, %select_n3A_505 masked %reduce_sum3A_507 : vector<16xi32>, vector<16xi1> -> vector<16xi32>
      %reduce_sum3A_509 = vector.extract %reduce_sum3A_508[15] : i32 from vector<16xi32>
      %shift_right_arithmetic3A_510 = arith.constant 14 : i32
      %shift_right_arithmetic3A_511 = arith.shrsi %reduce_sum3A_509, %shift_right_arithmetic3A_510 : i32
      %mul3A_512 = arith.constant 8192 : i32
      %mul3A_513 = arith.muli %shift_right_arithmetic3A_511, %mul3A_512 : i32
      %and3A_514 = arith.constant 8191 : i32
      %and3A_515 = arith.andi %reduce_sum3A_509, %and3A_514 : i32
      %add3A_516 = arith.addi %mul3A_513, %and3A_515 : i32
      %shift_right_arithmetic3A_517 = arith.constant 13 : i32
      %shift_right_arithmetic3A_518 = arith.shrsi %reduce_sum3A_509, %shift_right_arithmetic3A_517 : i32
      %and3A_519 = arith.constant 1 : i32
      %and3A_520 = arith.andi %shift_right_arithmetic3A_518, %and3A_519 : i32
      %mul3A_521 = arith.constant 64 : i32
      %mul3A_522 = arith.muli %and3A_520, %mul3A_521 : i32
      %multiple_of3A_523 = tpu.assume_multiple %mul3A_522, 64 : i32
      %mul3A_524 = arith.constant 16 : i32
      %mul3A_525 = arith.muli %scan3A_9, %mul3A_524 : i32
      %add3A_526 = arith.constant 13 : i32
      %add3A_527 = arith.addi %mul3A_525, %add3A_526 : i32
      %dma_start3A_528 = arith.constant 0 : i32
      %dma_start3A_529 = tpu.memref_slice %arg6[%add3A_527, %dma_start3A_528] : memref<512x64xf32, #tpu.memory_space<vmem>> -> memref<1x64xf32, #tpu.memory_space<vmem>>
      %dma_start3A_530 = tpu.memref_squeeze %dma_start3A_529 : memref<1x64xf32, #tpu.memory_space<vmem>> -> memref<64xf32, #tpu.memory_space<vmem>>
      %dma_start3A_531 = tpu.memref_slice %arg3[%add3A_516, %multiple_of3A_523] : memref<507904x128xf32, #tpu.memory_space<hbm>> -> memref<1x64xf32, #tpu.memory_space<hbm>>
      %dma_start3A_532 = tpu.memref_squeeze %dma_start3A_531 : memref<1x64xf32, #tpu.memory_space<hbm>> -> memref<64xf32, #tpu.memory_space<hbm>>
      %dma_start3A_533 = arith.constant 0 : i32
      %dma_start3A_534 = tpu.memref_slice %arg6[%add3A_527, %dma_start3A_533] : memref<512x64xf32, #tpu.memory_space<vmem>> -> memref<1x64xf32, #tpu.memory_space<vmem>>
      %dma_start3A_535 = tpu.memref_squeeze %dma_start3A_534 : memref<1x64xf32, #tpu.memory_space<vmem>> -> memref<64xf32, #tpu.memory_space<vmem>>
      %dma_start3A_536 = tpu.memref_slice %arg3[%add3A_516, %multiple_of3A_523] : memref<507904x128xf32, #tpu.memory_space<hbm>> -> memref<1x64xf32, #tpu.memory_space<hbm>>
      %dma_start3A_537 = tpu.memref_squeeze %dma_start3A_536 : memref<1x64xf32, #tpu.memory_space<hbm>> -> memref<64xf32, #tpu.memory_space<hbm>>
      tpu.enqueue_dma source(%dma_start3A_537 : memref<64xf32, #tpu.memory_space<hbm>>) target(%dma_start3A_535 : memref<64xf32, #tpu.memory_space<vmem>>) target_semaphore(%arg7 : memref<!tpu.dma_semaphore, #tpu.memory_space<semaphore_mem>>)
      %eq3A_538 = arith.constant 14 : i32
      %eq3A_539 = vector.broadcast %eq3A_538 : i32 to vector<16xi32>
      %eq3A_540 = arith.cmpi eq, %iota3A, %eq3A_539 : vector<16xi32>
      %jit3A_541 = arith.constant 0 : i32
      %broadcast_in_dim3A_542 = vector.broadcast %jit3A_541 : i32 to vector<16xi32>
      %select_n3A_543 = arith.select %eq3A_540, %get3A_13, %broadcast_in_dim3A_542 : vector<16xi1>, vector<16xi32>
      %reduce_sum3A_544 = arith.constant true
      %reduce_sum3A_545 = vector.broadcast %reduce_sum3A_544 : i1 to vector<16xi1>
      %reduce_sum3A_546 = tpu.scan <sum>, %select_n3A_543 masked %reduce_sum3A_545 : vector<16xi32>, vector<16xi1> -> vector<16xi32>
      %reduce_sum3A_547 = vector.extract %reduce_sum3A_546[15] : i32 from vector<16xi32>
      %shift_right_arithmetic3A_548 = arith.constant 14 : i32
      %shift_right_arithmetic3A_549 = arith.shrsi %reduce_sum3A_547, %shift_right_arithmetic3A_548 : i32
      %mul3A_550 = arith.constant 8192 : i32
      %mul3A_551 = arith.muli %shift_right_arithmetic3A_549, %mul3A_550 : i32
      %and3A_552 = arith.constant 8191 : i32
      %and3A_553 = arith.andi %reduce_sum3A_547, %and3A_552 : i32
      %add3A_554 = arith.addi %mul3A_551, %and3A_553 : i32
      %shift_right_arithmetic3A_555 = arith.constant 13 : i32
      %shift_right_arithmetic3A_556 = arith.shrsi %reduce_sum3A_547, %shift_right_arithmetic3A_555 : i32
      %and3A_557 = arith.constant 1 : i32
      %and3A_558 = arith.andi %shift_right_arithmetic3A_556, %and3A_557 : i32
      %mul3A_559 = arith.constant 64 : i32
      %mul3A_560 = arith.muli %and3A_558, %mul3A_559 : i32
      %multiple_of3A_561 = tpu.assume_multiple %mul3A_560, 64 : i32
      %mul3A_562 = arith.constant 16 : i32
      %mul3A_563 = arith.muli %scan3A_9, %mul3A_562 : i32
      %add3A_564 = arith.constant 14 : i32
      %add3A_565 = arith.addi %mul3A_563, %add3A_564 : i32
      %dma_start3A_566 = arith.constant 0 : i32
      %dma_start3A_567 = tpu.memref_slice %arg6[%add3A_565, %dma_start3A_566] : memref<512x64xf32, #tpu.memory_space<vmem>> -> memref<1x64xf32, #tpu.memory_space<vmem>>
      %dma_start3A_568 = tpu.memref_squeeze %dma_start3A_567 : memref<1x64xf32, #tpu.memory_space<vmem>> -> memref<64xf32, #tpu.memory_space<vmem>>
      %dma_start3A_569 = tpu.memref_slice %arg3[%add3A_554, %multiple_of3A_561] : memref<507904x128xf32, #tpu.memory_space<hbm>> -> memref<1x64xf32, #tpu.memory_space<hbm>>
      %dma_start3A_570 = tpu.memref_squeeze %dma_start3A_569 : memref<1x64xf32, #tpu.memory_space<hbm>> -> memref<64xf32, #tpu.memory_space<hbm>>
      %dma_start3A_571 = arith.constant 0 : i32
      %dma_start3A_572 = tpu.memref_slice %arg6[%add3A_565, %dma_start3A_571] : memref<512x64xf32, #tpu.memory_space<vmem>> -> memref<1x64xf32, #tpu.memory_space<vmem>>
      %dma_start3A_573 = tpu.memref_squeeze %dma_start3A_572 : memref<1x64xf32, #tpu.memory_space<vmem>> -> memref<64xf32, #tpu.memory_space<vmem>>
      %dma_start3A_574 = tpu.memref_slice %arg3[%add3A_554, %multiple_of3A_561] : memref<507904x128xf32, #tpu.memory_space<hbm>> -> memref<1x64xf32, #tpu.memory_space<hbm>>
      %dma_start3A_575 = tpu.memref_squeeze %dma_start3A_574 : memref<1x64xf32, #tpu.memory_space<hbm>> -> memref<64xf32, #tpu.memory_space<hbm>>
      tpu.enqueue_dma source(%dma_start3A_575 : memref<64xf32, #tpu.memory_space<hbm>>) target(%dma_start3A_573 : memref<64xf32, #tpu.memory_space<vmem>>) target_semaphore(%arg7 : memref<!tpu.dma_semaphore, #tpu.memory_space<semaphore_mem>>)
      %eq3A_576 = arith.constant 15 : i32
      %eq3A_577 = vector.broadcast %eq3A_576 : i32 to vector<16xi32>
      %eq3A_578 = arith.cmpi eq, %iota3A, %eq3A_577 : vector<16xi32>
      %jit3A_579 = arith.constant 0 : i32
      %broadcast_in_dim3A_580 = vector.broadcast %jit3A_579 : i32 to vector<16xi32>
      %select_n3A_581 = arith.select %eq3A_578, %get3A_13, %broadcast_in_dim3A_580 : vector<16xi1>, vector<16xi32>
      %reduce_sum3A_582 = arith.constant true
      %reduce_sum3A_583 = vector.broadcast %reduce_sum3A_582 : i1 to vector<16xi1>
      %reduce_sum3A_584 = tpu.scan <sum>, %select_n3A_581 masked %reduce_sum3A_583 : vector<16xi32>, vector<16xi1> -> vector<16xi32>
      %reduce_sum3A_585 = vector.extract %reduce_sum3A_584[15] : i32 from vector<16xi32>
      %shift_right_arithmetic3A_586 = arith.constant 14 : i32
      %shift_right_arithmetic3A_587 = arith.shrsi %reduce_sum3A_585, %shift_right_arithmetic3A_586 : i32
      %mul3A_588 = arith.constant 8192 : i32
      %mul3A_589 = arith.muli %shift_right_arithmetic3A_587, %mul3A_588 : i32
      %and3A_590 = arith.constant 8191 : i32
      %and3A_591 = arith.andi %reduce_sum3A_585, %and3A_590 : i32
      %add3A_592 = arith.addi %mul3A_589, %and3A_591 : i32
      %shift_right_arithmetic3A_593 = arith.constant 13 : i32
      %shift_right_arithmetic3A_594 = arith.shrsi %reduce_sum3A_585, %shift_right_arithmetic3A_593 : i32
      %and3A_595 = arith.constant 1 : i32
      %and3A_596 = arith.andi %shift_right_arithmetic3A_594, %and3A_595 : i32
      %mul3A_597 = arith.constant 64 : i32
      %mul3A_598 = arith.muli %and3A_596, %mul3A_597 : i32
      %multiple_of3A_599 = tpu.assume_multiple %mul3A_598, 64 : i32
      %mul3A_600 = arith.constant 16 : i32
      %mul3A_601 = arith.muli %scan3A_9, %mul3A_600 : i32
      %add3A_602 = arith.constant 15 : i32
      %add3A_603 = arith.addi %mul3A_601, %add3A_602 : i32
      %dma_start3A_604 = arith.constant 0 : i32
      %dma_start3A_605 = tpu.memref_slice %arg6[%add3A_603, %dma_start3A_604] : memref<512x64xf32, #tpu.memory_space<vmem>> -> memref<1x64xf32, #tpu.memory_space<vmem>>
      %dma_start3A_606 = tpu.memref_squeeze %dma_start3A_605 : memref<1x64xf32, #tpu.memory_space<vmem>> -> memref<64xf32, #tpu.memory_space<vmem>>
      %dma_start3A_607 = tpu.memref_slice %arg3[%add3A_592, %multiple_of3A_599] : memref<507904x128xf32, #tpu.memory_space<hbm>> -> memref<1x64xf32, #tpu.memory_space<hbm>>
      %dma_start3A_608 = tpu.memref_squeeze %dma_start3A_607 : memref<1x64xf32, #tpu.memory_space<hbm>> -> memref<64xf32, #tpu.memory_space<hbm>>
      %dma_start3A_609 = arith.constant 0 : i32
      %dma_start3A_610 = tpu.memref_slice %arg6[%add3A_603, %dma_start3A_609] : memref<512x64xf32, #tpu.memory_space<vmem>> -> memref<1x64xf32, #tpu.memory_space<vmem>>
      %dma_start3A_611 = tpu.memref_squeeze %dma_start3A_610 : memref<1x64xf32, #tpu.memory_space<vmem>> -> memref<64xf32, #tpu.memory_space<vmem>>
      %dma_start3A_612 = tpu.memref_slice %arg3[%add3A_592, %multiple_of3A_599] : memref<507904x128xf32, #tpu.memory_space<hbm>> -> memref<1x64xf32, #tpu.memory_space<hbm>>
      %dma_start3A_613 = tpu.memref_squeeze %dma_start3A_612 : memref<1x64xf32, #tpu.memory_space<hbm>> -> memref<64xf32, #tpu.memory_space<hbm>>
      tpu.enqueue_dma source(%dma_start3A_613 : memref<64xf32, #tpu.memory_space<hbm>>) target(%dma_start3A_611 : memref<64xf32, #tpu.memory_space<vmem>>) target_semaphore(%arg7 : memref<!tpu.dma_semaphore, #tpu.memory_space<semaphore_mem>>)
      %dma_wait3A = arith.constant 0 : i32
      %dma_wait3A_614 = tpu.memref_slice %arg6[%add3A_34, %dma_wait3A] : memref<512x64xf32, #tpu.memory_space<vmem>> -> memref<1x64xf32, #tpu.memory_space<vmem>>
      %dma_wait3A_615 = tpu.memref_squeeze %dma_wait3A_614 : memref<1x64xf32, #tpu.memory_space<vmem>> -> memref<64xf32, #tpu.memory_space<vmem>>
      %dma_wait3A_616 = tpu.memref_slice %arg3[%add3A_23, %multiple_of3A_30] : memref<507904x128xf32, #tpu.memory_space<hbm>> -> memref<1x64xf32, #tpu.memory_space<hbm>>
      %dma_wait3A_617 = tpu.memref_squeeze %dma_wait3A_616 : memref<1x64xf32, #tpu.memory_space<hbm>> -> memref<64xf32, #tpu.memory_space<hbm>>
      %dma_wait3A_618 = arith.constant 0 : i32
      %dma_wait3A_619 = tpu.memref_slice %arg6[%add3A_34, %dma_wait3A_618] : memref<512x64xf32, #tpu.memory_space<vmem>> -> memref<1x64xf32, #tpu.memory_space<vmem>>
      %dma_wait3A_620 = tpu.memref_squeeze %dma_wait3A_619 : memref<1x64xf32, #tpu.memory_space<vmem>> -> memref<64xf32, #tpu.memory_space<vmem>>
      %dma_wait3A_621 = tpu.memref_slice %arg3[%add3A_23, %multiple_of3A_30] : memref<507904x128xf32, #tpu.memory_space<hbm>> -> memref<1x64xf32, #tpu.memory_space<hbm>>
      %dma_wait3A_622 = tpu.memref_squeeze %dma_wait3A_621 : memref<1x64xf32, #tpu.memory_space<hbm>> -> memref<64xf32, #tpu.memory_space<hbm>>
      tpu.wait_dma2 semaphore(%arg7 : memref<!tpu.dma_semaphore, #tpu.memory_space<semaphore_mem>>) src(%dma_wait3A_622 : memref<64xf32, #tpu.memory_space<hbm>>) dst(%dma_wait3A_620 : memref<64xf32, #tpu.memory_space<vmem>>)
      %dma_wait3A_623 = arith.constant 0 : i32
      %dma_wait3A_624 = tpu.memref_slice %arg6[%add3A_71, %dma_wait3A_623] : memref<512x64xf32, #tpu.memory_space<vmem>> -> memref<1x64xf32, #tpu.memory_space<vmem>>
      %dma_wait3A_625 = tpu.memref_squeeze %dma_wait3A_624 : memref<1x64xf32, #tpu.memory_space<vmem>> -> memref<64xf32, #tpu.memory_space<vmem>>
      %dma_wait3A_626 = tpu.memref_slice %arg3[%add3A_60, %multiple_of3A_67] : memref<507904x128xf32, #tpu.memory_space<hbm>> -> memref<1x64xf32, #tpu.memory_space<hbm>>
      %dma_wait3A_627 = tpu.memref_squeeze %dma_wait3A_626 : memref<1x64xf32, #tpu.memory_space<hbm>> -> memref<64xf32, #tpu.memory_space<hbm>>
      %dma_wait3A_628 = arith.constant 0 : i32
      %dma_wait3A_629 = tpu.memref_slice %arg6[%add3A_71, %dma_wait3A_628] : memref<512x64xf32, #tpu.memory_space<vmem>> -> memref<1x64xf32, #tpu.memory_space<vmem>>
      %dma_wait3A_630 = tpu.memref_squeeze %dma_wait3A_629 : memref<1x64xf32, #tpu.memory_space<vmem>> -> memref<64xf32, #tpu.memory_space<vmem>>
      %dma_wait3A_631 = tpu.memref_slice %arg3[%add3A_60, %multiple_of3A_67] : memref<507904x128xf32, #tpu.memory_space<hbm>> -> memref<1x64xf32, #tpu.memory_space<hbm>>
      %dma_wait3A_632 = tpu.memref_squeeze %dma_wait3A_631 : memref<1x64xf32, #tpu.memory_space<hbm>> -> memref<64xf32, #tpu.memory_space<hbm>>
      tpu.wait_dma2 semaphore(%arg7 : memref<!tpu.dma_semaphore, #tpu.memory_space<semaphore_mem>>) src(%dma_wait3A_632 : memref<64xf32, #tpu.memory_space<hbm>>) dst(%dma_wait3A_630 : memref<64xf32, #tpu.memory_space<vmem>>)
      %dma_wait3A_633 = arith.constant 0 : i32
      %dma_wait3A_634 = tpu.memref_slice %arg6[%add3A_109, %dma_wait3A_633] : memref<512x64xf32, #tpu.memory_space<vmem>> -> memref<1x64xf32, #tpu.memory_space<vmem>>
      %dma_wait3A_635 = tpu.memref_squeeze %dma_wait3A_634 : memref<1x64xf32, #tpu.memory_space<vmem>> -> memref<64xf32, #tpu.memory_space<vmem>>
      %dma_wait3A_636 = tpu.memref_slice %arg3[%add3A_98, %multiple_of3A_105] : memref<507904x128xf32, #tpu.memory_space<hbm>> -> memref<1x64xf32, #tpu.memory_space<hbm>>
      %dma_wait3A_637 = tpu.memref_squeeze %dma_wait3A_636 : memref<1x64xf32, #tpu.memory_space<hbm>> -> memref<64xf32, #tpu.memory_space<hbm>>
      %dma_wait3A_638 = arith.constant 0 : i32
      %dma_wait3A_639 = tpu.memref_slice %arg6[%add3A_109, %dma_wait3A_638] : memref<512x64xf32, #tpu.memory_space<vmem>> -> memref<1x64xf32, #tpu.memory_space<vmem>>
      %dma_wait3A_640 = tpu.memref_squeeze %dma_wait3A_639 : memref<1x64xf32, #tpu.memory_space<vmem>> -> memref<64xf32, #tpu.memory_space<vmem>>
      %dma_wait3A_641 = tpu.memref_slice %arg3[%add3A_98, %multiple_of3A_105] : memref<507904x128xf32, #tpu.memory_space<hbm>> -> memref<1x64xf32, #tpu.memory_space<hbm>>
      %dma_wait3A_642 = tpu.memref_squeeze %dma_wait3A_641 : memref<1x64xf32, #tpu.memory_space<hbm>> -> memref<64xf32, #tpu.memory_space<hbm>>
      tpu.wait_dma2 semaphore(%arg7 : memref<!tpu.dma_semaphore, #tpu.memory_space<semaphore_mem>>) src(%dma_wait3A_642 : memref<64xf32, #tpu.memory_space<hbm>>) dst(%dma_wait3A_640 : memref<64xf32, #tpu.memory_space<vmem>>)
      %dma_wait3A_643 = arith.constant 0 : i32
      %dma_wait3A_644 = tpu.memref_slice %arg6[%add3A_147, %dma_wait3A_643] : memref<512x64xf32, #tpu.memory_space<vmem>> -> memref<1x64xf32, #tpu.memory_space<vmem>>
      %dma_wait3A_645 = tpu.memref_squeeze %dma_wait3A_644 : memref<1x64xf32, #tpu.memory_space<vmem>> -> memref<64xf32, #tpu.memory_space<vmem>>
      %dma_wait3A_646 = tpu.memref_slice %arg3[%add3A_136, %multiple_of3A_143] : memref<507904x128xf32, #tpu.memory_space<hbm>> -> memref<1x64xf32, #tpu.memory_space<hbm>>
      %dma_wait3A_647 = tpu.memref_squeeze %dma_wait3A_646 : memref<1x64xf32, #tpu.memory_space<hbm>> -> memref<64xf32, #tpu.memory_space<hbm>>
      %dma_wait3A_648 = arith.constant 0 : i32
      %dma_wait3A_649 = tpu.memref_slice %arg6[%add3A_147, %dma_wait3A_648] : memref<512x64xf32, #tpu.memory_space<vmem>> -> memref<1x64xf32, #tpu.memory_space<vmem>>
      %dma_wait3A_650 = tpu.memref_squeeze %dma_wait3A_649 : memref<1x64xf32, #tpu.memory_space<vmem>> -> memref<64xf32, #tpu.memory_space<vmem>>
      %dma_wait3A_651 = tpu.memref_slice %arg3[%add3A_136, %multiple_of3A_143] : memref<507904x128xf32, #tpu.memory_space<hbm>> -> memref<1x64xf32, #tpu.memory_space<hbm>>
      %dma_wait3A_652 = tpu.memref_squeeze %dma_wait3A_651 : memref<1x64xf32, #tpu.memory_space<hbm>> -> memref<64xf32, #tpu.memory_space<hbm>>
      tpu.wait_dma2 semaphore(%arg7 : memref<!tpu.dma_semaphore, #tpu.memory_space<semaphore_mem>>) src(%dma_wait3A_652 : memref<64xf32, #tpu.memory_space<hbm>>) dst(%dma_wait3A_650 : memref<64xf32, #tpu.memory_space<vmem>>)
      %dma_wait3A_653 = arith.constant 0 : i32
      %dma_wait3A_654 = tpu.memref_slice %arg6[%add3A_185, %dma_wait3A_653] : memref<512x64xf32, #tpu.memory_space<vmem>> -> memref<1x64xf32, #tpu.memory_space<vmem>>
      %dma_wait3A_655 = tpu.memref_squeeze %dma_wait3A_654 : memref<1x64xf32, #tpu.memory_space<vmem>> -> memref<64xf32, #tpu.memory_space<vmem>>
      %dma_wait3A_656 = tpu.memref_slice %arg3[%add3A_174, %multiple_of3A_181] : memref<507904x128xf32, #tpu.memory_space<hbm>> -> memref<1x64xf32, #tpu.memory_space<hbm>>
      %dma_wait3A_657 = tpu.memref_squeeze %dma_wait3A_656 : memref<1x64xf32, #tpu.memory_space<hbm>> -> memref<64xf32, #tpu.memory_space<hbm>>
      %dma_wait3A_658 = arith.constant 0 : i32
      %dma_wait3A_659 = tpu.memref_slice %arg6[%add3A_185, %dma_wait3A_658] : memref<512x64xf32, #tpu.memory_space<vmem>> -> memref<1x64xf32, #tpu.memory_space<vmem>>
      %dma_wait3A_660 = tpu.memref_squeeze %dma_wait3A_659 : memref<1x64xf32, #tpu.memory_space<vmem>> -> memref<64xf32, #tpu.memory_space<vmem>>
      %dma_wait3A_661 = tpu.memref_slice %arg3[%add3A_174, %multiple_of3A_181] : memref<507904x128xf32, #tpu.memory_space<hbm>> -> memref<1x64xf32, #tpu.memory_space<hbm>>
      %dma_wait3A_662 = tpu.memref_squeeze %dma_wait3A_661 : memref<1x64xf32, #tpu.memory_space<hbm>> -> memref<64xf32, #tpu.memory_space<hbm>>
      tpu.wait_dma2 semaphore(%arg7 : memref<!tpu.dma_semaphore, #tpu.memory_space<semaphore_mem>>) src(%dma_wait3A_662 : memref<64xf32, #tpu.memory_space<hbm>>) dst(%dma_wait3A_660 : memref<64xf32, #tpu.memory_space<vmem>>)
      %dma_wait3A_663 = arith.constant 0 : i32
      %dma_wait3A_664 = tpu.memref_slice %arg6[%add3A_223, %dma_wait3A_663] : memref<512x64xf32, #tpu.memory_space<vmem>> -> memref<1x64xf32, #tpu.memory_space<vmem>>
      %dma_wait3A_665 = tpu.memref_squeeze %dma_wait3A_664 : memref<1x64xf32, #tpu.memory_space<vmem>> -> memref<64xf32, #tpu.memory_space<vmem>>
      %dma_wait3A_666 = tpu.memref_slice %arg3[%add3A_212, %multiple_of3A_219] : memref<507904x128xf32, #tpu.memory_space<hbm>> -> memref<1x64xf32, #tpu.memory_space<hbm>>
      %dma_wait3A_667 = tpu.memref_squeeze %dma_wait3A_666 : memref<1x64xf32, #tpu.memory_space<hbm>> -> memref<64xf32, #tpu.memory_space<hbm>>
      %dma_wait3A_668 = arith.constant 0 : i32
      %dma_wait3A_669 = tpu.memref_slice %arg6[%add3A_223, %dma_wait3A_668] : memref<512x64xf32, #tpu.memory_space<vmem>> -> memref<1x64xf32, #tpu.memory_space<vmem>>
      %dma_wait3A_670 = tpu.memref_squeeze %dma_wait3A_669 : memref<1x64xf32, #tpu.memory_space<vmem>> -> memref<64xf32, #tpu.memory_space<vmem>>
      %dma_wait3A_671 = tpu.memref_slice %arg3[%add3A_212, %multiple_of3A_219] : memref<507904x128xf32, #tpu.memory_space<hbm>> -> memref<1x64xf32, #tpu.memory_space<hbm>>
      %dma_wait3A_672 = tpu.memref_squeeze %dma_wait3A_671 : memref<1x64xf32, #tpu.memory_space<hbm>> -> memref<64xf32, #tpu.memory_space<hbm>>
      tpu.wait_dma2 semaphore(%arg7 : memref<!tpu.dma_semaphore, #tpu.memory_space<semaphore_mem>>) src(%dma_wait3A_672 : memref<64xf32, #tpu.memory_space<hbm>>) dst(%dma_wait3A_670 : memref<64xf32, #tpu.memory_space<vmem>>)
      %dma_wait3A_673 = arith.constant 0 : i32
      %dma_wait3A_674 = tpu.memref_slice %arg6[%add3A_261, %dma_wait3A_673] : memref<512x64xf32, #tpu.memory_space<vmem>> -> memref<1x64xf32, #tpu.memory_space<vmem>>
      %dma_wait3A_675 = tpu.memref_squeeze %dma_wait3A_674 : memref<1x64xf32, #tpu.memory_space<vmem>> -> memref<64xf32, #tpu.memory_space<vmem>>
      %dma_wait3A_676 = tpu.memref_slice %arg3[%add3A_250, %multiple_of3A_257] : memref<507904x128xf32, #tpu.memory_space<hbm>> -> memref<1x64xf32, #tpu.memory_space<hbm>>
      %dma_wait3A_677 = tpu.memref_squeeze %dma_wait3A_676 : memref<1x64xf32, #tpu.memory_space<hbm>> -> memref<64xf32, #tpu.memory_space<hbm>>
      %dma_wait3A_678 = arith.constant 0 : i32
      %dma_wait3A_679 = tpu.memref_slice %arg6[%add3A_261, %dma_wait3A_678] : memref<512x64xf32, #tpu.memory_space<vmem>> -> memref<1x64xf32, #tpu.memory_space<vmem>>
      %dma_wait3A_680 = tpu.memref_squeeze %dma_wait3A_679 : memref<1x64xf32, #tpu.memory_space<vmem>> -> memref<64xf32, #tpu.memory_space<vmem>>
      %dma_wait3A_681 = tpu.memref_slice %arg3[%add3A_250, %multiple_of3A_257] : memref<507904x128xf32, #tpu.memory_space<hbm>> -> memref<1x64xf32, #tpu.memory_space<hbm>>
      %dma_wait3A_682 = tpu.memref_squeeze %dma_wait3A_681 : memref<1x64xf32, #tpu.memory_space<hbm>> -> memref<64xf32, #tpu.memory_space<hbm>>
      tpu.wait_dma2 semaphore(%arg7 : memref<!tpu.dma_semaphore, #tpu.memory_space<semaphore_mem>>) src(%dma_wait3A_682 : memref<64xf32, #tpu.memory_space<hbm>>) dst(%dma_wait3A_680 : memref<64xf32, #tpu.memory_space<vmem>>)
      %dma_wait3A_683 = arith.constant 0 : i32
      %dma_wait3A_684 = tpu.memref_slice %arg6[%add3A_299, %dma_wait3A_683] : memref<512x64xf32, #tpu.memory_space<vmem>> -> memref<1x64xf32, #tpu.memory_space<vmem>>
      %dma_wait3A_685 = tpu.memref_squeeze %dma_wait3A_684 : memref<1x64xf32, #tpu.memory_space<vmem>> -> memref<64xf32, #tpu.memory_space<vmem>>
      %dma_wait3A_686 = tpu.memref_slice %arg3[%add3A_288, %multiple_of3A_295] : memref<507904x128xf32, #tpu.memory_space<hbm>> -> memref<1x64xf32, #tpu.memory_space<hbm>>
      %dma_wait3A_687 = tpu.memref_squeeze %dma_wait3A_686 : memref<1x64xf32, #tpu.memory_space<hbm>> -> memref<64xf32, #tpu.memory_space<hbm>>
      %dma_wait3A_688 = arith.constant 0 : i32
      %dma_wait3A_689 = tpu.memref_slice %arg6[%add3A_299, %dma_wait3A_688] : memref<512x64xf32, #tpu.memory_space<vmem>> -> memref<1x64xf32, #tpu.memory_space<vmem>>
      %dma_wait3A_690 = tpu.memref_squeeze %dma_wait3A_689 : memref<1x64xf32, #tpu.memory_space<vmem>> -> memref<64xf32, #tpu.memory_space<vmem>>
      %dma_wait3A_691 = tpu.memref_slice %arg3[%add3A_288, %multiple_of3A_295] : memref<507904x128xf32, #tpu.memory_space<hbm>> -> memref<1x64xf32, #tpu.memory_space<hbm>>
      %dma_wait3A_692 = tpu.memref_squeeze %dma_wait3A_691 : memref<1x64xf32, #tpu.memory_space<hbm>> -> memref<64xf32, #tpu.memory_space<hbm>>
      tpu.wait_dma2 semaphore(%arg7 : memref<!tpu.dma_semaphore, #tpu.memory_space<semaphore_mem>>) src(%dma_wait3A_692 : memref<64xf32, #tpu.memory_space<hbm>>) dst(%dma_wait3A_690 : memref<64xf32, #tpu.memory_space<vmem>>)
      %dma_wait3A_693 = arith.constant 0 : i32
      %dma_wait3A_694 = tpu.memref_slice %arg6[%add3A_337, %dma_wait3A_693] : memref<512x64xf32, #tpu.memory_space<vmem>> -> memref<1x64xf32, #tpu.memory_space<vmem>>
      %dma_wait3A_695 = tpu.memref_squeeze %dma_wait3A_694 : memref<1x64xf32, #tpu.memory_space<vmem>> -> memref<64xf32, #tpu.memory_space<vmem>>
      %dma_wait3A_696 = tpu.memref_slice %arg3[%add3A_326, %multiple_of3A_333] : memref<507904x128xf32, #tpu.memory_space<hbm>> -> memref<1x64xf32, #tpu.memory_space<hbm>>
      %dma_wait3A_697 = tpu.memref_squeeze %dma_wait3A_696 : memref<1x64xf32, #tpu.memory_space<hbm>> -> memref<64xf32, #tpu.memory_space<hbm>>
      %dma_wait3A_698 = arith.constant 0 : i32
      %dma_wait3A_699 = tpu.memref_slice %arg6[%add3A_337, %dma_wait3A_698] : memref<512x64xf32, #tpu.memory_space<vmem>> -> memref<1x64xf32, #tpu.memory_space<vmem>>
      %dma_wait3A_700 = tpu.memref_squeeze %dma_wait3A_699 : memref<1x64xf32, #tpu.memory_space<vmem>> -> memref<64xf32, #tpu.memory_space<vmem>>
      %dma_wait3A_701 = tpu.memref_slice %arg3[%add3A_326, %multiple_of3A_333] : memref<507904x128xf32, #tpu.memory_space<hbm>> -> memref<1x64xf32, #tpu.memory_space<hbm>>
      %dma_wait3A_702 = tpu.memref_squeeze %dma_wait3A_701 : memref<1x64xf32, #tpu.memory_space<hbm>> -> memref<64xf32, #tpu.memory_space<hbm>>
      tpu.wait_dma2 semaphore(%arg7 : memref<!tpu.dma_semaphore, #tpu.memory_space<semaphore_mem>>) src(%dma_wait3A_702 : memref<64xf32, #tpu.memory_space<hbm>>) dst(%dma_wait3A_700 : memref<64xf32, #tpu.memory_space<vmem>>)
      %dma_wait3A_703 = arith.constant 0 : i32
      %dma_wait3A_704 = tpu.memref_slice %arg6[%add3A_375, %dma_wait3A_703] : memref<512x64xf32, #tpu.memory_space<vmem>> -> memref<1x64xf32, #tpu.memory_space<vmem>>
      %dma_wait3A_705 = tpu.memref_squeeze %dma_wait3A_704 : memref<1x64xf32, #tpu.memory_space<vmem>> -> memref<64xf32, #tpu.memory_space<vmem>>
      %dma_wait3A_706 = tpu.memref_slice %arg3[%add3A_364, %multiple_of3A_371] : memref<507904x128xf32, #tpu.memory_space<hbm>> -> memref<1x64xf32, #tpu.memory_space<hbm>>
      %dma_wait3A_707 = tpu.memref_squeeze %dma_wait3A_706 : memref<1x64xf32, #tpu.memory_space<hbm>> -> memref<64xf32, #tpu.memory_space<hbm>>
      %dma_wait3A_708 = arith.constant 0 : i32
      %dma_wait3A_709 = tpu.memref_slice %arg6[%add3A_375, %dma_wait3A_708] : memref<512x64xf32, #tpu.memory_space<vmem>> -> memref<1x64xf32, #tpu.memory_space<vmem>>
      %dma_wait3A_710 = tpu.memref_squeeze %dma_wait3A_709 : memref<1x64xf32, #tpu.memory_space<vmem>> -> memref<64xf32, #tpu.memory_space<vmem>>
      %dma_wait3A_711 = tpu.memref_slice %arg3[%add3A_364, %multiple_of3A_371] : memref<507904x128xf32, #tpu.memory_space<hbm>> -> memref<1x64xf32, #tpu.memory_space<hbm>>
      %dma_wait3A_712 = tpu.memref_squeeze %dma_wait3A_711 : memref<1x64xf32, #tpu.memory_space<hbm>> -> memref<64xf32, #tpu.memory_space<hbm>>
      tpu.wait_dma2 semaphore(%arg7 : memref<!tpu.dma_semaphore, #tpu.memory_space<semaphore_mem>>) src(%dma_wait3A_712 : memref<64xf32, #tpu.memory_space<hbm>>) dst(%dma_wait3A_710 : memref<64xf32, #tpu.memory_space<vmem>>)
      %dma_wait3A_713 = arith.constant 0 : i32
      %dma_wait3A_714 = tpu.memref_slice %arg6[%add3A_413, %dma_wait3A_713] : memref<512x64xf32, #tpu.memory_space<vmem>> -> memref<1x64xf32, #tpu.memory_space<vmem>>
      %dma_wait3A_715 = tpu.memref_squeeze %dma_wait3A_714 : memref<1x64xf32, #tpu.memory_space<vmem>> -> memref<64xf32, #tpu.memory_space<vmem>>
      %dma_wait3A_716 = tpu.memref_slice %arg3[%add3A_402, %multiple_of3A_409] : memref<507904x128xf32, #tpu.memory_space<hbm>> -> memref<1x64xf32, #tpu.memory_space<hbm>>
      %dma_wait3A_717 = tpu.memref_squeeze %dma_wait3A_716 : memref<1x64xf32, #tpu.memory_space<hbm>> -> memref<64xf32, #tpu.memory_space<hbm>>
      %dma_wait3A_718 = arith.constant 0 : i32
      %dma_wait3A_719 = tpu.memref_slice %arg6[%add3A_413, %dma_wait3A_718] : memref<512x64xf32, #tpu.memory_space<vmem>> -> memref<1x64xf32, #tpu.memory_space<vmem>>
      %dma_wait3A_720 = tpu.memref_squeeze %dma_wait3A_719 : memref<1x64xf32, #tpu.memory_space<vmem>> -> memref<64xf32, #tpu.memory_space<vmem>>
      %dma_wait3A_721 = tpu.memref_slice %arg3[%add3A_402, %multiple_of3A_409] : memref<507904x128xf32, #tpu.memory_space<hbm>> -> memref<1x64xf32, #tpu.memory_space<hbm>>
      %dma_wait3A_722 = tpu.memref_squeeze %dma_wait3A_721 : memref<1x64xf32, #tpu.memory_space<hbm>> -> memref<64xf32, #tpu.memory_space<hbm>>
      tpu.wait_dma2 semaphore(%arg7 : memref<!tpu.dma_semaphore, #tpu.memory_space<semaphore_mem>>) src(%dma_wait3A_722 : memref<64xf32, #tpu.memory_space<hbm>>) dst(%dma_wait3A_720 : memref<64xf32, #tpu.memory_space<vmem>>)
      %dma_wait3A_723 = arith.constant 0 : i32
      %dma_wait3A_724 = tpu.memref_slice %arg6[%add3A_451, %dma_wait3A_723] : memref<512x64xf32, #tpu.memory_space<vmem>> -> memref<1x64xf32, #tpu.memory_space<vmem>>
      %dma_wait3A_725 = tpu.memref_squeeze %dma_wait3A_724 : memref<1x64xf32, #tpu.memory_space<vmem>> -> memref<64xf32, #tpu.memory_space<vmem>>
      %dma_wait3A_726 = tpu.memref_slice %arg3[%add3A_440, %multiple_of3A_447] : memref<507904x128xf32, #tpu.memory_space<hbm>> -> memref<1x64xf32, #tpu.memory_space<hbm>>
      %dma_wait3A_727 = tpu.memref_squeeze %dma_wait3A_726 : memref<1x64xf32, #tpu.memory_space<hbm>> -> memref<64xf32, #tpu.memory_space<hbm>>
      %dma_wait3A_728 = arith.constant 0 : i32
      %dma_wait3A_729 = tpu.memref_slice %arg6[%add3A_451, %dma_wait3A_728] : memref<512x64xf32, #tpu.memory_space<vmem>> -> memref<1x64xf32, #tpu.memory_space<vmem>>
      %dma_wait3A_730 = tpu.memref_squeeze %dma_wait3A_729 : memref<1x64xf32, #tpu.memory_space<vmem>> -> memref<64xf32, #tpu.memory_space<vmem>>
      %dma_wait3A_731 = tpu.memref_slice %arg3[%add3A_440, %multiple_of3A_447] : memref<507904x128xf32, #tpu.memory_space<hbm>> -> memref<1x64xf32, #tpu.memory_space<hbm>>
      %dma_wait3A_732 = tpu.memref_squeeze %dma_wait3A_731 : memref<1x64xf32, #tpu.memory_space<hbm>> -> memref<64xf32, #tpu.memory_space<hbm>>
      tpu.wait_dma2 semaphore(%arg7 : memref<!tpu.dma_semaphore, #tpu.memory_space<semaphore_mem>>) src(%dma_wait3A_732 : memref<64xf32, #tpu.memory_space<hbm>>) dst(%dma_wait3A_730 : memref<64xf32, #tpu.memory_space<vmem>>)
      %dma_wait3A_733 = arith.constant 0 : i32
      %dma_wait3A_734 = tpu.memref_slice %arg6[%add3A_489, %dma_wait3A_733] : memref<512x64xf32, #tpu.memory_space<vmem>> -> memref<1x64xf32, #tpu.memory_space<vmem>>
      %dma_wait3A_735 = tpu.memref_squeeze %dma_wait3A_734 : memref<1x64xf32, #tpu.memory_space<vmem>> -> memref<64xf32, #tpu.memory_space<vmem>>
      %dma_wait3A_736 = tpu.memref_slice %arg3[%add3A_478, %multiple_of3A_485] : memref<507904x128xf32, #tpu.memory_space<hbm>> -> memref<1x64xf32, #tpu.memory_space<hbm>>
      %dma_wait3A_737 = tpu.memref_squeeze %dma_wait3A_736 : memref<1x64xf32, #tpu.memory_space<hbm>> -> memref<64xf32, #tpu.memory_space<hbm>>
      %dma_wait3A_738 = arith.constant 0 : i32
      %dma_wait3A_739 = tpu.memref_slice %arg6[%add3A_489, %dma_wait3A_738] : memref<512x64xf32, #tpu.memory_space<vmem>> -> memref<1x64xf32, #tpu.memory_space<vmem>>
      %dma_wait3A_740 = tpu.memref_squeeze %dma_wait3A_739 : memref<1x64xf32, #tpu.memory_space<vmem>> -> memref<64xf32, #tpu.memory_space<vmem>>
      %dma_wait3A_741 = tpu.memref_slice %arg3[%add3A_478, %multiple_of3A_485] : memref<507904x128xf32, #tpu.memory_space<hbm>> -> memref<1x64xf32, #tpu.memory_space<hbm>>
      %dma_wait3A_742 = tpu.memref_squeeze %dma_wait3A_741 : memref<1x64xf32, #tpu.memory_space<hbm>> -> memref<64xf32, #tpu.memory_space<hbm>>
      tpu.wait_dma2 semaphore(%arg7 : memref<!tpu.dma_semaphore, #tpu.memory_space<semaphore_mem>>) src(%dma_wait3A_742 : memref<64xf32, #tpu.memory_space<hbm>>) dst(%dma_wait3A_740 : memref<64xf32, #tpu.memory_space<vmem>>)
      %dma_wait3A_743 = arith.constant 0 : i32
      %dma_wait3A_744 = tpu.memref_slice %arg6[%add3A_527, %dma_wait3A_743] : memref<512x64xf32, #tpu.memory_space<vmem>> -> memref<1x64xf32, #tpu.memory_space<vmem>>
      %dma_wait3A_745 = tpu.memref_squeeze %dma_wait3A_744 : memref<1x64xf32, #tpu.memory_space<vmem>> -> memref<64xf32, #tpu.memory_space<vmem>>
      %dma_wait3A_746 = tpu.memref_slice %arg3[%add3A_516, %multiple_of3A_523] : memref<507904x128xf32, #tpu.memory_space<hbm>> -> memref<1x64xf32, #tpu.memory_space<hbm>>
      %dma_wait3A_747 = tpu.memref_squeeze %dma_wait3A_746 : memref<1x64xf32, #tpu.memory_space<hbm>> -> memref<64xf32, #tpu.memory_space<hbm>>
      %dma_wait3A_748 = arith.constant 0 : i32
      %dma_wait3A_749 = tpu.memref_slice %arg6[%add3A_527, %dma_wait3A_748] : memref<512x64xf32, #tpu.memory_space<vmem>> -> memref<1x64xf32, #tpu.memory_space<vmem>>
      %dma_wait3A_750 = tpu.memref_squeeze %dma_wait3A_749 : memref<1x64xf32, #tpu.memory_space<vmem>> -> memref<64xf32, #tpu.memory_space<vmem>>
      %dma_wait3A_751 = tpu.memref_slice %arg3[%add3A_516, %multiple_of3A_523] : memref<507904x128xf32, #tpu.memory_space<hbm>> -> memref<1x64xf32, #tpu.memory_space<hbm>>
      %dma_wait3A_752 = tpu.memref_squeeze %dma_wait3A_751 : memref<1x64xf32, #tpu.memory_space<hbm>> -> memref<64xf32, #tpu.memory_space<hbm>>
      tpu.wait_dma2 semaphore(%arg7 : memref<!tpu.dma_semaphore, #tpu.memory_space<semaphore_mem>>) src(%dma_wait3A_752 : memref<64xf32, #tpu.memory_space<hbm>>) dst(%dma_wait3A_750 : memref<64xf32, #tpu.memory_space<vmem>>)
      %dma_wait3A_753 = arith.constant 0 : i32
      %dma_wait3A_754 = tpu.memref_slice %arg6[%add3A_565, %dma_wait3A_753] : memref<512x64xf32, #tpu.memory_space<vmem>> -> memref<1x64xf32, #tpu.memory_space<vmem>>
      %dma_wait3A_755 = tpu.memref_squeeze %dma_wait3A_754 : memref<1x64xf32, #tpu.memory_space<vmem>> -> memref<64xf32, #tpu.memory_space<vmem>>
      %dma_wait3A_756 = tpu.memref_slice %arg3[%add3A_554, %multiple_of3A_561] : memref<507904x128xf32, #tpu.memory_space<hbm>> -> memref<1x64xf32, #tpu.memory_space<hbm>>
      %dma_wait3A_757 = tpu.memref_squeeze %dma_wait3A_756 : memref<1x64xf32, #tpu.memory_space<hbm>> -> memref<64xf32, #tpu.memory_space<hbm>>
      %dma_wait3A_758 = arith.constant 0 : i32
      %dma_wait3A_759 = tpu.memref_slice %arg6[%add3A_565, %dma_wait3A_758] : memref<512x64xf32, #tpu.memory_space<vmem>> -> memref<1x64xf32, #tpu.memory_space<vmem>>
      %dma_wait3A_760 = tpu.memref_squeeze %dma_wait3A_759 : memref<1x64xf32, #tpu.memory_space<vmem>> -> memref<64xf32, #tpu.memory_space<vmem>>
      %dma_wait3A_761 = tpu.memref_slice %arg3[%add3A_554, %multiple_of3A_561] : memref<507904x128xf32, #tpu.memory_space<hbm>> -> memref<1x64xf32, #tpu.memory_space<hbm>>
      %dma_wait3A_762 = tpu.memref_squeeze %dma_wait3A_761 : memref<1x64xf32, #tpu.memory_space<hbm>> -> memref<64xf32, #tpu.memory_space<hbm>>
      tpu.wait_dma2 semaphore(%arg7 : memref<!tpu.dma_semaphore, #tpu.memory_space<semaphore_mem>>) src(%dma_wait3A_762 : memref<64xf32, #tpu.memory_space<hbm>>) dst(%dma_wait3A_760 : memref<64xf32, #tpu.memory_space<vmem>>)
      %dma_wait3A_763 = arith.constant 0 : i32
      %dma_wait3A_764 = tpu.memref_slice %arg6[%add3A_603, %dma_wait3A_763] : memref<512x64xf32, #tpu.memory_space<vmem>> -> memref<1x64xf32, #tpu.memory_space<vmem>>
      %dma_wait3A_765 = tpu.memref_squeeze %dma_wait3A_764 : memref<1x64xf32, #tpu.memory_space<vmem>> -> memref<64xf32, #tpu.memory_space<vmem>>
      %dma_wait3A_766 = tpu.memref_slice %arg3[%add3A_592, %multiple_of3A_599] : memref<507904x128xf32, #tpu.memory_space<hbm>> -> memref<1x64xf32, #tpu.memory_space<hbm>>
      %dma_wait3A_767 = tpu.memref_squeeze %dma_wait3A_766 : memref<1x64xf32, #tpu.memory_space<hbm>> -> memref<64xf32, #tpu.memory_space<hbm>>
      %dma_wait3A_768 = arith.constant 0 : i32
      %dma_wait3A_769 = tpu.memref_slice %arg6[%add3A_603, %dma_wait3A_768] : memref<512x64xf32, #tpu.memory_space<vmem>> -> memref<1x64xf32, #tpu.memory_space<vmem>>
      %dma_wait3A_770 = tpu.memref_squeeze %dma_wait3A_769 : memref<1x64xf32, #tpu.memory_space<vmem>> -> memref<64xf32, #tpu.memory_space<vmem>>
      %dma_wait3A_771 = tpu.memref_slice %arg3[%add3A_592, %multiple_of3A_599] : memref<507904x128xf32, #tpu.memory_space<hbm>> -> memref<1x64xf32, #tpu.memory_space<hbm>>
      %dma_wait3A_772 = tpu.memref_squeeze %dma_wait3A_771 : memref<1x64xf32, #tpu.memory_space<hbm>> -> memref<64xf32, #tpu.memory_space<hbm>>
      tpu.wait_dma2 semaphore(%arg7 : memref<!tpu.dma_semaphore, #tpu.memory_space<semaphore_mem>>) src(%dma_wait3A_772 : memref<64xf32, #tpu.memory_space<hbm>>) dst(%dma_wait3A_770 : memref<64xf32, #tpu.memory_space<vmem>>)
      %scan3A_773 = arith.constant 0 : i32
      scf.yield %scan3A_773 : i32
    }
    %scan3A_8 = arith.constant 32 : i32
    "tpu.region"() ({
      %run_scoped3A = tpu.sem_alloc : memref<!tpu.dma_semaphore, #tpu.memory_space<semaphore_mem>>
      %dma_start3A = arith.constant 0 : i32
      %dma_start3A_9 = tpu.memref_slice %arg4[%mul3A_2, %dma_start3A] : memref<16384x64xf32, #tpu.memory_space<hbm>> -> memref<512x64xf32, #tpu.memory_space<hbm>>
      %dma_start3A_10 = arith.constant 0 : i32
      %dma_start3A_11 = tpu.memref_slice %arg4[%mul3A_2, %dma_start3A_10] : memref<16384x64xf32, #tpu.memory_space<hbm>> -> memref<512x64xf32, #tpu.memory_space<hbm>>
      tpu.enqueue_dma source(%arg6 : memref<512x64xf32, #tpu.memory_space<vmem>>) target(%dma_start3A_11 : memref<512x64xf32, #tpu.memory_space<hbm>>) target_semaphore(%run_scoped3A : memref<!tpu.dma_semaphore, #tpu.memory_space<semaphore_mem>>)
      %dma_wait3A = arith.constant 0 : i32
      %dma_wait3A_12 = tpu.memref_slice %arg4[%mul3A_2, %dma_wait3A] : memref<16384x64xf32, #tpu.memory_space<hbm>> -> memref<512x64xf32, #tpu.memory_space<hbm>>
      %dma_wait3A_13 = arith.constant 0 : i32
      %dma_wait3A_14 = tpu.memref_slice %arg4[%mul3A_2, %dma_wait3A_13] : memref<16384x64xf32, #tpu.memory_space<hbm>> -> memref<512x64xf32, #tpu.memory_space<hbm>>
      tpu.wait_dma2 semaphore(%run_scoped3A : memref<!tpu.dma_semaphore, #tpu.memory_space<semaphore_mem>>) src(%arg6 : memref<512x64xf32, #tpu.memory_space<vmem>>) dst(%dma_wait3A_14 : memref<512x64xf32, #tpu.memory_space<hbm>>)
      tpu.yield
    }) : () -> ()
    return
  }
}

#map = affine_map<(d0, d1) -> (0, 0)>
module attributes {stable_mosaic.version = 14 : i64} {
  func.func @sc_kernel(%arg0: i32, %arg1: i32, %arg2: memref<32x512xi32, #tpu.memory_space<hbm>>, %arg3: memref<507904x128xf32, #tpu.memory_space<hbm>>, %arg4: memref<16384x64xf32, #tpu.memory_space<hbm>>, %arg5: memref<512xi32, #tpu.memory_space<vmem>>, %arg6: memref<512x64xf32, #tpu.memory_space<vmem>>, %arg7: memref<!tpu.dma_semaphore, #tpu.memory_space<semaphore_mem>>) attributes {dimension_semantics = [#tpu.dimension_semantics<core_parallel>, #tpu.dimension_semantics<subcore_parallel>], iteration_bounds = array<i64: 2, 16>, scalar_prefetch = 0 : i64, scratch_operands = 3 : i64, tpu.core_type = #tpu.core_type<sc_vector_subcore>, window_params = [{transform_indices = #map}, {transform_indices = #map}, {transform_indices = #map}]} {
    %mul3A = arith.constant 2 : i32
    %mul3A_0 = arith.muli %arg1, %mul3A : i32
    %add3A = arith.addi %mul3A_0, %arg0 : i32
    %mul3A_1 = arith.constant 512 : i32
    %mul3A_2 = arith.muli %add3A, %mul3A_1 : i32
    "tpu.region"() ({
      %run_scoped3A = tpu.sem_alloc : memref<!tpu.dma_semaphore, #tpu.memory_space<semaphore_mem>>
      %dma_start3A = arith.constant 0 : i32
      %dma_start3A_9 = tpu.memref_slice %arg2[%add3A, %dma_start3A] : memref<32x512xi32, #tpu.memory_space<hbm>> -> memref<1x512xi32, #tpu.memory_space<hbm>>
      %dma_start3A_10 = tpu.memref_squeeze %dma_start3A_9 : memref<1x512xi32, #tpu.memory_space<hbm>> -> memref<512xi32, #tpu.memory_space<hbm>>
      %dma_start3A_11 = arith.constant 0 : i32
      %dma_start3A_12 = tpu.memref_slice %arg2[%add3A, %dma_start3A_11] : memref<32x512xi32, #tpu.memory_space<hbm>> -> memref<1x512xi32, #tpu.memory_space<hbm>>
      %dma_start3A_13 = tpu.memref_squeeze %dma_start3A_12 : memref<1x512xi32, #tpu.memory_space<hbm>> -> memref<512xi32, #tpu.memory_space<hbm>>
      tpu.enqueue_dma source(%dma_start3A_13 : memref<512xi32, #tpu.memory_space<hbm>>) target(%arg5 : memref<512xi32, #tpu.memory_space<vmem>>) target_semaphore(%run_scoped3A : memref<!tpu.dma_semaphore, #tpu.memory_space<semaphore_mem>>)
      %dma_wait3A = arith.constant 0 : i32
      %dma_wait3A_14 = tpu.memref_slice %arg2[%add3A, %dma_wait3A] : memref<32x512xi32, #tpu.memory_space<hbm>> -> memref<1x512xi32, #tpu.memory_space<hbm>>
      %dma_wait3A_15 = tpu.memref_squeeze %dma_wait3A_14 : memref<1x512xi32, #tpu.memory_space<hbm>> -> memref<512xi32, #tpu.memory_space<hbm>>
      %dma_wait3A_16 = arith.constant 0 : i32
      %dma_wait3A_17 = tpu.memref_slice %arg2[%add3A, %dma_wait3A_16] : memref<32x512xi32, #tpu.memory_space<hbm>> -> memref<1x512xi32, #tpu.memory_space<hbm>>
      %dma_wait3A_18 = tpu.memref_squeeze %dma_wait3A_17 : memref<1x512xi32, #tpu.memory_space<hbm>> -> memref<512xi32, #tpu.memory_space<hbm>>
      tpu.wait_dma2 semaphore(%run_scoped3A : memref<!tpu.dma_semaphore, #tpu.memory_space<semaphore_mem>>) src(%dma_wait3A_18 : memref<512xi32, #tpu.memory_space<hbm>>) dst(%arg5 : memref<512xi32, #tpu.memory_space<vmem>>)
      tpu.yield
    }) : () -> ()
    %iota3A = tpu.iota {dimensions = array<i32: 0>} : vector<16xi32>
    %scan3A = arith.constant 0 : i32
    %scan3A_3 = arith.constant 0 : i32
    %scan3A_4 = arith.constant 32 : i32
    %scan3A_5 = arith.addi %scan3A_3, %scan3A_4 : i32
    %scan3A_6 = arith.constant 1 : i32
    %scan3A_7 = scf.for %scan3A_9 = %scan3A_3 to %scan3A_5 step %scan3A_6 iter_args(%scan3A_10 = %scan3A) -> (i32)  : i32 {
      %mul3A_11 = arith.constant 16 : i32
      %mul3A_12 = arith.muli %scan3A_9, %mul3A_11 : i32
      %multiple_of3A = tpu.assume_multiple %mul3A_12, 16 : i32
      %get3A = arith.index_cast %multiple_of3A : i32 to index
      %get3A_13 = tpu.vector_load %arg5[%get3A] {strides = array<i32>} : memref<512xi32, #tpu.memory_space<vmem>>, vector<16xi32>,
      %eq3A = arith.constant 0 : i32
      %eq3A_14 = vector.broadcast %eq3A : i32 to vector<16xi32>
      %eq3A_15 = arith.cmpi eq, %iota3A, %eq3A_14 : vector<16xi32>
      %jit3A = arith.constant 0 : i32
      %broadcast_in_dim3A = vector.broadcast %jit3A : i32 to vector<16xi32>
      %select_n3A = arith.select %eq3A_15, %get3A_13, %broadcast_in_dim3A : vector<16xi1>, vector<16xi32>
      %reduce_sum3A = arith.constant true
      %reduce_sum3A_16 = vector.broadcast %reduce_sum3A : i1 to vector<16xi1>
      %reduce_sum3A_17 = tpu.scan <sum>, %select_n3A masked %reduce_sum3A_16 : vector<16xi32>, vector<16xi1> -> vector<16xi32>
      %reduce_sum3A_18 = vector.extract %reduce_sum3A_17[15] : i32 from vector<16xi32>
      %shift_right_arithmetic3A = arith.constant 14 : i32
      %shift_right_arithmetic3A_19 = arith.shrsi %reduce_sum3A_18, %shift_right_arithmetic3A : i32
      %mul3A_20 = arith.constant 8192 : i32
      %mul3A_21 = arith.muli %shift_right_arithmetic3A_19, %mul3A_20 : i32
      %and3A = arith.constant 8191 : i32
      %and3A_22 = arith.andi %reduce_sum3A_18, %and3A : i32
      %add3A_23 = arith.addi %mul3A_21, %and3A_22 : i32
      %shift_right_arithmetic3A_24 = arith.constant 13 : i32
      %shift_right_arithmetic3A_25 = arith.shrsi %reduce_sum3A_18, %shift_right_arithmetic3A_24 : i32
      %and3A_26 = arith.constant 1 : i32
      %and3A_27 = arith.andi %shift_right_arithmetic3A_25, %and3A_26 : i32
      %mul3A_28 = arith.constant 64 : i32
      %mul3A_29 = arith.muli %and3A_27, %mul3A_28 : i32
      %multiple_of3A_30 = tpu.assume_multiple %mul3A_29, 64 : i32
      %mul3A_31 = arith.constant 16 : i32
      %mul3A_32 = arith.muli %scan3A_9, %mul3A_31 : i32
      %add3A_33 = arith.constant 0 : i32
      %add3A_34 = arith.addi %mul3A_32, %add3A_33 : i32
      %dma_start3A = arith.constant 0 : i32
      %dma_start3A_35 = tpu.memref_slice %arg6[%add3A_34, %dma_start3A] : memref<512x64xf32, #tpu.memory_space<vmem>> -> memref<1x64xf32, #tpu.memory_space<vmem>>
      %dma_start3A_36 = tpu.memref_squeeze %dma_start3A_35 : memref<1x64xf32, #tpu.memory_space<vmem>> -> memref<64xf32, #tpu.memory_space<vmem>>
      %dma_start3A_37 = tpu.memref_slice %arg3[%add3A_23, %multiple_of3A_30] : memref<507904x128xf32, #tpu.memory_space<hbm>> -> memref<1x64xf32, #tpu.memory_space<hbm>>
      %dma_start3A_38 = tpu.memref_squeeze %dma_start3A_37 : memref<1x64xf32, #tpu.memory_space<hbm>> -> memref<64xf32, #tpu.memory_space<hbm>>
      %dma_start3A_39 = arith.constant 0 : i32
      %dma_start3A_40 = tpu.memref_slice %arg6[%add3A_34, %dma_start3A_39] : memref<512x64xf32, #tpu.memory_space<vmem>> -> memref<1x64xf32, #tpu.memory_space<vmem>>
      %dma_start3A_41 = tpu.memref_squeeze %dma_start3A_40 : memref<1x64xf32, #tpu.memory_space<vmem>> -> memref<64xf32, #tpu.memory_space<vmem>>
      %dma_start3A_42 = tpu.memref_slice %arg3[%add3A_23, %multiple_of3A_30] : memref<507904x128xf32, #tpu.memory_space<hbm>> -> memref<1x64xf32, #tpu.memory_space<hbm>>
      %dma_start3A_43 = tpu.memref_squeeze %dma_start3A_42 : memref<1x64xf32, #tpu.memory_space<hbm>> -> memref<64xf32, #tpu.memory_space<hbm>>
      tpu.enqueue_dma source(%dma_start3A_43 : memref<64xf32, #tpu.memory_space<hbm>>) target(%dma_start3A_41 : memref<64xf32, #tpu.memory_space<vmem>>) target_semaphore(%arg7 : memref<!tpu.dma_semaphore, #tpu.memory_space<semaphore_mem>>)
      %eq3A_44 = arith.constant 1 : i32
      %eq3A_45 = vector.broadcast %eq3A_44 : i32 to vector<16xi32>
      %eq3A_46 = arith.cmpi eq, %iota3A, %eq3A_45 : vector<16xi32>
      %jit3A_47 = arith.constant 0 : i32
      %broadcast_in_dim3A_48 = vector.broadcast %jit3A_47 : i32 to vector<16xi32>
      %select_n3A_49 = arith.select %eq3A_46, %get3A_13, %broadcast_in_dim3A_48 : vector<16xi1>, vector<16xi32>
      %reduce_sum3A_50 = arith.constant true
      %reduce_sum3A_51 = vector.broadcast %reduce_sum3A_50 : i1 to vector<16xi1>
      %reduce_sum3A_52 = tpu.scan <sum>, %select_n3A_49 masked %reduce_sum3A_51 : vector<16xi32>, vector<16xi1> -> vector<16xi32>
      %reduce_sum3A_53 = vector.extract %reduce_sum3A_52[15] : i32 from vector<16xi32>
      %shift_right_arithmetic3A_54 = arith.constant 14 : i32
      %shift_right_arithmetic3A_55 = arith.shrsi %reduce_sum3A_53, %shift_right_arithmetic3A_54 : i32
      %mul3A_56 = arith.constant 8192 : i32
      %mul3A_57 = arith.muli %shift_right_arithmetic3A_55, %mul3A_56 : i32
      %and3A_58 = arith.constant 8191 : i32
      %and3A_59 = arith.andi %reduce_sum3A_53, %and3A_58 : i32
      %add3A_60 = arith.addi %mul3A_57, %and3A_59 : i32
      %shift_right_arithmetic3A_61 = arith.constant 13 : i32
      %shift_right_arithmetic3A_62 = arith.shrsi %reduce_sum3A_53, %shift_right_arithmetic3A_61 : i32
      %and3A_63 = arith.constant 1 : i32
      %and3A_64 = arith.andi %shift_right_arithmetic3A_62, %and3A_63 : i32
      %mul3A_65 = arith.constant 64 : i32
      %mul3A_66 = arith.muli %and3A_64, %mul3A_65 : i32
      %multiple_of3A_67 = tpu.assume_multiple %mul3A_66, 64 : i32
      %mul3A_68 = arith.constant 16 : i32
      %mul3A_69 = arith.muli %scan3A_9, %mul3A_68 : i32
      %add3A_70 = arith.constant 1 : i32
      %add3A_71 = arith.addi %mul3A_69, %add3A_70 : i32
      %dma_start3A_72 = arith.constant 0 : i32
      %dma_start3A_73 = tpu.memref_slice %arg6[%add3A_71, %dma_start3A_72] : memref<512x64xf32, #tpu.memory_space<vmem>> -> memref<1x64xf32, #tpu.memory_space<vmem>>
      %dma_start3A_74 = tpu.memref_squeeze %dma_start3A_73 : memref<1x64xf32, #tpu.memory_space<vmem>> -> memref<64xf32, #tpu.memory_space<vmem>>
      %dma_start3A_75 = tpu.memref_slice %arg3[%add3A_60, %multiple_of3A_67] : memref<507904x128xf32, #tpu.memory_space<hbm>> -> memref<1x64xf32, #tpu.memory_space<hbm>>
      %dma_start3A_76 = tpu.memref_squeeze %dma_start3A_75 : memref<1x64xf32, #tpu.memory_space<hbm>> -> memref<64xf32, #tpu.memory_space<hbm>>
      %dma_start3A_77 = arith.constant 0 : i32
      %dma_start3A_78 = tpu.memref_slice %arg6[%add3A_71, %dma_start3A_77] : memref<512x64xf32, #tpu.memory_space<vmem>> -> memref<1x64xf32, #tpu.memory_space<vmem>>
      %dma_start3A_79 = tpu.memref_squeeze %dma_start3A_78 : memref<1x64xf32, #tpu.memory_space<vmem>> -> memref<64xf32, #tpu.memory_space<vmem>>
      %dma_start3A_80 = tpu.memref_slice %arg3[%add3A_60, %multiple_of3A_67] : memref<507904x128xf32, #tpu.memory_space<hbm>> -> memref<1x64xf32, #tpu.memory_space<hbm>>
      %dma_start3A_81 = tpu.memref_squeeze %dma_start3A_80 : memref<1x64xf32, #tpu.memory_space<hbm>> -> memref<64xf32, #tpu.memory_space<hbm>>
      tpu.enqueue_dma source(%dma_start3A_81 : memref<64xf32, #tpu.memory_space<hbm>>) target(%dma_start3A_79 : memref<64xf32, #tpu.memory_space<vmem>>) target_semaphore(%arg7 : memref<!tpu.dma_semaphore, #tpu.memory_space<semaphore_mem>>)
      %eq3A_82 = arith.constant 2 : i32
      %eq3A_83 = vector.broadcast %eq3A_82 : i32 to vector<16xi32>
      %eq3A_84 = arith.cmpi eq, %iota3A, %eq3A_83 : vector<16xi32>
      %jit3A_85 = arith.constant 0 : i32
      %broadcast_in_dim3A_86 = vector.broadcast %jit3A_85 : i32 to vector<16xi32>
      %select_n3A_87 = arith.select %eq3A_84, %get3A_13, %broadcast_in_dim3A_86 : vector<16xi1>, vector<16xi32>
      %reduce_sum3A_88 = arith.constant true
      %reduce_sum3A_89 = vector.broadcast %reduce_sum3A_88 : i1 to vector<16xi1>
      %reduce_sum3A_90 = tpu.scan <sum>, %select_n3A_87 masked %reduce_sum3A_89 : vector<16xi32>, vector<16xi1> -> vector<16xi32>
      %reduce_sum3A_91 = vector.extract %reduce_sum3A_90[15] : i32 from vector<16xi32>
      %shift_right_arithmetic3A_92 = arith.constant 14 : i32
      %shift_right_arithmetic3A_93 = arith.shrsi %reduce_sum3A_91, %shift_right_arithmetic3A_92 : i32
      %mul3A_94 = arith.constant 8192 : i32
      %mul3A_95 = arith.muli %shift_right_arithmetic3A_93, %mul3A_94 : i32
      %and3A_96 = arith.constant 8191 : i32
      %and3A_97 = arith.andi %reduce_sum3A_91, %and3A_96 : i32
      %add3A_98 = arith.addi %mul3A_95, %and3A_97 : i32
      %shift_right_arithmetic3A_99 = arith.constant 13 : i32
      %shift_right_arithmetic3A_100 = arith.shrsi %reduce_sum3A_91, %shift_right_arithmetic3A_99 : i32
      %and3A_101 = arith.constant 1 : i32
      %and3A_102 = arith.andi %shift_right_arithmetic3A_100, %and3A_101 : i32
      %mul3A_103 = arith.constant 64 : i32
      %mul3A_104 = arith.muli %and3A_102, %mul3A_103 : i32
      %multiple_of3A_105 = tpu.assume_multiple %mul3A_104, 64 : i32
      %mul3A_106 = arith.constant 16 : i32
      %mul3A_107 = arith.muli %scan3A_9, %mul3A_106 : i32
      %add3A_108 = arith.constant 2 : i32
      %add3A_109 = arith.addi %mul3A_107, %add3A_108 : i32
      %dma_start3A_110 = arith.constant 0 : i32
      %dma_start3A_111 = tpu.memref_slice %arg6[%add3A_109, %dma_start3A_110] : memref<512x64xf32, #tpu.memory_space<vmem>> -> memref<1x64xf32, #tpu.memory_space<vmem>>
      %dma_start3A_112 = tpu.memref_squeeze %dma_start3A_111 : memref<1x64xf32, #tpu.memory_space<vmem>> -> memref<64xf32, #tpu.memory_space<vmem>>
      %dma_start3A_113 = tpu.memref_slice %arg3[%add3A_98, %multiple_of3A_105] : memref<507904x128xf32, #tpu.memory_space<hbm>> -> memref<1x64xf32, #tpu.memory_space<hbm>>
      %dma_start3A_114 = tpu.memref_squeeze %dma_start3A_113 : memref<1x64xf32, #tpu.memory_space<hbm>> -> memref<64xf32, #tpu.memory_space<hbm>>
      %dma_start3A_115 = arith.constant 0 : i32
      %dma_start3A_116 = tpu.memref_slice %arg6[%add3A_109, %dma_start3A_115] : memref<512x64xf32, #tpu.memory_space<vmem>> -> memref<1x64xf32, #tpu.memory_space<vmem>>
      %dma_start3A_117 = tpu.memref_squeeze %dma_start3A_116 : memref<1x64xf32, #tpu.memory_space<vmem>> -> memref<64xf32, #tpu.memory_space<vmem>>
      %dma_start3A_118 = tpu.memref_slice %arg3[%add3A_98, %multiple_of3A_105] : memref<507904x128xf32, #tpu.memory_space<hbm>> -> memref<1x64xf32, #tpu.memory_space<hbm>>
      %dma_start3A_119 = tpu.memref_squeeze %dma_start3A_118 : memref<1x64xf32, #tpu.memory_space<hbm>> -> memref<64xf32, #tpu.memory_space<hbm>>
      tpu.enqueue_dma source(%dma_start3A_119 : memref<64xf32, #tpu.memory_space<hbm>>) target(%dma_start3A_117 : memref<64xf32, #tpu.memory_space<vmem>>) target_semaphore(%arg7 : memref<!tpu.dma_semaphore, #tpu.memory_space<semaphore_mem>>)
      %eq3A_120 = arith.constant 3 : i32
      %eq3A_121 = vector.broadcast %eq3A_120 : i32 to vector<16xi32>
      %eq3A_122 = arith.cmpi eq, %iota3A, %eq3A_121 : vector<16xi32>
      %jit3A_123 = arith.constant 0 : i32
      %broadcast_in_dim3A_124 = vector.broadcast %jit3A_123 : i32 to vector<16xi32>
      %select_n3A_125 = arith.select %eq3A_122, %get3A_13, %broadcast_in_dim3A_124 : vector<16xi1>, vector<16xi32>
      %reduce_sum3A_126 = arith.constant true
      %reduce_sum3A_127 = vector.broadcast %reduce_sum3A_126 : i1 to vector<16xi1>
      %reduce_sum3A_128 = tpu.scan <sum>, %select_n3A_125 masked %reduce_sum3A_127 : vector<16xi32>, vector<16xi1> -> vector<16xi32>
      %reduce_sum3A_129 = vector.extract %reduce_sum3A_128[15] : i32 from vector<16xi32>
      %shift_right_arithmetic3A_130 = arith.constant 14 : i32
      %shift_right_arithmetic3A_131 = arith.shrsi %reduce_sum3A_129, %shift_right_arithmetic3A_130 : i32
      %mul3A_132 = arith.constant 8192 : i32
      %mul3A_133 = arith.muli %shift_right_arithmetic3A_131, %mul3A_132 : i32
      %and3A_134 = arith.constant 8191 : i32
      %and3A_135 = arith.andi %reduce_sum3A_129, %and3A_134 : i32
      %add3A_136 = arith.addi %mul3A_133, %and3A_135 : i32
      %shift_right_arithmetic3A_137 = arith.constant 13 : i32
      %shift_right_arithmetic3A_138 = arith.shrsi %reduce_sum3A_129, %shift_right_arithmetic3A_137 : i32
      %and3A_139 = arith.constant 1 : i32
      %and3A_140 = arith.andi %shift_right_arithmetic3A_138, %and3A_139 : i32
      %mul3A_141 = arith.constant 64 : i32
      %mul3A_142 = arith.muli %and3A_140, %mul3A_141 : i32
      %multiple_of3A_143 = tpu.assume_multiple %mul3A_142, 64 : i32
      %mul3A_144 = arith.constant 16 : i32
      %mul3A_145 = arith.muli %scan3A_9, %mul3A_144 : i32
      %add3A_146 = arith.constant 3 : i32
      %add3A_147 = arith.addi %mul3A_145, %add3A_146 : i32
      %dma_start3A_148 = arith.constant 0 : i32
      %dma_start3A_149 = tpu.memref_slice %arg6[%add3A_147, %dma_start3A_148] : memref<512x64xf32, #tpu.memory_space<vmem>> -> memref<1x64xf32, #tpu.memory_space<vmem>>
      %dma_start3A_150 = tpu.memref_squeeze %dma_start3A_149 : memref<1x64xf32, #tpu.memory_space<vmem>> -> memref<64xf32, #tpu.memory_space<vmem>>
      %dma_start3A_151 = tpu.memref_slice %arg3[%add3A_136, %multiple_of3A_143] : memref<507904x128xf32, #tpu.memory_space<hbm>> -> memref<1x64xf32, #tpu.memory_space<hbm>>
      %dma_start3A_152 = tpu.memref_squeeze %dma_start3A_151 : memref<1x64xf32, #tpu.memory_space<hbm>> -> memref<64xf32, #tpu.memory_space<hbm>>
      %dma_start3A_153 = arith.constant 0 : i32
      %dma_start3A_154 = tpu.memref_slice %arg6[%add3A_147, %dma_start3A_153] : memref<512x64xf32, #tpu.memory_space<vmem>> -> memref<1x64xf32, #tpu.memory_space<vmem>>
      %dma_start3A_155 = tpu.memref_squeeze %dma_start3A_154 : memref<1x64xf32, #tpu.memory_space<vmem>> -> memref<64xf32, #tpu.memory_space<vmem>>
      %dma_start3A_156 = tpu.memref_slice %arg3[%add3A_136, %multiple_of3A_143] : memref<507904x128xf32, #tpu.memory_space<hbm>> -> memref<1x64xf32, #tpu.memory_space<hbm>>
      %dma_start3A_157 = tpu.memref_squeeze %dma_start3A_156 : memref<1x64xf32, #tpu.memory_space<hbm>> -> memref<64xf32, #tpu.memory_space<hbm>>
      tpu.enqueue_dma source(%dma_start3A_157 : memref<64xf32, #tpu.memory_space<hbm>>) target(%dma_start3A_155 : memref<64xf32, #tpu.memory_space<vmem>>) target_semaphore(%arg7 : memref<!tpu.dma_semaphore, #tpu.memory_space<semaphore_mem>>)
      %eq3A_158 = arith.constant 4 : i32
      %eq3A_159 = vector.broadcast %eq3A_158 : i32 to vector<16xi32>
      %eq3A_160 = arith.cmpi eq, %iota3A, %eq3A_159 : vector<16xi32>
      %jit3A_161 = arith.constant 0 : i32
      %broadcast_in_dim3A_162 = vector.broadcast %jit3A_161 : i32 to vector<16xi32>
      %select_n3A_163 = arith.select %eq3A_160, %get3A_13, %broadcast_in_dim3A_162 : vector<16xi1>, vector<16xi32>
      %reduce_sum3A_164 = arith.constant true
      %reduce_sum3A_165 = vector.broadcast %reduce_sum3A_164 : i1 to vector<16xi1>
      %reduce_sum3A_166 = tpu.scan <sum>, %select_n3A_163 masked %reduce_sum3A_165 : vector<16xi32>, vector<16xi1> -> vector<16xi32>
      %reduce_sum3A_167 = vector.extract %reduce_sum3A_166[15] : i32 from vector<16xi32>
      %shift_right_arithmetic3A_168 = arith.constant 14 : i32
      %shift_right_arithmetic3A_169 = arith.shrsi %reduce_sum3A_167, %shift_right_arithmetic3A_168 : i32
      %mul3A_170 = arith.constant 8192 : i32
      %mul3A_171 = arith.muli %shift_right_arithmetic3A_169, %mul3A_170 : i32
      %and3A_172 = arith.constant 8191 : i32
      %and3A_173 = arith.andi %reduce_sum3A_167, %and3A_172 : i32
      %add3A_174 = arith.addi %mul3A_171, %and3A_173 : i32
      %shift_right_arithmetic3A_175 = arith.constant 13 : i32
      %shift_right_arithmetic3A_176 = arith.shrsi %reduce_sum3A_167, %shift_right_arithmetic3A_175 : i32
      %and3A_177 = arith.constant 1 : i32
      %and3A_178 = arith.andi %shift_right_arithmetic3A_176, %and3A_177 : i32
      %mul3A_179 = arith.constant 64 : i32
      %mul3A_180 = arith.muli %and3A_178, %mul3A_179 : i32
      %multiple_of3A_181 = tpu.assume_multiple %mul3A_180, 64 : i32
      %mul3A_182 = arith.constant 16 : i32
      %mul3A_183 = arith.muli %scan3A_9, %mul3A_182 : i32
      %add3A_184 = arith.constant 4 : i32
      %add3A_185 = arith.addi %mul3A_183, %add3A_184 : i32
      %dma_start3A_186 = arith.constant 0 : i32
      %dma_start3A_187 = tpu.memref_slice %arg6[%add3A_185, %dma_start3A_186] : memref<512x64xf32, #tpu.memory_space<vmem>> -> memref<1x64xf32, #tpu.memory_space<vmem>>
      %dma_start3A_188 = tpu.memref_squeeze %dma_start3A_187 : memref<1x64xf32, #tpu.memory_space<vmem>> -> memref<64xf32, #tpu.memory_space<vmem>>
      %dma_start3A_189 = tpu.memref_slice %arg3[%add3A_174, %multiple_of3A_181] : memref<507904x128xf32, #tpu.memory_space<hbm>> -> memref<1x64xf32, #tpu.memory_space<hbm>>
      %dma_start3A_190 = tpu.memref_squeeze %dma_start3A_189 : memref<1x64xf32, #tpu.memory_space<hbm>> -> memref<64xf32, #tpu.memory_space<hbm>>
      %dma_start3A_191 = arith.constant 0 : i32
      %dma_start3A_192 = tpu.memref_slice %arg6[%add3A_185, %dma_start3A_191] : memref<512x64xf32, #tpu.memory_space<vmem>> -> memref<1x64xf32, #tpu.memory_space<vmem>>
      %dma_start3A_193 = tpu.memref_squeeze %dma_start3A_192 : memref<1x64xf32, #tpu.memory_space<vmem>> -> memref<64xf32, #tpu.memory_space<vmem>>
      %dma_start3A_194 = tpu.memref_slice %arg3[%add3A_174, %multiple_of3A_181] : memref<507904x128xf32, #tpu.memory_space<hbm>> -> memref<1x64xf32, #tpu.memory_space<hbm>>
      %dma_start3A_195 = tpu.memref_squeeze %dma_start3A_194 : memref<1x64xf32, #tpu.memory_space<hbm>> -> memref<64xf32, #tpu.memory_space<hbm>>
      tpu.enqueue_dma source(%dma_start3A_195 : memref<64xf32, #tpu.memory_space<hbm>>) target(%dma_start3A_193 : memref<64xf32, #tpu.memory_space<vmem>>) target_semaphore(%arg7 : memref<!tpu.dma_semaphore, #tpu.memory_space<semaphore_mem>>)
      %eq3A_196 = arith.constant 5 : i32
      %eq3A_197 = vector.broadcast %eq3A_196 : i32 to vector<16xi32>
      %eq3A_198 = arith.cmpi eq, %iota3A, %eq3A_197 : vector<16xi32>
      %jit3A_199 = arith.constant 0 : i32
      %broadcast_in_dim3A_200 = vector.broadcast %jit3A_199 : i32 to vector<16xi32>
      %select_n3A_201 = arith.select %eq3A_198, %get3A_13, %broadcast_in_dim3A_200 : vector<16xi1>, vector<16xi32>
      %reduce_sum3A_202 = arith.constant true
      %reduce_sum3A_203 = vector.broadcast %reduce_sum3A_202 : i1 to vector<16xi1>
      %reduce_sum3A_204 = tpu.scan <sum>, %select_n3A_201 masked %reduce_sum3A_203 : vector<16xi32>, vector<16xi1> -> vector<16xi32>
      %reduce_sum3A_205 = vector.extract %reduce_sum3A_204[15] : i32 from vector<16xi32>
      %shift_right_arithmetic3A_206 = arith.constant 14 : i32
      %shift_right_arithmetic3A_207 = arith.shrsi %reduce_sum3A_205, %shift_right_arithmetic3A_206 : i32
      %mul3A_208 = arith.constant 8192 : i32
      %mul3A_209 = arith.muli %shift_right_arithmetic3A_207, %mul3A_208 : i32
      %and3A_210 = arith.constant 8191 : i32
      %and3A_211 = arith.andi %reduce_sum3A_205, %and3A_210 : i32
      %add3A_212 = arith.addi %mul3A_209, %and3A_211 : i32
      %shift_right_arithmetic3A_213 = arith.constant 13 : i32
      %shift_right_arithmetic3A_214 = arith.shrsi %reduce_sum3A_205, %shift_right_arithmetic3A_213 : i32
      %and3A_215 = arith.constant 1 : i32
      %and3A_216 = arith.andi %shift_right_arithmetic3A_214, %and3A_215 : i32
      %mul3A_217 = arith.constant 64 : i32
      %mul3A_218 = arith.muli %and3A_216, %mul3A_217 : i32
      %multiple_of3A_219 = tpu.assume_multiple %mul3A_218, 64 : i32
      %mul3A_220 = arith.constant 16 : i32
      %mul3A_221 = arith.muli %scan3A_9, %mul3A_220 : i32
      %add3A_222 = arith.constant 5 : i32
      %add3A_223 = arith.addi %mul3A_221, %add3A_222 : i32
      %dma_start3A_224 = arith.constant 0 : i32
      %dma_start3A_225 = tpu.memref_slice %arg6[%add3A_223, %dma_start3A_224] : memref<512x64xf32, #tpu.memory_space<vmem>> -> memref<1x64xf32, #tpu.memory_space<vmem>>
      %dma_start3A_226 = tpu.memref_squeeze %dma_start3A_225 : memref<1x64xf32, #tpu.memory_space<vmem>> -> memref<64xf32, #tpu.memory_space<vmem>>
      %dma_start3A_227 = tpu.memref_slice %arg3[%add3A_212, %multiple_of3A_219] : memref<507904x128xf32, #tpu.memory_space<hbm>> -> memref<1x64xf32, #tpu.memory_space<hbm>>
      %dma_start3A_228 = tpu.memref_squeeze %dma_start3A_227 : memref<1x64xf32, #tpu.memory_space<hbm>> -> memref<64xf32, #tpu.memory_space<hbm>>
      %dma_start3A_229 = arith.constant 0 : i32
      %dma_start3A_230 = tpu.memref_slice %arg6[%add3A_223, %dma_start3A_229] : memref<512x64xf32, #tpu.memory_space<vmem>> -> memref<1x64xf32, #tpu.memory_space<vmem>>
      %dma_start3A_231 = tpu.memref_squeeze %dma_start3A_230 : memref<1x64xf32, #tpu.memory_space<vmem>> -> memref<64xf32, #tpu.memory_space<vmem>>
      %dma_start3A_232 = tpu.memref_slice %arg3[%add3A_212, %multiple_of3A_219] : memref<507904x128xf32, #tpu.memory_space<hbm>> -> memref<1x64xf32, #tpu.memory_space<hbm>>
      %dma_start3A_233 = tpu.memref_squeeze %dma_start3A_232 : memref<1x64xf32, #tpu.memory_space<hbm>> -> memref<64xf32, #tpu.memory_space<hbm>>
      tpu.enqueue_dma source(%dma_start3A_233 : memref<64xf32, #tpu.memory_space<hbm>>) target(%dma_start3A_231 : memref<64xf32, #tpu.memory_space<vmem>>) target_semaphore(%arg7 : memref<!tpu.dma_semaphore, #tpu.memory_space<semaphore_mem>>)
      %eq3A_234 = arith.constant 6 : i32
      %eq3A_235 = vector.broadcast %eq3A_234 : i32 to vector<16xi32>
      %eq3A_236 = arith.cmpi eq, %iota3A, %eq3A_235 : vector<16xi32>
      %jit3A_237 = arith.constant 0 : i32
      %broadcast_in_dim3A_238 = vector.broadcast %jit3A_237 : i32 to vector<16xi32>
      %select_n3A_239 = arith.select %eq3A_236, %get3A_13, %broadcast_in_dim3A_238 : vector<16xi1>, vector<16xi32>
      %reduce_sum3A_240 = arith.constant true
      %reduce_sum3A_241 = vector.broadcast %reduce_sum3A_240 : i1 to vector<16xi1>
      %reduce_sum3A_242 = tpu.scan <sum>, %select_n3A_239 masked %reduce_sum3A_241 : vector<16xi32>, vector<16xi1> -> vector<16xi32>
      %reduce_sum3A_243 = vector.extract %reduce_sum3A_242[15] : i32 from vector<16xi32>
      %shift_right_arithmetic3A_244 = arith.constant 14 : i32
      %shift_right_arithmetic3A_245 = arith.shrsi %reduce_sum3A_243, %shift_right_arithmetic3A_244 : i32
      %mul3A_246 = arith.constant 8192 : i32
      %mul3A_247 = arith.muli %shift_right_arithmetic3A_245, %mul3A_246 : i32
      %and3A_248 = arith.constant 8191 : i32
      %and3A_249 = arith.andi %reduce_sum3A_243, %and3A_248 : i32
      %add3A_250 = arith.addi %mul3A_247, %and3A_249 : i32
      %shift_right_arithmetic3A_251 = arith.constant 13 : i32
      %shift_right_arithmetic3A_252 = arith.shrsi %reduce_sum3A_243, %shift_right_arithmetic3A_251 : i32
      %and3A_253 = arith.constant 1 : i32
      %and3A_254 = arith.andi %shift_right_arithmetic3A_252, %and3A_253 : i32
      %mul3A_255 = arith.constant 64 : i32
      %mul3A_256 = arith.muli %and3A_254, %mul3A_255 : i32
      %multiple_of3A_257 = tpu.assume_multiple %mul3A_256, 64 : i32
      %mul3A_258 = arith.constant 16 : i32
      %mul3A_259 = arith.muli %scan3A_9, %mul3A_258 : i32
      %add3A_260 = arith.constant 6 : i32
      %add3A_261 = arith.addi %mul3A_259, %add3A_260 : i32
      %dma_start3A_262 = arith.constant 0 : i32
      %dma_start3A_263 = tpu.memref_slice %arg6[%add3A_261, %dma_start3A_262] : memref<512x64xf32, #tpu.memory_space<vmem>> -> memref<1x64xf32, #tpu.memory_space<vmem>>
      %dma_start3A_264 = tpu.memref_squeeze %dma_start3A_263 : memref<1x64xf32, #tpu.memory_space<vmem>> -> memref<64xf32, #tpu.memory_space<vmem>>
      %dma_start3A_265 = tpu.memref_slice %arg3[%add3A_250, %multiple_of3A_257] : memref<507904x128xf32, #tpu.memory_space<hbm>> -> memref<1x64xf32, #tpu.memory_space<hbm>>
      %dma_start3A_266 = tpu.memref_squeeze %dma_start3A_265 : memref<1x64xf32, #tpu.memory_space<hbm>> -> memref<64xf32, #tpu.memory_space<hbm>>
      %dma_start3A_267 = arith.constant 0 : i32
      %dma_start3A_268 = tpu.memref_slice %arg6[%add3A_261, %dma_start3A_267] : memref<512x64xf32, #tpu.memory_space<vmem>> -> memref<1x64xf32, #tpu.memory_space<vmem>>
      %dma_start3A_269 = tpu.memref_squeeze %dma_start3A_268 : memref<1x64xf32, #tpu.memory_space<vmem>> -> memref<64xf32, #tpu.memory_space<vmem>>
      %dma_start3A_270 = tpu.memref_slice %arg3[%add3A_250, %multiple_of3A_257] : memref<507904x128xf32, #tpu.memory_space<hbm>> -> memref<1x64xf32, #tpu.memory_space<hbm>>
      %dma_start3A_271 = tpu.memref_squeeze %dma_start3A_270 : memref<1x64xf32, #tpu.memory_space<hbm>> -> memref<64xf32, #tpu.memory_space<hbm>>
      tpu.enqueue_dma source(%dma_start3A_271 : memref<64xf32, #tpu.memory_space<hbm>>) target(%dma_start3A_269 : memref<64xf32, #tpu.memory_space<vmem>>) target_semaphore(%arg7 : memref<!tpu.dma_semaphore, #tpu.memory_space<semaphore_mem>>)
      %eq3A_272 = arith.constant 7 : i32
      %eq3A_273 = vector.broadcast %eq3A_272 : i32 to vector<16xi32>
      %eq3A_274 = arith.cmpi eq, %iota3A, %eq3A_273 : vector<16xi32>
      %jit3A_275 = arith.constant 0 : i32
      %broadcast_in_dim3A_276 = vector.broadcast %jit3A_275 : i32 to vector<16xi32>
      %select_n3A_277 = arith.select %eq3A_274, %get3A_13, %broadcast_in_dim3A_276 : vector<16xi1>, vector<16xi32>
      %reduce_sum3A_278 = arith.constant true
      %reduce_sum3A_279 = vector.broadcast %reduce_sum3A_278 : i1 to vector<16xi1>
      %reduce_sum3A_280 = tpu.scan <sum>, %select_n3A_277 masked %reduce_sum3A_279 : vector<16xi32>, vector<16xi1> -> vector<16xi32>
      %reduce_sum3A_281 = vector.extract %reduce_sum3A_280[15] : i32 from vector<16xi32>
      %shift_right_arithmetic3A_282 = arith.constant 14 : i32
      %shift_right_arithmetic3A_283 = arith.shrsi %reduce_sum3A_281, %shift_right_arithmetic3A_282 : i32
      %mul3A_284 = arith.constant 8192 : i32
      %mul3A_285 = arith.muli %shift_right_arithmetic3A_283, %mul3A_284 : i32
      %and3A_286 = arith.constant 8191 : i32
      %and3A_287 = arith.andi %reduce_sum3A_281, %and3A_286 : i32
      %add3A_288 = arith.addi %mul3A_285, %and3A_287 : i32
      %shift_right_arithmetic3A_289 = arith.constant 13 : i32
      %shift_right_arithmetic3A_290 = arith.shrsi %reduce_sum3A_281, %shift_right_arithmetic3A_289 : i32
      %and3A_291 = arith.constant 1 : i32
      %and3A_292 = arith.andi %shift_right_arithmetic3A_290, %and3A_291 : i32
      %mul3A_293 = arith.constant 64 : i32
      %mul3A_294 = arith.muli %and3A_292, %mul3A_293 : i32
      %multiple_of3A_295 = tpu.assume_multiple %mul3A_294, 64 : i32
      %mul3A_296 = arith.constant 16 : i32
      %mul3A_297 = arith.muli %scan3A_9, %mul3A_296 : i32
      %add3A_298 = arith.constant 7 : i32
      %add3A_299 = arith.addi %mul3A_297, %add3A_298 : i32
      %dma_start3A_300 = arith.constant 0 : i32
      %dma_start3A_301 = tpu.memref_slice %arg6[%add3A_299, %dma_start3A_300] : memref<512x64xf32, #tpu.memory_space<vmem>> -> memref<1x64xf32, #tpu.memory_space<vmem>>
      %dma_start3A_302 = tpu.memref_squeeze %dma_start3A_301 : memref<1x64xf32, #tpu.memory_space<vmem>> -> memref<64xf32, #tpu.memory_space<vmem>>
      %dma_start3A_303 = tpu.memref_slice %arg3[%add3A_288, %multiple_of3A_295] : memref<507904x128xf32, #tpu.memory_space<hbm>> -> memref<1x64xf32, #tpu.memory_space<hbm>>
      %dma_start3A_304 = tpu.memref_squeeze %dma_start3A_303 : memref<1x64xf32, #tpu.memory_space<hbm>> -> memref<64xf32, #tpu.memory_space<hbm>>
      %dma_start3A_305 = arith.constant 0 : i32
      %dma_start3A_306 = tpu.memref_slice %arg6[%add3A_299, %dma_start3A_305] : memref<512x64xf32, #tpu.memory_space<vmem>> -> memref<1x64xf32, #tpu.memory_space<vmem>>
      %dma_start3A_307 = tpu.memref_squeeze %dma_start3A_306 : memref<1x64xf32, #tpu.memory_space<vmem>> -> memref<64xf32, #tpu.memory_space<vmem>>
      %dma_start3A_308 = tpu.memref_slice %arg3[%add3A_288, %multiple_of3A_295] : memref<507904x128xf32, #tpu.memory_space<hbm>> -> memref<1x64xf32, #tpu.memory_space<hbm>>
      %dma_start3A_309 = tpu.memref_squeeze %dma_start3A_308 : memref<1x64xf32, #tpu.memory_space<hbm>> -> memref<64xf32, #tpu.memory_space<hbm>>
      tpu.enqueue_dma source(%dma_start3A_309 : memref<64xf32, #tpu.memory_space<hbm>>) target(%dma_start3A_307 : memref<64xf32, #tpu.memory_space<vmem>>) target_semaphore(%arg7 : memref<!tpu.dma_semaphore, #tpu.memory_space<semaphore_mem>>)
      %eq3A_310 = arith.constant 8 : i32
      %eq3A_311 = vector.broadcast %eq3A_310 : i32 to vector<16xi32>
      %eq3A_312 = arith.cmpi eq, %iota3A, %eq3A_311 : vector<16xi32>
      %jit3A_313 = arith.constant 0 : i32
      %broadcast_in_dim3A_314 = vector.broadcast %jit3A_313 : i32 to vector<16xi32>
      %select_n3A_315 = arith.select %eq3A_312, %get3A_13, %broadcast_in_dim3A_314 : vector<16xi1>, vector<16xi32>
      %reduce_sum3A_316 = arith.constant true
      %reduce_sum3A_317 = vector.broadcast %reduce_sum3A_316 : i1 to vector<16xi1>
      %reduce_sum3A_318 = tpu.scan <sum>, %select_n3A_315 masked %reduce_sum3A_317 : vector<16xi32>, vector<16xi1> -> vector<16xi32>
      %reduce_sum3A_319 = vector.extract %reduce_sum3A_318[15] : i32 from vector<16xi32>
      %shift_right_arithmetic3A_320 = arith.constant 14 : i32
      %shift_right_arithmetic3A_321 = arith.shrsi %reduce_sum3A_319, %shift_right_arithmetic3A_320 : i32
      %mul3A_322 = arith.constant 8192 : i32
      %mul3A_323 = arith.muli %shift_right_arithmetic3A_321, %mul3A_322 : i32
      %and3A_324 = arith.constant 8191 : i32
      %and3A_325 = arith.andi %reduce_sum3A_319, %and3A_324 : i32
      %add3A_326 = arith.addi %mul3A_323, %and3A_325 : i32
      %shift_right_arithmetic3A_327 = arith.constant 13 : i32
      %shift_right_arithmetic3A_328 = arith.shrsi %reduce_sum3A_319, %shift_right_arithmetic3A_327 : i32
      %and3A_329 = arith.constant 1 : i32
      %and3A_330 = arith.andi %shift_right_arithmetic3A_328, %and3A_329 : i32
      %mul3A_331 = arith.constant 64 : i32
      %mul3A_332 = arith.muli %and3A_330, %mul3A_331 : i32
      %multiple_of3A_333 = tpu.assume_multiple %mul3A_332, 64 : i32
      %mul3A_334 = arith.constant 16 : i32
      %mul3A_335 = arith.muli %scan3A_9, %mul3A_334 : i32
      %add3A_336 = arith.constant 8 : i32
      %add3A_337 = arith.addi %mul3A_335, %add3A_336 : i32
      %dma_start3A_338 = arith.constant 0 : i32
      %dma_start3A_339 = tpu.memref_slice %arg6[%add3A_337, %dma_start3A_338] : memref<512x64xf32, #tpu.memory_space<vmem>> -> memref<1x64xf32, #tpu.memory_space<vmem>>
      %dma_start3A_340 = tpu.memref_squeeze %dma_start3A_339 : memref<1x64xf32, #tpu.memory_space<vmem>> -> memref<64xf32, #tpu.memory_space<vmem>>
      %dma_start3A_341 = tpu.memref_slice %arg3[%add3A_326, %multiple_of3A_333] : memref<507904x128xf32, #tpu.memory_space<hbm>> -> memref<1x64xf32, #tpu.memory_space<hbm>>
      %dma_start3A_342 = tpu.memref_squeeze %dma_start3A_341 : memref<1x64xf32, #tpu.memory_space<hbm>> -> memref<64xf32, #tpu.memory_space<hbm>>
      %dma_start3A_343 = arith.constant 0 : i32
      %dma_start3A_344 = tpu.memref_slice %arg6[%add3A_337, %dma_start3A_343] : memref<512x64xf32, #tpu.memory_space<vmem>> -> memref<1x64xf32, #tpu.memory_space<vmem>>
      %dma_start3A_345 = tpu.memref_squeeze %dma_start3A_344 : memref<1x64xf32, #tpu.memory_space<vmem>> -> memref<64xf32, #tpu.memory_space<vmem>>
      %dma_start3A_346 = tpu.memref_slice %arg3[%add3A_326, %multiple_of3A_333] : memref<507904x128xf32, #tpu.memory_space<hbm>> -> memref<1x64xf32, #tpu.memory_space<hbm>>
      %dma_start3A_347 = tpu.memref_squeeze %dma_start3A_346 : memref<1x64xf32, #tpu.memory_space<hbm>> -> memref<64xf32, #tpu.memory_space<hbm>>
      tpu.enqueue_dma source(%dma_start3A_347 : memref<64xf32, #tpu.memory_space<hbm>>) target(%dma_start3A_345 : memref<64xf32, #tpu.memory_space<vmem>>) target_semaphore(%arg7 : memref<!tpu.dma_semaphore, #tpu.memory_space<semaphore_mem>>)
      %eq3A_348 = arith.constant 9 : i32
      %eq3A_349 = vector.broadcast %eq3A_348 : i32 to vector<16xi32>
      %eq3A_350 = arith.cmpi eq, %iota3A, %eq3A_349 : vector<16xi32>
      %jit3A_351 = arith.constant 0 : i32
      %broadcast_in_dim3A_352 = vector.broadcast %jit3A_351 : i32 to vector<16xi32>
      %select_n3A_353 = arith.select %eq3A_350, %get3A_13, %broadcast_in_dim3A_352 : vector<16xi1>, vector<16xi32>
      %reduce_sum3A_354 = arith.constant true
      %reduce_sum3A_355 = vector.broadcast %reduce_sum3A_354 : i1 to vector<16xi1>
      %reduce_sum3A_356 = tpu.scan <sum>, %select_n3A_353 masked %reduce_sum3A_355 : vector<16xi32>, vector<16xi1> -> vector<16xi32>
      %reduce_sum3A_357 = vector.extract %reduce_sum3A_356[15] : i32 from vector<16xi32>
      %shift_right_arithmetic3A_358 = arith.constant 14 : i32
      %shift_right_arithmetic3A_359 = arith.shrsi %reduce_sum3A_357, %shift_right_arithmetic3A_358 : i32
      %mul3A_360 = arith.constant 8192 : i32
      %mul3A_361 = arith.muli %shift_right_arithmetic3A_359, %mul3A_360 : i32
      %and3A_362 = arith.constant 8191 : i32
      %and3A_363 = arith.andi %reduce_sum3A_357, %and3A_362 : i32
      %add3A_364 = arith.addi %mul3A_361, %and3A_363 : i32
      %shift_right_arithmetic3A_365 = arith.constant 13 : i32
      %shift_right_arithmetic3A_366 = arith.shrsi %reduce_sum3A_357, %shift_right_arithmetic3A_365 : i32
      %and3A_367 = arith.constant 1 : i32
      %and3A_368 = arith.andi %shift_right_arithmetic3A_366, %and3A_367 : i32
      %mul3A_369 = arith.constant 64 : i32
      %mul3A_370 = arith.muli %and3A_368, %mul3A_369 : i32
      %multiple_of3A_371 = tpu.assume_multiple %mul3A_370, 64 : i32
      %mul3A_372 = arith.constant 16 : i32
      %mul3A_373 = arith.muli %scan3A_9, %mul3A_372 : i32
      %add3A_374 = arith.constant 9 : i32
      %add3A_375 = arith.addi %mul3A_373, %add3A_374 : i32
      %dma_start3A_376 = arith.constant 0 : i32
      %dma_start3A_377 = tpu.memref_slice %arg6[%add3A_375, %dma_start3A_376] : memref<512x64xf32, #tpu.memory_space<vmem>> -> memref<1x64xf32, #tpu.memory_space<vmem>>
      %dma_start3A_378 = tpu.memref_squeeze %dma_start3A_377 : memref<1x64xf32, #tpu.memory_space<vmem>> -> memref<64xf32, #tpu.memory_space<vmem>>
      %dma_start3A_379 = tpu.memref_slice %arg3[%add3A_364, %multiple_of3A_371] : memref<507904x128xf32, #tpu.memory_space<hbm>> -> memref<1x64xf32, #tpu.memory_space<hbm>>
      %dma_start3A_380 = tpu.memref_squeeze %dma_start3A_379 : memref<1x64xf32, #tpu.memory_space<hbm>> -> memref<64xf32, #tpu.memory_space<hbm>>
      %dma_start3A_381 = arith.constant 0 : i32
      %dma_start3A_382 = tpu.memref_slice %arg6[%add3A_375, %dma_start3A_381] : memref<512x64xf32, #tpu.memory_space<vmem>> -> memref<1x64xf32, #tpu.memory_space<vmem>>
      %dma_start3A_383 = tpu.memref_squeeze %dma_start3A_382 : memref<1x64xf32, #tpu.memory_space<vmem>> -> memref<64xf32, #tpu.memory_space<vmem>>
      %dma_start3A_384 = tpu.memref_slice %arg3[%add3A_364, %multiple_of3A_371] : memref<507904x128xf32, #tpu.memory_space<hbm>> -> memref<1x64xf32, #tpu.memory_space<hbm>>
      %dma_start3A_385 = tpu.memref_squeeze %dma_start3A_384 : memref<1x64xf32, #tpu.memory_space<hbm>> -> memref<64xf32, #tpu.memory_space<hbm>>
      tpu.enqueue_dma source(%dma_start3A_385 : memref<64xf32, #tpu.memory_space<hbm>>) target(%dma_start3A_383 : memref<64xf32, #tpu.memory_space<vmem>>) target_semaphore(%arg7 : memref<!tpu.dma_semaphore, #tpu.memory_space<semaphore_mem>>)
      %eq3A_386 = arith.constant 10 : i32
      %eq3A_387 = vector.broadcast %eq3A_386 : i32 to vector<16xi32>
      %eq3A_388 = arith.cmpi eq, %iota3A, %eq3A_387 : vector<16xi32>
      %jit3A_389 = arith.constant 0 : i32
      %broadcast_in_dim3A_390 = vector.broadcast %jit3A_389 : i32 to vector<16xi32>
      %select_n3A_391 = arith.select %eq3A_388, %get3A_13, %broadcast_in_dim3A_390 : vector<16xi1>, vector<16xi32>
      %reduce_sum3A_392 = arith.constant true
      %reduce_sum3A_393 = vector.broadcast %reduce_sum3A_392 : i1 to vector<16xi1>
      %reduce_sum3A_394 = tpu.scan <sum>, %select_n3A_391 masked %reduce_sum3A_393 : vector<16xi32>, vector<16xi1> -> vector<16xi32>
      %reduce_sum3A_395 = vector.extract %reduce_sum3A_394[15] : i32 from vector<16xi32>
      %shift_right_arithmetic3A_396 = arith.constant 14 : i32
      %shift_right_arithmetic3A_397 = arith.shrsi %reduce_sum3A_395, %shift_right_arithmetic3A_396 : i32
      %mul3A_398 = arith.constant 8192 : i32
      %mul3A_399 = arith.muli %shift_right_arithmetic3A_397, %mul3A_398 : i32
      %and3A_400 = arith.constant 8191 : i32
      %and3A_401 = arith.andi %reduce_sum3A_395, %and3A_400 : i32
      %add3A_402 = arith.addi %mul3A_399, %and3A_401 : i32
      %shift_right_arithmetic3A_403 = arith.constant 13 : i32
      %shift_right_arithmetic3A_404 = arith.shrsi %reduce_sum3A_395, %shift_right_arithmetic3A_403 : i32
      %and3A_405 = arith.constant 1 : i32
      %and3A_406 = arith.andi %shift_right_arithmetic3A_404, %and3A_405 : i32
      %mul3A_407 = arith.constant 64 : i32
      %mul3A_408 = arith.muli %and3A_406, %mul3A_407 : i32
      %multiple_of3A_409 = tpu.assume_multiple %mul3A_408, 64 : i32
      %mul3A_410 = arith.constant 16 : i32
      %mul3A_411 = arith.muli %scan3A_9, %mul3A_410 : i32
      %add3A_412 = arith.constant 10 : i32
      %add3A_413 = arith.addi %mul3A_411, %add3A_412 : i32
      %dma_start3A_414 = arith.constant 0 : i32
      %dma_start3A_415 = tpu.memref_slice %arg6[%add3A_413, %dma_start3A_414] : memref<512x64xf32, #tpu.memory_space<vmem>> -> memref<1x64xf32, #tpu.memory_space<vmem>>
      %dma_start3A_416 = tpu.memref_squeeze %dma_start3A_415 : memref<1x64xf32, #tpu.memory_space<vmem>> -> memref<64xf32, #tpu.memory_space<vmem>>
      %dma_start3A_417 = tpu.memref_slice %arg3[%add3A_402, %multiple_of3A_409] : memref<507904x128xf32, #tpu.memory_space<hbm>> -> memref<1x64xf32, #tpu.memory_space<hbm>>
      %dma_start3A_418 = tpu.memref_squeeze %dma_start3A_417 : memref<1x64xf32, #tpu.memory_space<hbm>> -> memref<64xf32, #tpu.memory_space<hbm>>
      %dma_start3A_419 = arith.constant 0 : i32
      %dma_start3A_420 = tpu.memref_slice %arg6[%add3A_413, %dma_start3A_419] : memref<512x64xf32, #tpu.memory_space<vmem>> -> memref<1x64xf32, #tpu.memory_space<vmem>>
      %dma_start3A_421 = tpu.memref_squeeze %dma_start3A_420 : memref<1x64xf32, #tpu.memory_space<vmem>> -> memref<64xf32, #tpu.memory_space<vmem>>
      %dma_start3A_422 = tpu.memref_slice %arg3[%add3A_402, %multiple_of3A_409] : memref<507904x128xf32, #tpu.memory_space<hbm>> -> memref<1x64xf32, #tpu.memory_space<hbm>>
      %dma_start3A_423 = tpu.memref_squeeze %dma_start3A_422 : memref<1x64xf32, #tpu.memory_space<hbm>> -> memref<64xf32, #tpu.memory_space<hbm>>
      tpu.enqueue_dma source(%dma_start3A_423 : memref<64xf32, #tpu.memory_space<hbm>>) target(%dma_start3A_421 : memref<64xf32, #tpu.memory_space<vmem>>) target_semaphore(%arg7 : memref<!tpu.dma_semaphore, #tpu.memory_space<semaphore_mem>>)
      %eq3A_424 = arith.constant 11 : i32
      %eq3A_425 = vector.broadcast %eq3A_424 : i32 to vector<16xi32>
      %eq3A_426 = arith.cmpi eq, %iota3A, %eq3A_425 : vector<16xi32>
      %jit3A_427 = arith.constant 0 : i32
      %broadcast_in_dim3A_428 = vector.broadcast %jit3A_427 : i32 to vector<16xi32>
      %select_n3A_429 = arith.select %eq3A_426, %get3A_13, %broadcast_in_dim3A_428 : vector<16xi1>, vector<16xi32>
      %reduce_sum3A_430 = arith.constant true
      %reduce_sum3A_431 = vector.broadcast %reduce_sum3A_430 : i1 to vector<16xi1>
      %reduce_sum3A_432 = tpu.scan <sum>, %select_n3A_429 masked %reduce_sum3A_431 : vector<16xi32>, vector<16xi1> -> vector<16xi32>
      %reduce_sum3A_433 = vector.extract %reduce_sum3A_432[15] : i32 from vector<16xi32>
      %shift_right_arithmetic3A_434 = arith.constant 14 : i32
      %shift_right_arithmetic3A_435 = arith.shrsi %reduce_sum3A_433, %shift_right_arithmetic3A_434 : i32
      %mul3A_436 = arith.constant 8192 : i32
      %mul3A_437 = arith.muli %shift_right_arithmetic3A_435, %mul3A_436 : i32
      %and3A_438 = arith.constant 8191 : i32
      %and3A_439 = arith.andi %reduce_sum3A_433, %and3A_438 : i32
      %add3A_440 = arith.addi %mul3A_437, %and3A_439 : i32
      %shift_right_arithmetic3A_441 = arith.constant 13 : i32
      %shift_right_arithmetic3A_442 = arith.shrsi %reduce_sum3A_433, %shift_right_arithmetic3A_441 : i32
      %and3A_443 = arith.constant 1 : i32
      %and3A_444 = arith.andi %shift_right_arithmetic3A_442, %and3A_443 : i32
      %mul3A_445 = arith.constant 64 : i32
      %mul3A_446 = arith.muli %and3A_444, %mul3A_445 : i32
      %multiple_of3A_447 = tpu.assume_multiple %mul3A_446, 64 : i32
      %mul3A_448 = arith.constant 16 : i32
      %mul3A_449 = arith.muli %scan3A_9, %mul3A_448 : i32
      %add3A_450 = arith.constant 11 : i32
      %add3A_451 = arith.addi %mul3A_449, %add3A_450 : i32
      %dma_start3A_452 = arith.constant 0 : i32
      %dma_start3A_453 = tpu.memref_slice %arg6[%add3A_451, %dma_start3A_452] : memref<512x64xf32, #tpu.memory_space<vmem>> -> memref<1x64xf32, #tpu.memory_space<vmem>>
      %dma_start3A_454 = tpu.memref_squeeze %dma_start3A_453 : memref<1x64xf32, #tpu.memory_space<vmem>> -> memref<64xf32, #tpu.memory_space<vmem>>
      %dma_start3A_455 = tpu.memref_slice %arg3[%add3A_440, %multiple_of3A_447] : memref<507904x128xf32, #tpu.memory_space<hbm>> -> memref<1x64xf32, #tpu.memory_space<hbm>>
      %dma_start3A_456 = tpu.memref_squeeze %dma_start3A_455 : memref<1x64xf32, #tpu.memory_space<hbm>> -> memref<64xf32, #tpu.memory_space<hbm>>
      %dma_start3A_457 = arith.constant 0 : i32
      %dma_start3A_458 = tpu.memref_slice %arg6[%add3A_451, %dma_start3A_457] : memref<512x64xf32, #tpu.memory_space<vmem>> -> memref<1x64xf32, #tpu.memory_space<vmem>>
      %dma_start3A_459 = tpu.memref_squeeze %dma_start3A_458 : memref<1x64xf32, #tpu.memory_space<vmem>> -> memref<64xf32, #tpu.memory_space<vmem>>
      %dma_start3A_460 = tpu.memref_slice %arg3[%add3A_440, %multiple_of3A_447] : memref<507904x128xf32, #tpu.memory_space<hbm>> -> memref<1x64xf32, #tpu.memory_space<hbm>>
      %dma_start3A_461 = tpu.memref_squeeze %dma_start3A_460 : memref<1x64xf32, #tpu.memory_space<hbm>> -> memref<64xf32, #tpu.memory_space<hbm>>
      tpu.enqueue_dma source(%dma_start3A_461 : memref<64xf32, #tpu.memory_space<hbm>>) target(%dma_start3A_459 : memref<64xf32, #tpu.memory_space<vmem>>) target_semaphore(%arg7 : memref<!tpu.dma_semaphore, #tpu.memory_space<semaphore_mem>>)
      %eq3A_462 = arith.constant 12 : i32
      %eq3A_463 = vector.broadcast %eq3A_462 : i32 to vector<16xi32>
      %eq3A_464 = arith.cmpi eq, %iota3A, %eq3A_463 : vector<16xi32>
      %jit3A_465 = arith.constant 0 : i32
      %broadcast_in_dim3A_466 = vector.broadcast %jit3A_465 : i32 to vector<16xi32>
      %select_n3A_467 = arith.select %eq3A_464, %get3A_13, %broadcast_in_dim3A_466 : vector<16xi1>, vector<16xi32>
      %reduce_sum3A_468 = arith.constant true
      %reduce_sum3A_469 = vector.broadcast %reduce_sum3A_468 : i1 to vector<16xi1>
      %reduce_sum3A_470 = tpu.scan <sum>, %select_n3A_467 masked %reduce_sum3A_469 : vector<16xi32>, vector<16xi1> -> vector<16xi32>
      %reduce_sum3A_471 = vector.extract %reduce_sum3A_470[15] : i32 from vector<16xi32>
      %shift_right_arithmetic3A_472 = arith.constant 14 : i32
      %shift_right_arithmetic3A_473 = arith.shrsi %reduce_sum3A_471, %shift_right_arithmetic3A_472 : i32
      %mul3A_474 = arith.constant 8192 : i32
      %mul3A_475 = arith.muli %shift_right_arithmetic3A_473, %mul3A_474 : i32
      %and3A_476 = arith.constant 8191 : i32
      %and3A_477 = arith.andi %reduce_sum3A_471, %and3A_476 : i32
      %add3A_478 = arith.addi %mul3A_475, %and3A_477 : i32
      %shift_right_arithmetic3A_479 = arith.constant 13 : i32
      %shift_right_arithmetic3A_480 = arith.shrsi %reduce_sum3A_471, %shift_right_arithmetic3A_479 : i32
      %and3A_481 = arith.constant 1 : i32
      %and3A_482 = arith.andi %shift_right_arithmetic3A_480, %and3A_481 : i32
      %mul3A_483 = arith.constant 64 : i32
      %mul3A_484 = arith.muli %and3A_482, %mul3A_483 : i32
      %multiple_of3A_485 = tpu.assume_multiple %mul3A_484, 64 : i32
      %mul3A_486 = arith.constant 16 : i32
      %mul3A_487 = arith.muli %scan3A_9, %mul3A_486 : i32
      %add3A_488 = arith.constant 12 : i32
      %add3A_489 = arith.addi %mul3A_487, %add3A_488 : i32
      %dma_start3A_490 = arith.constant 0 : i32
      %dma_start3A_491 = tpu.memref_slice %arg6[%add3A_489, %dma_start3A_490] : memref<512x64xf32, #tpu.memory_space<vmem>> -> memref<1x64xf32, #tpu.memory_space<vmem>>
      %dma_start3A_492 = tpu.memref_squeeze %dma_start3A_491 : memref<1x64xf32, #tpu.memory_space<vmem>> -> memref<64xf32, #tpu.memory_space<vmem>>
      %dma_start3A_493 = tpu.memref_slice %arg3[%add3A_478, %multiple_of3A_485] : memref<507904x128xf32, #tpu.memory_space<hbm>> -> memref<1x64xf32, #tpu.memory_space<hbm>>
      %dma_start3A_494 = tpu.memref_squeeze %dma_start3A_493 : memref<1x64xf32, #tpu.memory_space<hbm>> -> memref<64xf32, #tpu.memory_space<hbm>>
      %dma_start3A_495 = arith.constant 0 : i32
      %dma_start3A_496 = tpu.memref_slice %arg6[%add3A_489, %dma_start3A_495] : memref<512x64xf32, #tpu.memory_space<vmem>> -> memref<1x64xf32, #tpu.memory_space<vmem>>
      %dma_start3A_497 = tpu.memref_squeeze %dma_start3A_496 : memref<1x64xf32, #tpu.memory_space<vmem>> -> memref<64xf32, #tpu.memory_space<vmem>>
      %dma_start3A_498 = tpu.memref_slice %arg3[%add3A_478, %multiple_of3A_485] : memref<507904x128xf32, #tpu.memory_space<hbm>> -> memref<1x64xf32, #tpu.memory_space<hbm>>
      %dma_start3A_499 = tpu.memref_squeeze %dma_start3A_498 : memref<1x64xf32, #tpu.memory_space<hbm>> -> memref<64xf32, #tpu.memory_space<hbm>>
      tpu.enqueue_dma source(%dma_start3A_499 : memref<64xf32, #tpu.memory_space<hbm>>) target(%dma_start3A_497 : memref<64xf32, #tpu.memory_space<vmem>>) target_semaphore(%arg7 : memref<!tpu.dma_semaphore, #tpu.memory_space<semaphore_mem>>)
      %eq3A_500 = arith.constant 13 : i32
      %eq3A_501 = vector.broadcast %eq3A_500 : i32 to vector<16xi32>
      %eq3A_502 = arith.cmpi eq, %iota3A, %eq3A_501 : vector<16xi32>
      %jit3A_503 = arith.constant 0 : i32
      %broadcast_in_dim3A_504 = vector.broadcast %jit3A_503 : i32 to vector<16xi32>
      %select_n3A_505 = arith.select %eq3A_502, %get3A_13, %broadcast_in_dim3A_504 : vector<16xi1>, vector<16xi32>
      %reduce_sum3A_506 = arith.constant true
      %reduce_sum3A_507 = vector.broadcast %reduce_sum3A_506 : i1 to vector<16xi1>
      %reduce_sum3A_508 = tpu.scan <sum>, %select_n3A_505 masked %reduce_sum3A_507 : vector<16xi32>, vector<16xi1> -> vector<16xi32>
      %reduce_sum3A_509 = vector.extract %reduce_sum3A_508[15] : i32 from vector<16xi32>
      %shift_right_arithmetic3A_510 = arith.constant 14 : i32
      %shift_right_arithmetic3A_511 = arith.shrsi %reduce_sum3A_509, %shift_right_arithmetic3A_510 : i32
      %mul3A_512 = arith.constant 8192 : i32
      %mul3A_513 = arith.muli %shift_right_arithmetic3A_511, %mul3A_512 : i32
      %and3A_514 = arith.constant 8191 : i32
      %and3A_515 = arith.andi %reduce_sum3A_509, %and3A_514 : i32
      %add3A_516 = arith.addi %mul3A_513, %and3A_515 : i32
      %shift_right_arithmetic3A_517 = arith.constant 13 : i32
      %shift_right_arithmetic3A_518 = arith.shrsi %reduce_sum3A_509, %shift_right_arithmetic3A_517 : i32
      %and3A_519 = arith.constant 1 : i32
      %and3A_520 = arith.andi %shift_right_arithmetic3A_518, %and3A_519 : i32
      %mul3A_521 = arith.constant 64 : i32
      %mul3A_522 = arith.muli %and3A_520, %mul3A_521 : i32
      %multiple_of3A_523 = tpu.assume_multiple %mul3A_522, 64 : i32
      %mul3A_524 = arith.constant 16 : i32
      %mul3A_525 = arith.muli %scan3A_9, %mul3A_524 : i32
      %add3A_526 = arith.constant 13 : i32
      %add3A_527 = arith.addi %mul3A_525, %add3A_526 : i32
      %dma_start3A_528 = arith.constant 0 : i32
      %dma_start3A_529 = tpu.memref_slice %arg6[%add3A_527, %dma_start3A_528] : memref<512x64xf32, #tpu.memory_space<vmem>> -> memref<1x64xf32, #tpu.memory_space<vmem>>
      %dma_start3A_530 = tpu.memref_squeeze %dma_start3A_529 : memref<1x64xf32, #tpu.memory_space<vmem>> -> memref<64xf32, #tpu.memory_space<vmem>>
      %dma_start3A_531 = tpu.memref_slice %arg3[%add3A_516, %multiple_of3A_523] : memref<507904x128xf32, #tpu.memory_space<hbm>> -> memref<1x64xf32, #tpu.memory_space<hbm>>
      %dma_start3A_532 = tpu.memref_squeeze %dma_start3A_531 : memref<1x64xf32, #tpu.memory_space<hbm>> -> memref<64xf32, #tpu.memory_space<hbm>>
      %dma_start3A_533 = arith.constant 0 : i32
      %dma_start3A_534 = tpu.memref_slice %arg6[%add3A_527, %dma_start3A_533] : memref<512x64xf32, #tpu.memory_space<vmem>> -> memref<1x64xf32, #tpu.memory_space<vmem>>
      %dma_start3A_535 = tpu.memref_squeeze %dma_start3A_534 : memref<1x64xf32, #tpu.memory_space<vmem>> -> memref<64xf32, #tpu.memory_space<vmem>>
      %dma_start3A_536 = tpu.memref_slice %arg3[%add3A_516, %multiple_of3A_523] : memref<507904x128xf32, #tpu.memory_space<hbm>> -> memref<1x64xf32, #tpu.memory_space<hbm>>
      %dma_start3A_537 = tpu.memref_squeeze %dma_start3A_536 : memref<1x64xf32, #tpu.memory_space<hbm>> -> memref<64xf32, #tpu.memory_space<hbm>>
      tpu.enqueue_dma source(%dma_start3A_537 : memref<64xf32, #tpu.memory_space<hbm>>) target(%dma_start3A_535 : memref<64xf32, #tpu.memory_space<vmem>>) target_semaphore(%arg7 : memref<!tpu.dma_semaphore, #tpu.memory_space<semaphore_mem>>)
      %eq3A_538 = arith.constant 14 : i32
      %eq3A_539 = vector.broadcast %eq3A_538 : i32 to vector<16xi32>
      %eq3A_540 = arith.cmpi eq, %iota3A, %eq3A_539 : vector<16xi32>
      %jit3A_541 = arith.constant 0 : i32
      %broadcast_in_dim3A_542 = vector.broadcast %jit3A_541 : i32 to vector<16xi32>
      %select_n3A_543 = arith.select %eq3A_540, %get3A_13, %broadcast_in_dim3A_542 : vector<16xi1>, vector<16xi32>
      %reduce_sum3A_544 = arith.constant true
      %reduce_sum3A_545 = vector.broadcast %reduce_sum3A_544 : i1 to vector<16xi1>
      %reduce_sum3A_546 = tpu.scan <sum>, %select_n3A_543 masked %reduce_sum3A_545 : vector<16xi32>, vector<16xi1> -> vector<16xi32>
      %reduce_sum3A_547 = vector.extract %reduce_sum3A_546[15] : i32 from vector<16xi32>
      %shift_right_arithmetic3A_548 = arith.constant 14 : i32
      %shift_right_arithmetic3A_549 = arith.shrsi %reduce_sum3A_547, %shift_right_arithmetic3A_548 : i32
      %mul3A_550 = arith.constant 8192 : i32
      %mul3A_551 = arith.muli %shift_right_arithmetic3A_549, %mul3A_550 : i32
      %and3A_552 = arith.constant 8191 : i32
      %and3A_553 = arith.andi %reduce_sum3A_547, %and3A_552 : i32
      %add3A_554 = arith.addi %mul3A_551, %and3A_553 : i32
      %shift_right_arithmetic3A_555 = arith.constant 13 : i32
      %shift_right_arithmetic3A_556 = arith.shrsi %reduce_sum3A_547, %shift_right_arithmetic3A_555 : i32
      %and3A_557 = arith.constant 1 : i32
      %and3A_558 = arith.andi %shift_right_arithmetic3A_556, %and3A_557 : i32
      %mul3A_559 = arith.constant 64 : i32
      %mul3A_560 = arith.muli %and3A_558, %mul3A_559 : i32
      %multiple_of3A_561 = tpu.assume_multiple %mul3A_560, 64 : i32
      %mul3A_562 = arith.constant 16 : i32
      %mul3A_563 = arith.muli %scan3A_9, %mul3A_562 : i32
      %add3A_564 = arith.constant 14 : i32
      %add3A_565 = arith.addi %mul3A_563, %add3A_564 : i32
      %dma_start3A_566 = arith.constant 0 : i32
      %dma_start3A_567 = tpu.memref_slice %arg6[%add3A_565, %dma_start3A_566] : memref<512x64xf32, #tpu.memory_space<vmem>> -> memref<1x64xf32, #tpu.memory_space<vmem>>
      %dma_start3A_568 = tpu.memref_squeeze %dma_start3A_567 : memref<1x64xf32, #tpu.memory_space<vmem>> -> memref<64xf32, #tpu.memory_space<vmem>>
      %dma_start3A_569 = tpu.memref_slice %arg3[%add3A_554, %multiple_of3A_561] : memref<507904x128xf32, #tpu.memory_space<hbm>> -> memref<1x64xf32, #tpu.memory_space<hbm>>
      %dma_start3A_570 = tpu.memref_squeeze %dma_start3A_569 : memref<1x64xf32, #tpu.memory_space<hbm>> -> memref<64xf32, #tpu.memory_space<hbm>>
      %dma_start3A_571 = arith.constant 0 : i32
      %dma_start3A_572 = tpu.memref_slice %arg6[%add3A_565, %dma_start3A_571] : memref<512x64xf32, #tpu.memory_space<vmem>> -> memref<1x64xf32, #tpu.memory_space<vmem>>
      %dma_start3A_573 = tpu.memref_squeeze %dma_start3A_572 : memref<1x64xf32, #tpu.memory_space<vmem>> -> memref<64xf32, #tpu.memory_space<vmem>>
      %dma_start3A_574 = tpu.memref_slice %arg3[%add3A_554, %multiple_of3A_561] : memref<507904x128xf32, #tpu.memory_space<hbm>> -> memref<1x64xf32, #tpu.memory_space<hbm>>
      %dma_start3A_575 = tpu.memref_squeeze %dma_start3A_574 : memref<1x64xf32, #tpu.memory_space<hbm>> -> memref<64xf32, #tpu.memory_space<hbm>>
      tpu.enqueue_dma source(%dma_start3A_575 : memref<64xf32, #tpu.memory_space<hbm>>) target(%dma_start3A_573 : memref<64xf32, #tpu.memory_space<vmem>>) target_semaphore(%arg7 : memref<!tpu.dma_semaphore, #tpu.memory_space<semaphore_mem>>)
      %eq3A_576 = arith.constant 15 : i32
      %eq3A_577 = vector.broadcast %eq3A_576 : i32 to vector<16xi32>
      %eq3A_578 = arith.cmpi eq, %iota3A, %eq3A_577 : vector<16xi32>
      %jit3A_579 = arith.constant 0 : i32
      %broadcast_in_dim3A_580 = vector.broadcast %jit3A_579 : i32 to vector<16xi32>
      %select_n3A_581 = arith.select %eq3A_578, %get3A_13, %broadcast_in_dim3A_580 : vector<16xi1>, vector<16xi32>
      %reduce_sum3A_582 = arith.constant true
      %reduce_sum3A_583 = vector.broadcast %reduce_sum3A_582 : i1 to vector<16xi1>
      %reduce_sum3A_584 = tpu.scan <sum>, %select_n3A_581 masked %reduce_sum3A_583 : vector<16xi32>, vector<16xi1> -> vector<16xi32>
      %reduce_sum3A_585 = vector.extract %reduce_sum3A_584[15] : i32 from vector<16xi32>
      %shift_right_arithmetic3A_586 = arith.constant 14 : i32
      %shift_right_arithmetic3A_587 = arith.shrsi %reduce_sum3A_585, %shift_right_arithmetic3A_586 : i32
      %mul3A_588 = arith.constant 8192 : i32
      %mul3A_589 = arith.muli %shift_right_arithmetic3A_587, %mul3A_588 : i32
      %and3A_590 = arith.constant 8191 : i32
      %and3A_591 = arith.andi %reduce_sum3A_585, %and3A_590 : i32
      %add3A_592 = arith.addi %mul3A_589, %and3A_591 : i32
      %shift_right_arithmetic3A_593 = arith.constant 13 : i32
      %shift_right_arithmetic3A_594 = arith.shrsi %reduce_sum3A_585, %shift_right_arithmetic3A_593 : i32
      %and3A_595 = arith.constant 1 : i32
      %and3A_596 = arith.andi %shift_right_arithmetic3A_594, %and3A_595 : i32
      %mul3A_597 = arith.constant 64 : i32
      %mul3A_598 = arith.muli %and3A_596, %mul3A_597 : i32
      %multiple_of3A_599 = tpu.assume_multiple %mul3A_598, 64 : i32
      %mul3A_600 = arith.constant 16 : i32
      %mul3A_601 = arith.muli %scan3A_9, %mul3A_600 : i32
      %add3A_602 = arith.constant 15 : i32
      %add3A_603 = arith.addi %mul3A_601, %add3A_602 : i32
      %dma_start3A_604 = arith.constant 0 : i32
      %dma_start3A_605 = tpu.memref_slice %arg6[%add3A_603, %dma_start3A_604] : memref<512x64xf32, #tpu.memory_space<vmem>> -> memref<1x64xf32, #tpu.memory_space<vmem>>
      %dma_start3A_606 = tpu.memref_squeeze %dma_start3A_605 : memref<1x64xf32, #tpu.memory_space<vmem>> -> memref<64xf32, #tpu.memory_space<vmem>>
      %dma_start3A_607 = tpu.memref_slice %arg3[%add3A_592, %multiple_of3A_599] : memref<507904x128xf32, #tpu.memory_space<hbm>> -> memref<1x64xf32, #tpu.memory_space<hbm>>
      %dma_start3A_608 = tpu.memref_squeeze %dma_start3A_607 : memref<1x64xf32, #tpu.memory_space<hbm>> -> memref<64xf32, #tpu.memory_space<hbm>>
      %dma_start3A_609 = arith.constant 0 : i32
      %dma_start3A_610 = tpu.memref_slice %arg6[%add3A_603, %dma_start3A_609] : memref<512x64xf32, #tpu.memory_space<vmem>> -> memref<1x64xf32, #tpu.memory_space<vmem>>
      %dma_start3A_611 = tpu.memref_squeeze %dma_start3A_610 : memref<1x64xf32, #tpu.memory_space<vmem>> -> memref<64xf32, #tpu.memory_space<vmem>>
      %dma_start3A_612 = tpu.memref_slice %arg3[%add3A_592, %multiple_of3A_599] : memref<507904x128xf32, #tpu.memory_space<hbm>> -> memref<1x64xf32, #tpu.memory_space<hbm>>
      %dma_start3A_613 = tpu.memref_squeeze %dma_start3A_612 : memref<1x64xf32, #tpu.memory_space<hbm>> -> memref<64xf32, #tpu.memory_space<hbm>>
      tpu.enqueue_dma source(%dma_start3A_613 : memref<64xf32, #tpu.memory_space<hbm>>) target(%dma_start3A_611 : memref<64xf32, #tpu.memory_space<vmem>>) target_semaphore(%arg7 : memref<!tpu.dma_semaphore, #tpu.memory_space<semaphore_mem>>)
      %dma_wait3A = arith.constant 0 : i32
      %dma_wait3A_614 = tpu.memref_slice %arg6[%add3A_34, %dma_wait3A] : memref<512x64xf32, #tpu.memory_space<vmem>> -> memref<1x64xf32, #tpu.memory_space<vmem>>
      %dma_wait3A_615 = tpu.memref_squeeze %dma_wait3A_614 : memref<1x64xf32, #tpu.memory_space<vmem>> -> memref<64xf32, #tpu.memory_space<vmem>>
      %dma_wait3A_616 = tpu.memref_slice %arg3[%add3A_23, %multiple_of3A_30] : memref<507904x128xf32, #tpu.memory_space<hbm>> -> memref<1x64xf32, #tpu.memory_space<hbm>>
      %dma_wait3A_617 = tpu.memref_squeeze %dma_wait3A_616 : memref<1x64xf32, #tpu.memory_space<hbm>> -> memref<64xf32, #tpu.memory_space<hbm>>
      %dma_wait3A_618 = arith.constant 0 : i32
      %dma_wait3A_619 = tpu.memref_slice %arg6[%add3A_34, %dma_wait3A_618] : memref<512x64xf32, #tpu.memory_space<vmem>> -> memref<1x64xf32, #tpu.memory_space<vmem>>
      %dma_wait3A_620 = tpu.memref_squeeze %dma_wait3A_619 : memref<1x64xf32, #tpu.memory_space<vmem>> -> memref<64xf32, #tpu.memory_space<vmem>>
      %dma_wait3A_621 = tpu.memref_slice %arg3[%add3A_23, %multiple_of3A_30] : memref<507904x128xf32, #tpu.memory_space<hbm>> -> memref<1x64xf32, #tpu.memory_space<hbm>>
      %dma_wait3A_622 = tpu.memref_squeeze %dma_wait3A_621 : memref<1x64xf32, #tpu.memory_space<hbm>> -> memref<64xf32, #tpu.memory_space<hbm>>
      tpu.wait_dma2 semaphore(%arg7 : memref<!tpu.dma_semaphore, #tpu.memory_space<semaphore_mem>>) src(%dma_wait3A_622 : memref<64xf32, #tpu.memory_space<hbm>>) dst(%dma_wait3A_620 : memref<64xf32, #tpu.memory_space<vmem>>)
      %dma_wait3A_623 = arith.constant 0 : i32
      %dma_wait3A_624 = tpu.memref_slice %arg6[%add3A_71, %dma_wait3A_623] : memref<512x64xf32, #tpu.memory_space<vmem>> -> memref<1x64xf32, #tpu.memory_space<vmem>>
      %dma_wait3A_625 = tpu.memref_squeeze %dma_wait3A_624 : memref<1x64xf32, #tpu.memory_space<vmem>> -> memref<64xf32, #tpu.memory_space<vmem>>
      %dma_wait3A_626 = tpu.memref_slice %arg3[%add3A_60, %multiple_of3A_67] : memref<507904x128xf32, #tpu.memory_space<hbm>> -> memref<1x64xf32, #tpu.memory_space<hbm>>
      %dma_wait3A_627 = tpu.memref_squeeze %dma_wait3A_626 : memref<1x64xf32, #tpu.memory_space<hbm>> -> memref<64xf32, #tpu.memory_space<hbm>>
      %dma_wait3A_628 = arith.constant 0 : i32
      %dma_wait3A_629 = tpu.memref_slice %arg6[%add3A_71, %dma_wait3A_628] : memref<512x64xf32, #tpu.memory_space<vmem>> -> memref<1x64xf32, #tpu.memory_space<vmem>>
      %dma_wait3A_630 = tpu.memref_squeeze %dma_wait3A_629 : memref<1x64xf32, #tpu.memory_space<vmem>> -> memref<64xf32, #tpu.memory_space<vmem>>
      %dma_wait3A_631 = tpu.memref_slice %arg3[%add3A_60, %multiple_of3A_67] : memref<507904x128xf32, #tpu.memory_space<hbm>> -> memref<1x64xf32, #tpu.memory_space<hbm>>
      %dma_wait3A_632 = tpu.memref_squeeze %dma_wait3A_631 : memref<1x64xf32, #tpu.memory_space<hbm>> -> memref<64xf32, #tpu.memory_space<hbm>>
      tpu.wait_dma2 semaphore(%arg7 : memref<!tpu.dma_semaphore, #tpu.memory_space<semaphore_mem>>) src(%dma_wait3A_632 : memref<64xf32, #tpu.memory_space<hbm>>) dst(%dma_wait3A_630 : memref<64xf32, #tpu.memory_space<vmem>>)
      %dma_wait3A_633 = arith.constant 0 : i32
      %dma_wait3A_634 = tpu.memref_slice %arg6[%add3A_109, %dma_wait3A_633] : memref<512x64xf32, #tpu.memory_space<vmem>> -> memref<1x64xf32, #tpu.memory_space<vmem>>
      %dma_wait3A_635 = tpu.memref_squeeze %dma_wait3A_634 : memref<1x64xf32, #tpu.memory_space<vmem>> -> memref<64xf32, #tpu.memory_space<vmem>>
      %dma_wait3A_636 = tpu.memref_slice %arg3[%add3A_98, %multiple_of3A_105] : memref<507904x128xf32, #tpu.memory_space<hbm>> -> memref<1x64xf32, #tpu.memory_space<hbm>>
      %dma_wait3A_637 = tpu.memref_squeeze %dma_wait3A_636 : memref<1x64xf32, #tpu.memory_space<hbm>> -> memref<64xf32, #tpu.memory_space<hbm>>
      %dma_wait3A_638 = arith.constant 0 : i32
      %dma_wait3A_639 = tpu.memref_slice %arg6[%add3A_109, %dma_wait3A_638] : memref<512x64xf32, #tpu.memory_space<vmem>> -> memref<1x64xf32, #tpu.memory_space<vmem>>
      %dma_wait3A_640 = tpu.memref_squeeze %dma_wait3A_639 : memref<1x64xf32, #tpu.memory_space<vmem>> -> memref<64xf32, #tpu.memory_space<vmem>>
      %dma_wait3A_641 = tpu.memref_slice %arg3[%add3A_98, %multiple_of3A_105] : memref<507904x128xf32, #tpu.memory_space<hbm>> -> memref<1x64xf32, #tpu.memory_space<hbm>>
      %dma_wait3A_642 = tpu.memref_squeeze %dma_wait3A_641 : memref<1x64xf32, #tpu.memory_space<hbm>> -> memref<64xf32, #tpu.memory_space<hbm>>
      tpu.wait_dma2 semaphore(%arg7 : memref<!tpu.dma_semaphore, #tpu.memory_space<semaphore_mem>>) src(%dma_wait3A_642 : memref<64xf32, #tpu.memory_space<hbm>>) dst(%dma_wait3A_640 : memref<64xf32, #tpu.memory_space<vmem>>)
      %dma_wait3A_643 = arith.constant 0 : i32
      %dma_wait3A_644 = tpu.memref_slice %arg6[%add3A_147, %dma_wait3A_643] : memref<512x64xf32, #tpu.memory_space<vmem>> -> memref<1x64xf32, #tpu.memory_space<vmem>>
      %dma_wait3A_645 = tpu.memref_squeeze %dma_wait3A_644 : memref<1x64xf32, #tpu.memory_space<vmem>> -> memref<64xf32, #tpu.memory_space<vmem>>
      %dma_wait3A_646 = tpu.memref_slice %arg3[%add3A_136, %multiple_of3A_143] : memref<507904x128xf32, #tpu.memory_space<hbm>> -> memref<1x64xf32, #tpu.memory_space<hbm>>
      %dma_wait3A_647 = tpu.memref_squeeze %dma_wait3A_646 : memref<1x64xf32, #tpu.memory_space<hbm>> -> memref<64xf32, #tpu.memory_space<hbm>>
      %dma_wait3A_648 = arith.constant 0 : i32
      %dma_wait3A_649 = tpu.memref_slice %arg6[%add3A_147, %dma_wait3A_648] : memref<512x64xf32, #tpu.memory_space<vmem>> -> memref<1x64xf32, #tpu.memory_space<vmem>>
      %dma_wait3A_650 = tpu.memref_squeeze %dma_wait3A_649 : memref<1x64xf32, #tpu.memory_space<vmem>> -> memref<64xf32, #tpu.memory_space<vmem>>
      %dma_wait3A_651 = tpu.memref_slice %arg3[%add3A_136, %multiple_of3A_143] : memref<507904x128xf32, #tpu.memory_space<hbm>> -> memref<1x64xf32, #tpu.memory_space<hbm>>
      %dma_wait3A_652 = tpu.memref_squeeze %dma_wait3A_651 : memref<1x64xf32, #tpu.memory_space<hbm>> -> memref<64xf32, #tpu.memory_space<hbm>>
      tpu.wait_dma2 semaphore(%arg7 : memref<!tpu.dma_semaphore, #tpu.memory_space<semaphore_mem>>) src(%dma_wait3A_652 : memref<64xf32, #tpu.memory_space<hbm>>) dst(%dma_wait3A_650 : memref<64xf32, #tpu.memory_space<vmem>>)
      %dma_wait3A_653 = arith.constant 0 : i32
      %dma_wait3A_654 = tpu.memref_slice %arg6[%add3A_185, %dma_wait3A_653] : memref<512x64xf32, #tpu.memory_space<vmem>> -> memref<1x64xf32, #tpu.memory_space<vmem>>
      %dma_wait3A_655 = tpu.memref_squeeze %dma_wait3A_654 : memref<1x64xf32, #tpu.memory_space<vmem>> -> memref<64xf32, #tpu.memory_space<vmem>>
      %dma_wait3A_656 = tpu.memref_slice %arg3[%add3A_174, %multiple_of3A_181] : memref<507904x128xf32, #tpu.memory_space<hbm>> -> memref<1x64xf32, #tpu.memory_space<hbm>>
      %dma_wait3A_657 = tpu.memref_squeeze %dma_wait3A_656 : memref<1x64xf32, #tpu.memory_space<hbm>> -> memref<64xf32, #tpu.memory_space<hbm>>
      %dma_wait3A_658 = arith.constant 0 : i32
      %dma_wait3A_659 = tpu.memref_slice %arg6[%add3A_185, %dma_wait3A_658] : memref<512x64xf32, #tpu.memory_space<vmem>> -> memref<1x64xf32, #tpu.memory_space<vmem>>
      %dma_wait3A_660 = tpu.memref_squeeze %dma_wait3A_659 : memref<1x64xf32, #tpu.memory_space<vmem>> -> memref<64xf32, #tpu.memory_space<vmem>>
      %dma_wait3A_661 = tpu.memref_slice %arg3[%add3A_174, %multiple_of3A_181] : memref<507904x128xf32, #tpu.memory_space<hbm>> -> memref<1x64xf32, #tpu.memory_space<hbm>>
      %dma_wait3A_662 = tpu.memref_squeeze %dma_wait3A_661 : memref<1x64xf32, #tpu.memory_space<hbm>> -> memref<64xf32, #tpu.memory_space<hbm>>
      tpu.wait_dma2 semaphore(%arg7 : memref<!tpu.dma_semaphore, #tpu.memory_space<semaphore_mem>>) src(%dma_wait3A_662 : memref<64xf32, #tpu.memory_space<hbm>>) dst(%dma_wait3A_660 : memref<64xf32, #tpu.memory_space<vmem>>)
      %dma_wait3A_663 = arith.constant 0 : i32
      %dma_wait3A_664 = tpu.memref_slice %arg6[%add3A_223, %dma_wait3A_663] : memref<512x64xf32, #tpu.memory_space<vmem>> -> memref<1x64xf32, #tpu.memory_space<vmem>>
      %dma_wait3A_665 = tpu.memref_squeeze %dma_wait3A_664 : memref<1x64xf32, #tpu.memory_space<vmem>> -> memref<64xf32, #tpu.memory_space<vmem>>
      %dma_wait3A_666 = tpu.memref_slice %arg3[%add3A_212, %multiple_of3A_219] : memref<507904x128xf32, #tpu.memory_space<hbm>> -> memref<1x64xf32, #tpu.memory_space<hbm>>
      %dma_wait3A_667 = tpu.memref_squeeze %dma_wait3A_666 : memref<1x64xf32, #tpu.memory_space<hbm>> -> memref<64xf32, #tpu.memory_space<hbm>>
      %dma_wait3A_668 = arith.constant 0 : i32
      %dma_wait3A_669 = tpu.memref_slice %arg6[%add3A_223, %dma_wait3A_668] : memref<512x64xf32, #tpu.memory_space<vmem>> -> memref<1x64xf32, #tpu.memory_space<vmem>>
      %dma_wait3A_670 = tpu.memref_squeeze %dma_wait3A_669 : memref<1x64xf32, #tpu.memory_space<vmem>> -> memref<64xf32, #tpu.memory_space<vmem>>
      %dma_wait3A_671 = tpu.memref_slice %arg3[%add3A_212, %multiple_of3A_219] : memref<507904x128xf32, #tpu.memory_space<hbm>> -> memref<1x64xf32, #tpu.memory_space<hbm>>
      %dma_wait3A_672 = tpu.memref_squeeze %dma_wait3A_671 : memref<1x64xf32, #tpu.memory_space<hbm>> -> memref<64xf32, #tpu.memory_space<hbm>>
      tpu.wait_dma2 semaphore(%arg7 : memref<!tpu.dma_semaphore, #tpu.memory_space<semaphore_mem>>) src(%dma_wait3A_672 : memref<64xf32, #tpu.memory_space<hbm>>) dst(%dma_wait3A_670 : memref<64xf32, #tpu.memory_space<vmem>>)
      %dma_wait3A_673 = arith.constant 0 : i32
      %dma_wait3A_674 = tpu.memref_slice %arg6[%add3A_261, %dma_wait3A_673] : memref<512x64xf32, #tpu.memory_space<vmem>> -> memref<1x64xf32, #tpu.memory_space<vmem>>
      %dma_wait3A_675 = tpu.memref_squeeze %dma_wait3A_674 : memref<1x64xf32, #tpu.memory_space<vmem>> -> memref<64xf32, #tpu.memory_space<vmem>>
      %dma_wait3A_676 = tpu.memref_slice %arg3[%add3A_250, %multiple_of3A_257] : memref<507904x128xf32, #tpu.memory_space<hbm>> -> memref<1x64xf32, #tpu.memory_space<hbm>>
      %dma_wait3A_677 = tpu.memref_squeeze %dma_wait3A_676 : memref<1x64xf32, #tpu.memory_space<hbm>> -> memref<64xf32, #tpu.memory_space<hbm>>
      %dma_wait3A_678 = arith.constant 0 : i32
      %dma_wait3A_679 = tpu.memref_slice %arg6[%add3A_261, %dma_wait3A_678] : memref<512x64xf32, #tpu.memory_space<vmem>> -> memref<1x64xf32, #tpu.memory_space<vmem>>
      %dma_wait3A_680 = tpu.memref_squeeze %dma_wait3A_679 : memref<1x64xf32, #tpu.memory_space<vmem>> -> memref<64xf32, #tpu.memory_space<vmem>>
      %dma_wait3A_681 = tpu.memref_slice %arg3[%add3A_250, %multiple_of3A_257] : memref<507904x128xf32, #tpu.memory_space<hbm>> -> memref<1x64xf32, #tpu.memory_space<hbm>>
      %dma_wait3A_682 = tpu.memref_squeeze %dma_wait3A_681 : memref<1x64xf32, #tpu.memory_space<hbm>> -> memref<64xf32, #tpu.memory_space<hbm>>
      tpu.wait_dma2 semaphore(%arg7 : memref<!tpu.dma_semaphore, #tpu.memory_space<semaphore_mem>>) src(%dma_wait3A_682 : memref<64xf32, #tpu.memory_space<hbm>>) dst(%dma_wait3A_680 : memref<64xf32, #tpu.memory_space<vmem>>)
      %dma_wait3A_683 = arith.constant 0 : i32
      %dma_wait3A_684 = tpu.memref_slice %arg6[%add3A_299, %dma_wait3A_683] : memref<512x64xf32, #tpu.memory_space<vmem>> -> memref<1x64xf32, #tpu.memory_space<vmem>>
      %dma_wait3A_685 = tpu.memref_squeeze %dma_wait3A_684 : memref<1x64xf32, #tpu.memory_space<vmem>> -> memref<64xf32, #tpu.memory_space<vmem>>
      %dma_wait3A_686 = tpu.memref_slice %arg3[%add3A_288, %multiple_of3A_295] : memref<507904x128xf32, #tpu.memory_space<hbm>> -> memref<1x64xf32, #tpu.memory_space<hbm>>
      %dma_wait3A_687 = tpu.memref_squeeze %dma_wait3A_686 : memref<1x64xf32, #tpu.memory_space<hbm>> -> memref<64xf32, #tpu.memory_space<hbm>>
      %dma_wait3A_688 = arith.constant 0 : i32
      %dma_wait3A_689 = tpu.memref_slice %arg6[%add3A_299, %dma_wait3A_688] : memref<512x64xf32, #tpu.memory_space<vmem>> -> memref<1x64xf32, #tpu.memory_space<vmem>>
      %dma_wait3A_690 = tpu.memref_squeeze %dma_wait3A_689 : memref<1x64xf32, #tpu.memory_space<vmem>> -> memref<64xf32, #tpu.memory_space<vmem>>
      %dma_wait3A_691 = tpu.memref_slice %arg3[%add3A_288, %multiple_of3A_295] : memref<507904x128xf32, #tpu.memory_space<hbm>> -> memref<1x64xf32, #tpu.memory_space<hbm>>
      %dma_wait3A_692 = tpu.memref_squeeze %dma_wait3A_691 : memref<1x64xf32, #tpu.memory_space<hbm>> -> memref<64xf32, #tpu.memory_space<hbm>>
      tpu.wait_dma2 semaphore(%arg7 : memref<!tpu.dma_semaphore, #tpu.memory_space<semaphore_mem>>) src(%dma_wait3A_692 : memref<64xf32, #tpu.memory_space<hbm>>) dst(%dma_wait3A_690 : memref<64xf32, #tpu.memory_space<vmem>>)
      %dma_wait3A_693 = arith.constant 0 : i32
      %dma_wait3A_694 = tpu.memref_slice %arg6[%add3A_337, %dma_wait3A_693] : memref<512x64xf32, #tpu.memory_space<vmem>> -> memref<1x64xf32, #tpu.memory_space<vmem>>
      %dma_wait3A_695 = tpu.memref_squeeze %dma_wait3A_694 : memref<1x64xf32, #tpu.memory_space<vmem>> -> memref<64xf32, #tpu.memory_space<vmem>>
      %dma_wait3A_696 = tpu.memref_slice %arg3[%add3A_326, %multiple_of3A_333] : memref<507904x128xf32, #tpu.memory_space<hbm>> -> memref<1x64xf32, #tpu.memory_space<hbm>>
      %dma_wait3A_697 = tpu.memref_squeeze %dma_wait3A_696 : memref<1x64xf32, #tpu.memory_space<hbm>> -> memref<64xf32, #tpu.memory_space<hbm>>
      %dma_wait3A_698 = arith.constant 0 : i32
      %dma_wait3A_699 = tpu.memref_slice %arg6[%add3A_337, %dma_wait3A_698] : memref<512x64xf32, #tpu.memory_space<vmem>> -> memref<1x64xf32, #tpu.memory_space<vmem>>
      %dma_wait3A_700 = tpu.memref_squeeze %dma_wait3A_699 : memref<1x64xf32, #tpu.memory_space<vmem>> -> memref<64xf32, #tpu.memory_space<vmem>>
      %dma_wait3A_701 = tpu.memref_slice %arg3[%add3A_326, %multiple_of3A_333] : memref<507904x128xf32, #tpu.memory_space<hbm>> -> memref<1x64xf32, #tpu.memory_space<hbm>>
      %dma_wait3A_702 = tpu.memref_squeeze %dma_wait3A_701 : memref<1x64xf32, #tpu.memory_space<hbm>> -> memref<64xf32, #tpu.memory_space<hbm>>
      tpu.wait_dma2 semaphore(%arg7 : memref<!tpu.dma_semaphore, #tpu.memory_space<semaphore_mem>>) src(%dma_wait3A_702 : memref<64xf32, #tpu.memory_space<hbm>>) dst(%dma_wait3A_700 : memref<64xf32, #tpu.memory_space<vmem>>)
      %dma_wait3A_703 = arith.constant 0 : i32
      %dma_wait3A_704 = tpu.memref_slice %arg6[%add3A_375, %dma_wait3A_703] : memref<512x64xf32, #tpu.memory_space<vmem>> -> memref<1x64xf32, #tpu.memory_space<vmem>>
      %dma_wait3A_705 = tpu.memref_squeeze %dma_wait3A_704 : memref<1x64xf32, #tpu.memory_space<vmem>> -> memref<64xf32, #tpu.memory_space<vmem>>
      %dma_wait3A_706 = tpu.memref_slice %arg3[%add3A_364, %multiple_of3A_371] : memref<507904x128xf32, #tpu.memory_space<hbm>> -> memref<1x64xf32, #tpu.memory_space<hbm>>
      %dma_wait3A_707 = tpu.memref_squeeze %dma_wait3A_706 : memref<1x64xf32, #tpu.memory_space<hbm>> -> memref<64xf32, #tpu.memory_space<hbm>>
      %dma_wait3A_708 = arith.constant 0 : i32
      %dma_wait3A_709 = tpu.memref_slice %arg6[%add3A_375, %dma_wait3A_708] : memref<512x64xf32, #tpu.memory_space<vmem>> -> memref<1x64xf32, #tpu.memory_space<vmem>>
      %dma_wait3A_710 = tpu.memref_squeeze %dma_wait3A_709 : memref<1x64xf32, #tpu.memory_space<vmem>> -> memref<64xf32, #tpu.memory_space<vmem>>
      %dma_wait3A_711 = tpu.memref_slice %arg3[%add3A_364, %multiple_of3A_371] : memref<507904x128xf32, #tpu.memory_space<hbm>> -> memref<1x64xf32, #tpu.memory_space<hbm>>
      %dma_wait3A_712 = tpu.memref_squeeze %dma_wait3A_711 : memref<1x64xf32, #tpu.memory_space<hbm>> -> memref<64xf32, #tpu.memory_space<hbm>>
      tpu.wait_dma2 semaphore(%arg7 : memref<!tpu.dma_semaphore, #tpu.memory_space<semaphore_mem>>) src(%dma_wait3A_712 : memref<64xf32, #tpu.memory_space<hbm>>) dst(%dma_wait3A_710 : memref<64xf32, #tpu.memory_space<vmem>>)
      %dma_wait3A_713 = arith.constant 0 : i32
      %dma_wait3A_714 = tpu.memref_slice %arg6[%add3A_413, %dma_wait3A_713] : memref<512x64xf32, #tpu.memory_space<vmem>> -> memref<1x64xf32, #tpu.memory_space<vmem>>
      %dma_wait3A_715 = tpu.memref_squeeze %dma_wait3A_714 : memref<1x64xf32, #tpu.memory_space<vmem>> -> memref<64xf32, #tpu.memory_space<vmem>>
      %dma_wait3A_716 = tpu.memref_slice %arg3[%add3A_402, %multiple_of3A_409] : memref<507904x128xf32, #tpu.memory_space<hbm>> -> memref<1x64xf32, #tpu.memory_space<hbm>>
      %dma_wait3A_717 = tpu.memref_squeeze %dma_wait3A_716 : memref<1x64xf32, #tpu.memory_space<hbm>> -> memref<64xf32, #tpu.memory_space<hbm>>
      %dma_wait3A_718 = arith.constant 0 : i32
      %dma_wait3A_719 = tpu.memref_slice %arg6[%add3A_413, %dma_wait3A_718] : memref<512x64xf32, #tpu.memory_space<vmem>> -> memref<1x64xf32, #tpu.memory_space<vmem>>
      %dma_wait3A_720 = tpu.memref_squeeze %dma_wait3A_719 : memref<1x64xf32, #tpu.memory_space<vmem>> -> memref<64xf32, #tpu.memory_space<vmem>>
      %dma_wait3A_721 = tpu.memref_slice %arg3[%add3A_402, %multiple_of3A_409] : memref<507904x128xf32, #tpu.memory_space<hbm>> -> memref<1x64xf32, #tpu.memory_space<hbm>>
      %dma_wait3A_722 = tpu.memref_squeeze %dma_wait3A_721 : memref<1x64xf32, #tpu.memory_space<hbm>> -> memref<64xf32, #tpu.memory_space<hbm>>
      tpu.wait_dma2 semaphore(%arg7 : memref<!tpu.dma_semaphore, #tpu.memory_space<semaphore_mem>>) src(%dma_wait3A_722 : memref<64xf32, #tpu.memory_space<hbm>>) dst(%dma_wait3A_720 : memref<64xf32, #tpu.memory_space<vmem>>)
      %dma_wait3A_723 = arith.constant 0 : i32
      %dma_wait3A_724 = tpu.memref_slice %arg6[%add3A_451, %dma_wait3A_723] : memref<512x64xf32, #tpu.memory_space<vmem>> -> memref<1x64xf32, #tpu.memory_space<vmem>>
      %dma_wait3A_725 = tpu.memref_squeeze %dma_wait3A_724 : memref<1x64xf32, #tpu.memory_space<vmem>> -> memref<64xf32, #tpu.memory_space<vmem>>
      %dma_wait3A_726 = tpu.memref_slice %arg3[%add3A_440, %multiple_of3A_447] : memref<507904x128xf32, #tpu.memory_space<hbm>> -> memref<1x64xf32, #tpu.memory_space<hbm>>
      %dma_wait3A_727 = tpu.memref_squeeze %dma_wait3A_726 : memref<1x64xf32, #tpu.memory_space<hbm>> -> memref<64xf32, #tpu.memory_space<hbm>>
      %dma_wait3A_728 = arith.constant 0 : i32
      %dma_wait3A_729 = tpu.memref_slice %arg6[%add3A_451, %dma_wait3A_728] : memref<512x64xf32, #tpu.memory_space<vmem>> -> memref<1x64xf32, #tpu.memory_space<vmem>>
      %dma_wait3A_730 = tpu.memref_squeeze %dma_wait3A_729 : memref<1x64xf32, #tpu.memory_space<vmem>> -> memref<64xf32, #tpu.memory_space<vmem>>
      %dma_wait3A_731 = tpu.memref_slice %arg3[%add3A_440, %multiple_of3A_447] : memref<507904x128xf32, #tpu.memory_space<hbm>> -> memref<1x64xf32, #tpu.memory_space<hbm>>
      %dma_wait3A_732 = tpu.memref_squeeze %dma_wait3A_731 : memref<1x64xf32, #tpu.memory_space<hbm>> -> memref<64xf32, #tpu.memory_space<hbm>>
      tpu.wait_dma2 semaphore(%arg7 : memref<!tpu.dma_semaphore, #tpu.memory_space<semaphore_mem>>) src(%dma_wait3A_732 : memref<64xf32, #tpu.memory_space<hbm>>) dst(%dma_wait3A_730 : memref<64xf32, #tpu.memory_space<vmem>>)
      %dma_wait3A_733 = arith.constant 0 : i32
      %dma_wait3A_734 = tpu.memref_slice %arg6[%add3A_489, %dma_wait3A_733] : memref<512x64xf32, #tpu.memory_space<vmem>> -> memref<1x64xf32, #tpu.memory_space<vmem>>
      %dma_wait3A_735 = tpu.memref_squeeze %dma_wait3A_734 : memref<1x64xf32, #tpu.memory_space<vmem>> -> memref<64xf32, #tpu.memory_space<vmem>>
      %dma_wait3A_736 = tpu.memref_slice %arg3[%add3A_478, %multiple_of3A_485] : memref<507904x128xf32, #tpu.memory_space<hbm>> -> memref<1x64xf32, #tpu.memory_space<hbm>>
      %dma_wait3A_737 = tpu.memref_squeeze %dma_wait3A_736 : memref<1x64xf32, #tpu.memory_space<hbm>> -> memref<64xf32, #tpu.memory_space<hbm>>
      %dma_wait3A_738 = arith.constant 0 : i32
      %dma_wait3A_739 = tpu.memref_slice %arg6[%add3A_489, %dma_wait3A_738] : memref<512x64xf32, #tpu.memory_space<vmem>> -> memref<1x64xf32, #tpu.memory_space<vmem>>
      %dma_wait3A_740 = tpu.memref_squeeze %dma_wait3A_739 : memref<1x64xf32, #tpu.memory_space<vmem>> -> memref<64xf32, #tpu.memory_space<vmem>>
      %dma_wait3A_741 = tpu.memref_slice %arg3[%add3A_478, %multiple_of3A_485] : memref<507904x128xf32, #tpu.memory_space<hbm>> -> memref<1x64xf32, #tpu.memory_space<hbm>>
      %dma_wait3A_742 = tpu.memref_squeeze %dma_wait3A_741 : memref<1x64xf32, #tpu.memory_space<hbm>> -> memref<64xf32, #tpu.memory_space<hbm>>
      tpu.wait_dma2 semaphore(%arg7 : memref<!tpu.dma_semaphore, #tpu.memory_space<semaphore_mem>>) src(%dma_wait3A_742 : memref<64xf32, #tpu.memory_space<hbm>>) dst(%dma_wait3A_740 : memref<64xf32, #tpu.memory_space<vmem>>)
      %dma_wait3A_743 = arith.constant 0 : i32
      %dma_wait3A_744 = tpu.memref_slice %arg6[%add3A_527, %dma_wait3A_743] : memref<512x64xf32, #tpu.memory_space<vmem>> -> memref<1x64xf32, #tpu.memory_space<vmem>>
      %dma_wait3A_745 = tpu.memref_squeeze %dma_wait3A_744 : memref<1x64xf32, #tpu.memory_space<vmem>> -> memref<64xf32, #tpu.memory_space<vmem>>
      %dma_wait3A_746 = tpu.memref_slice %arg3[%add3A_516, %multiple_of3A_523] : memref<507904x128xf32, #tpu.memory_space<hbm>> -> memref<1x64xf32, #tpu.memory_space<hbm>>
      %dma_wait3A_747 = tpu.memref_squeeze %dma_wait3A_746 : memref<1x64xf32, #tpu.memory_space<hbm>> -> memref<64xf32, #tpu.memory_space<hbm>>
      %dma_wait3A_748 = arith.constant 0 : i32
      %dma_wait3A_749 = tpu.memref_slice %arg6[%add3A_527, %dma_wait3A_748] : memref<512x64xf32, #tpu.memory_space<vmem>> -> memref<1x64xf32, #tpu.memory_space<vmem>>
      %dma_wait3A_750 = tpu.memref_squeeze %dma_wait3A_749 : memref<1x64xf32, #tpu.memory_space<vmem>> -> memref<64xf32, #tpu.memory_space<vmem>>
      %dma_wait3A_751 = tpu.memref_slice %arg3[%add3A_516, %multiple_of3A_523] : memref<507904x128xf32, #tpu.memory_space<hbm>> -> memref<1x64xf32, #tpu.memory_space<hbm>>
      %dma_wait3A_752 = tpu.memref_squeeze %dma_wait3A_751 : memref<1x64xf32, #tpu.memory_space<hbm>> -> memref<64xf32, #tpu.memory_space<hbm>>
      tpu.wait_dma2 semaphore(%arg7 : memref<!tpu.dma_semaphore, #tpu.memory_space<semaphore_mem>>) src(%dma_wait3A_752 : memref<64xf32, #tpu.memory_space<hbm>>) dst(%dma_wait3A_750 : memref<64xf32, #tpu.memory_space<vmem>>)
      %dma_wait3A_753 = arith.constant 0 : i32
      %dma_wait3A_754 = tpu.memref_slice %arg6[%add3A_565, %dma_wait3A_753] : memref<512x64xf32, #tpu.memory_space<vmem>> -> memref<1x64xf32, #tpu.memory_space<vmem>>
      %dma_wait3A_755 = tpu.memref_squeeze %dma_wait3A_754 : memref<1x64xf32, #tpu.memory_space<vmem>> -> memref<64xf32, #tpu.memory_space<vmem>>
      %dma_wait3A_756 = tpu.memref_slice %arg3[%add3A_554, %multiple_of3A_561] : memref<507904x128xf32, #tpu.memory_space<hbm>> -> memref<1x64xf32, #tpu.memory_space<hbm>>
      %dma_wait3A_757 = tpu.memref_squeeze %dma_wait3A_756 : memref<1x64xf32, #tpu.memory_space<hbm>> -> memref<64xf32, #tpu.memory_space<hbm>>
      %dma_wait3A_758 = arith.constant 0 : i32
      %dma_wait3A_759 = tpu.memref_slice %arg6[%add3A_565, %dma_wait3A_758] : memref<512x64xf32, #tpu.memory_space<vmem>> -> memref<1x64xf32, #tpu.memory_space<vmem>>
      %dma_wait3A_760 = tpu.memref_squeeze %dma_wait3A_759 : memref<1x64xf32, #tpu.memory_space<vmem>> -> memref<64xf32, #tpu.memory_space<vmem>>
      %dma_wait3A_761 = tpu.memref_slice %arg3[%add3A_554, %multiple_of3A_561] : memref<507904x128xf32, #tpu.memory_space<hbm>> -> memref<1x64xf32, #tpu.memory_space<hbm>>
      %dma_wait3A_762 = tpu.memref_squeeze %dma_wait3A_761 : memref<1x64xf32, #tpu.memory_space<hbm>> -> memref<64xf32, #tpu.memory_space<hbm>>
      tpu.wait_dma2 semaphore(%arg7 : memref<!tpu.dma_semaphore, #tpu.memory_space<semaphore_mem>>) src(%dma_wait3A_762 : memref<64xf32, #tpu.memory_space<hbm>>) dst(%dma_wait3A_760 : memref<64xf32, #tpu.memory_space<vmem>>)
      %dma_wait3A_763 = arith.constant 0 : i32
      %dma_wait3A_764 = tpu.memref_slice %arg6[%add3A_603, %dma_wait3A_763] : memref<512x64xf32, #tpu.memory_space<vmem>> -> memref<1x64xf32, #tpu.memory_space<vmem>>
      %dma_wait3A_765 = tpu.memref_squeeze %dma_wait3A_764 : memref<1x64xf32, #tpu.memory_space<vmem>> -> memref<64xf32, #tpu.memory_space<vmem>>
      %dma_wait3A_766 = tpu.memref_slice %arg3[%add3A_592, %multiple_of3A_599] : memref<507904x128xf32, #tpu.memory_space<hbm>> -> memref<1x64xf32, #tpu.memory_space<hbm>>
      %dma_wait3A_767 = tpu.memref_squeeze %dma_wait3A_766 : memref<1x64xf32, #tpu.memory_space<hbm>> -> memref<64xf32, #tpu.memory_space<hbm>>
      %dma_wait3A_768 = arith.constant 0 : i32
      %dma_wait3A_769 = tpu.memref_slice %arg6[%add3A_603, %dma_wait3A_768] : memref<512x64xf32, #tpu.memory_space<vmem>> -> memref<1x64xf32, #tpu.memory_space<vmem>>
      %dma_wait3A_770 = tpu.memref_squeeze %dma_wait3A_769 : memref<1x64xf32, #tpu.memory_space<vmem>> -> memref<64xf32, #tpu.memory_space<vmem>>
      %dma_wait3A_771 = tpu.memref_slice %arg3[%add3A_592, %multiple_of3A_599] : memref<507904x128xf32, #tpu.memory_space<hbm>> -> memref<1x64xf32, #tpu.memory_space<hbm>>
      %dma_wait3A_772 = tpu.memref_squeeze %dma_wait3A_771 : memref<1x64xf32, #tpu.memory_space<hbm>> -> memref<64xf32, #tpu.memory_space<hbm>>
      tpu.wait_dma2 semaphore(%arg7 : memref<!tpu.dma_semaphore, #tpu.memory_space<semaphore_mem>>) src(%dma_wait3A_772 : memref<64xf32, #tpu.memory_space<hbm>>) dst(%dma_wait3A_770 : memref<64xf32, #tpu.memory_space<vmem>>)
      %scan3A_773 = arith.constant 0 : i32
      scf.yield %scan3A_773 : i32
    }
    %scan3A_8 = arith.constant 32 : i32
    "tpu.region"() ({
      %run_scoped3A = tpu.sem_alloc : memref<!tpu.dma_semaphore, #tpu.memory_space<semaphore_mem>>
      %dma_start3A = arith.constant 0 : i32
      %dma_start3A_9 = tpu.memref_slice %arg4[%mul3A_2, %dma_start3A] : memref<16384x64xf32, #tpu.memory_space<hbm>> -> memref<512x64xf32, #tpu.memory_space<hbm>>
      %dma_start3A_10 = arith.constant 0 : i32
      %dma_start3A_11 = tpu.memref_slice %arg4[%mul3A_2, %dma_start3A_10] : memref<16384x64xf32, #tpu.memory_space<hbm>> -> memref<512x64xf32, #tpu.memory_space<hbm>>
      tpu.enqueue_dma source(%arg6 : memref<512x64xf32, #tpu.memory_space<vmem>>) target(%dma_start3A_11 : memref<512x64xf32, #tpu.memory_space<hbm>>) target_semaphore(%run_scoped3A : memref<!tpu.dma_semaphore, #tpu.memory_space<semaphore_mem>>)
      %dma_wait3A = arith.constant 0 : i32
      %dma_wait3A_12 = tpu.memref_slice %arg4[%mul3A_2, %dma_wait3A] : memref<16384x64xf32, #tpu.memory_space<hbm>> -> memref<512x64xf32, #tpu.memory_space<hbm>>
      %dma_wait3A_13 = arith.constant 0 : i32
      %dma_wait3A_14 = tpu.memref_slice %arg4[%mul3A_2, %dma_wait3A_13] : memref<16384x64xf32, #tpu.memory_space<hbm>> -> memref<512x64xf32, #tpu.memory_space<hbm>>
      tpu.wait_dma2 semaphore(%run_scoped3A : memref<!tpu.dma_semaphore, #tpu.memory_space<semaphore_mem>>) src(%arg6 : memref<512x64xf32, #tpu.memory_space<vmem>>) dst(%dma_wait3A_14 : memref<512x64xf32, #tpu.memory_space<hbm>>)
      tpu.yield
    }) : () -> ()
    return
  }
}

module attributes {stable_mosaic.version = 14 : i64} {
  func.func @body(%arg0: memref<16384x64xf32, #tpu.memory_space<vmem>>, %arg1: memref<16384x64xf32, #tpu.memory_space<vmem>>, %arg2: memref<1x1xf32, #tpu.memory_space<smem>>) attributes {dimension_semantics = [], scalar_prefetch = 0 : i64, scratch_operands = 0 : i64, tpu.core_type = #tpu.core_type<tc>} {
    %get3A = arith.constant 0 : index
    %get3A_0 = arith.constant 0 : index
    %get3A_1 = vector.load %arg0[%get3A, %get3A_0] : memref<16384x64xf32, #tpu.memory_space<vmem>>, vector<16384x64xf32>
    %get3A_2 = arith.constant 0 : index
    %get3A_3 = arith.constant 0 : index
    %get3A_4 = vector.load %arg1[%get3A_2, %get3A_3] : memref<16384x64xf32, #tpu.memory_space<vmem>>, vector<16384x64xf32>
    %mul3A = arith.mulf %get3A_1, %get3A_4 : vector<16384x64xf32>
    %reduce_sum3A = arith.constant dense<0.000000e+00> : vector<16384xf32>
    %reduce_sum3A_5 = vector.multi_reduction <add>, %mul3A, %reduce_sum3A [1] : vector<16384x64xf32> to vector<16384xf32>
    %neg3A = arith.constant 0.000000e+00 : f32
    %neg3A_6 = vector.broadcast %neg3A : f32 to vector<16384xf32>
    %neg3A_7 = arith.subf %neg3A_6, %reduce_sum3A_5 : vector<16384xf32>
    %custom_jvp_call3A = arith.constant 0.000000e+00 : f32
    %max3A = vector.broadcast %custom_jvp_call3A : f32 to vector<16384xf32>
    %max3A_8 = arith.maximumf %neg3A_7, %max3A : vector<16384xf32>
    %sub3A = vector.broadcast %custom_jvp_call3A : f32 to vector<16384xf32>
    %sub3A_9 = arith.subf %neg3A_7, %sub3A : vector<16384xf32>
    %ne3A = arith.cmpf one, %sub3A_9, %sub3A_9 : vector<16384xf32>
    %add3A = vector.broadcast %custom_jvp_call3A : f32 to vector<16384xf32>
    %add3A_10 = arith.addf %neg3A_7, %add3A : vector<16384xf32>
    %abs3A = math.absf %sub3A_9 : vector<16384xf32>
    %neg3A_11 = arith.constant 0.000000e+00 : f32
    %neg3A_12 = vector.broadcast %neg3A_11 : f32 to vector<16384xf32>
    %neg3A_13 = arith.subf %neg3A_12, %abs3A : vector<16384xf32>
    %exp3A = math.exp %neg3A_13 : vector<16384xf32>
    %log1p3A = math.log1p %exp3A : vector<16384xf32>
    %add3A_14 = arith.addf %max3A_8, %log1p3A : vector<16384xf32>
    %select_n3A = arith.select %ne3A, %add3A_10, %add3A_14 : vector<16384xi1>, vector<16384xf32>
    %neg3A_15 = arith.constant 0.000000e+00 : f32
    %neg3A_16 = vector.broadcast %neg3A_15 : f32 to vector<16384xf32>
    %neg3A_17 = arith.subf %neg3A_16, %select_n3A : vector<16384xf32>
    %reduce_sum3A_18 = vector.shape_cast %neg3A_17 : vector<16384xf32> to vector<1x16384xf32>
    %reduce_sum3A_19 = arith.constant dense<0.000000e+00> : vector<1xf32>
    %reduce_sum3A_20 = vector.multi_reduction <add>, %reduce_sum3A_18, %reduce_sum3A_19 [1] : vector<1x16384xf32> to vector<1xf32>
    %reduce_sum3A_21 = vector.shape_cast %reduce_sum3A_20 : vector<1xf32> to vector<1x1xf32>
    %reduce_sum3A_22 = vector.extract %reduce_sum3A_21[0, 0] : f32 from vector<1x1xf32>
    %div3A = arith.constant 1.638400e+04 : f32
    %div3A_23 = arith.divf %reduce_sum3A_22, %div3A : f32
    %neg3A_24 = arith.constant 0.000000e+00 : f32
    %neg3A_25 = arith.subf %neg3A_24, %div3A_23 : f32
    %swap3A = arith.constant 0 : index
    %swap3A_26 = arith.constant 0 : index
    %swap3A_27 = memref.load %arg2[%swap3A, %swap3A_26] : memref<1x1xf32, #tpu.memory_space<smem>>
    memref.store %neg3A_25, %arg2[%swap3A, %swap3A_26] : memref<1x1xf32, #tpu.memory_space<smem>>
    return
  }
}

module attributes {stable_mosaic.version = 14 : i64} {
  func.func @body(%arg0: i32, %arg1: memref<64x16384xf32, #tpu.memory_space<vmem>>, %arg2: memref<8192x128xf32, #tpu.memory_space<vmem>>) attributes {dimension_semantics = [#tpu.dimension_semantics<arbitrary>], iteration_bounds = array<i64: 62>, scalar_prefetch = 0 : i64, scratch_operands = 0 : i64, tpu.core_type = #tpu.core_type<tc>, window_params = [{transform_indices = @transform_0, window_bounds = array<i64: 64, 16384>}, {transform_indices = @transform_1, window_bounds = array<i64: 8192, 128>}]} {
    %get3A = arith.constant 0 : index
    %get3A_0 = arith.constant 0 : index
    %get3A_1 = vector.load %arg1[%get3A, %get3A_0] : memref<64x16384xf32, #tpu.memory_space<vmem>>, vector<64x16384xf32>
    %transpose3A = tpu.transpose %get3A_1, [1, 0] : vector<64x16384xf32> -> vector<16384x64xf32>
    %slice3A = vector.extract_strided_slice %transpose3A {offsets = [0, 0], sizes = [8192, 64], strides = [1, 1]} : vector<16384x64xf32> to vector<8192x64xf32>
    %slice3A_2 = vector.extract_strided_slice %transpose3A {offsets = [8192, 0], sizes = [8192, 64], strides = [1, 1]} : vector<16384x64xf32> to vector<8192x64xf32>
    %concatenate3A = tpu.concatenate %slice3A, %slice3A_2 in 1 : vector<8192x64xf32>, vector<8192x64xf32> -> vector<8192x128xf32>
    %swap3A = arith.constant 0 : index
    %swap3A_3 = arith.constant 0 : index
    %swap3A_4 = vector.load %arg2[%swap3A, %swap3A_3] : memref<8192x128xf32, #tpu.memory_space<vmem>>, vector<8192x128xf32>
    tpu.vector_store %arg2[%swap3A, %swap3A_3], %concatenate3A {strides = array<i32>} : memref<8192x128xf32, #tpu.memory_space<vmem>>, vector<8192x128xf32>,
    return
  }
  func.func @transform_0(%arg0: i32) -> (i32, i32) {
    %c0_i32 = arith.constant 0 : i32
    %c0_i32_0 = arith.constant 0 : i32
    return %c0_i32, %arg0 : i32, i32
  }
  func.func @transform_1(%arg0: i32) -> (i32, i32) {
    %c0_i32 = arith.constant 0 : i32
    %c0_i32_0 = arith.constant 0 : i32
    return %arg0, %c0_i32 : i32, i32
  }
}

</mosaic_0001>

<sc_bundles>
// kernel: kernel.10.cloned.1.call-start
scs
__scs_entry_jumppad:
0x0: {  	(pc) =	sbr.rel $0x88, $3  }
0x1: {  	(tag) =	ssettag $0x0;
	lr =	simm.s32 $0x1  }
0x2: {  	[smem:$0x3F9D] =	sst lr;
	_ =	strace $0xD0000000  }
0x3: {  	_ = 	snop  }
0x4: {  	_ = 	snop  }
0x5: {  	_ = 	snop  }
0x6: {  	_ = 	snop  }
0x7: {  	_ = 	snop  }
__scs_overlays_trampoline_lowered:
0x8: {  	[smem:$0x3FAC] =	sst s0  }
0x9: {  	[smem:$0x3FAD] =	sst s1  }
0xa: {  	[smem:$0x3FAE] =	sst s2  }
0xb: {  	[smem:$0x3FAF] =	sst s3  }
0xc: {  	[smem:$0x3FB0] =	sst s4  }
0xd: {  	[smem:$0x3FB1] =	sst s5  }
0xe: {  	[smem:$0x3FB2] =	sst s6  }
0xf: {  	[smem:$0x3FB3] =	sst s7  }
0x10: {  	[smem:$0x3FB4] =	sst s8  }
0x11: {  	[smem:$0x3FB5] =	sst s9;
	s0 =	simm.s32 @!p0 $0x0  }
0x12: {  	s1 =	sld [smem:$0x3F9B];
	s0 =	simm.s32 @p0 $0x1  }
0x13: {  	[smem:$0x3FB6] =	sst s0;
	s0 =	simm.s32 @!p1 $0x0  }
0x14: {  	s2 =	sld [smem:$0x3F9A];
	s0 =	simm.s32 @p1 $0x1  }
0x15: {  	[smem:$0x3FB7] =	sst s0;
	s0 =	simm.s32 @!p2 $0x0  }
0x16: {  	s3 =	sld [smem:$0x3FDB];
	s0 =	simm.s32 @p2 $0x1  }
0x17: {  	s4 =	simm.s32 $0x1BF5;
	[smem:$0x3FB9] =	sst s0  }
0x18: {  	s0 =	sld [smem:$0x3F9C];
	_ =	swait.ge [sflag:s4], $0x0  }
0x19: {  	s7 =	sld [smem:$0x3F9D]  }
0x1a: {  	s8 =	sadd.s32 $0xFFFFE003, lr  }
0x1b: {  	s9 =	sadd.s32 $0xFFFFFEF7, lr;
	s5 =	simm.s32 $0xFFFFFFFF;
	p2 =	slt.u32 s8, $0xFFFFF086  }
0x1c: {  	p1 =	slt.u32 s9, $0xF7A;
	s5 =	simm.s32 @!p2 $0x0  }
0x1d: {  	s5 =	simm.s32 @p1 $0x1;
	p0 =	seq.s32 s7, s2  }
0x1e: {  	s7 =	smul.u32 @!p0 $0xF7A, s2;
	p2 =	seq.s32 @!p0 s5, $0x0  }
0x1f: {  	s9 =	smul.u32 $0xF7A, s1;
	s8 =	simm.s32 @!p0 $0x1BF5;
	p2 =	por !p2, p0  }
0x20: {  	[sflag:s8] =	ssyncset.s32 @!p0 $0xFFFFF086;
	s6 =	sadd.s32 @!p0 s3, s7;
	s7 =	simm.s32 @!p0 $0x108  }
0x21: {  	s3 =	sadd.s32 s3, s9;
	s6 =	sadd.s32 @!p0 $0x88, s6;
	s7 =	simm.s32 @p2 $0x1082  }
0x22: {  	[simem:s7], [sflag:s8] =	dma.local @!p0 [hbm:s6], $0xF7A  }
0x23: {  	s9 =	sor.u32 $0xD0000000, s2;
	s6 =	simm.s32 $0x108;
	_ =	swait.ge @!p0 [sflag:s8], $0x0  }
0x24: {  	s3 =	sadd.s32 $0x88, s3;
	s6 =	simm.s32 @!p1 $0x1082;
	[sflag:s4] =	ssyncset.s32 $0xFFFFF086  }
0x25: {  	[simem:s6], [sflag:s4] =	dma.local [hbm:s3], $0xF7A  }
0x26: {  	[smem:$0x3F9D] =	sst s1;
	(tag) =	ssettag s2;
	_ =	strace s9  }
0x27: {  	s1 =	sld [smem:$0x3FAD]  }
0x28: {  	s2 =	sld [smem:$0x3FAE]  }
0x29: {  	s4 =	sld [smem:$0x3FB0]  }
0x2a: {  	p0 =	seq.s32 s5, $0x0;
	s5 =	sld [smem:$0x3FB1]  }
0x2b: {  	s6 =	sld [smem:$0x3FB2]  }
0x2c: {  	s7 =	sld [smem:$0x3FB3]  }
0x2d: {  	s3 =	simm.s32 $0x108;
	s8 =	sld [smem:$0x3FB4]  }
0x2e: {  	s3 =	simm.s32 @!p0 $0x1082;
	s9 =	sld [smem:$0x3FB5]  }
0x2f: {  	lr =	sadd.s32 s0, s3;
	s0 =	sld [smem:$0x3FAC]  }
0x30: {  	s3 =	sld [smem:$0x3FAF]  }
0x31: {  	[smem:$0x3FB8] =	sst s10  }
0x32: {  	s10 =	sld [smem:$0x3FB6];
	_ =	sdelay $0x3  }
0x33: {  	p0 =	seq.s32 s10, $0x1;
	s10 =	sld [smem:$0x3FB8];
	_ =	sdelay $0x3  }
0x34: {  	[smem:$0x3FB8] =	sst s10  }
0x35: {  	s10 =	sld [smem:$0x3FB7];
	_ =	sdelay $0x3  }
0x36: {  	p1 =	seq.s32 s10, $0x1;
	s10 =	sld [smem:$0x3FB8];
	_ =	sdelay $0x3  }
0x37: {  	[smem:$0x3FB8] =	sst s10  }
0x38: {  	s10 =	sld [smem:$0x3FB9]  }
0x39: {  	_ = 	snop;
	(pc) =	sbr.ind lr, $3  }
0x3a: {  	_ = 	snop  }
0x3b: {  	_ = 	snop  }
0x3c: {  	p2 =	seq.s32 s10, $0x1;
	s10 =	sld [smem:$0x3FB8]  }
0x3d: {  	_ =	shalt  }
0x3e: {  	_ =	shalt  }
0x3f: {  	_ =	shalt  }
0x40: {  	_ =	shalt  }
0x41: {  	_ =	shalt  }
0x42: {  	_ =	shalt  }
0x43: {  	_ =	shalt  }
0x44: {  	_ =	shalt  }
0x45: {  	_ =	shalt  }
0x46: {  	_ =	shalt  }
0x47: {  	_ =	shalt  }
0x48: {  	_ =	shalt  }
0x49: {  	_ =	shalt  }
0x4a: {  	_ =	shalt  }
0x4b: {  	_ =	shalt  }
0x4c: {  	_ =	shalt  }
0x4d: {  	_ =	shalt  }
0x4e: {  	_ =	shalt  }
0x4f: {  	_ =	shalt  }
0x50: {  	_ =	shalt  }
0x51: {  	_ =	shalt  }
0x52: {  	_ =	shalt  }
0x53: {  	_ =	shalt  }
0x54: {  	_ =	shalt  }
0x55: {  	_ =	shalt  }
0x56: {  	_ =	shalt  }
0x57: {  	_ =	shalt  }
0x58: {  	_ =	shalt  }
0x59: {  	_ =	shalt  }
0x5a: {  	_ =	shalt  }
0x5b: {  	_ =	shalt  }
0x5c: {  	_ =	shalt  }
0x5d: {  	_ =	shalt  }
0x5e: {  	_ =	shalt  }
0x5f: {  	_ =	shalt  }
0x60: {  	_ =	shalt  }
0x61: {  	_ =	shalt  }
0x62: {  	_ =	shalt  }
0x63: {  	_ =	shalt  }
0x64: {  	_ =	shalt  }
0x65: {  	_ =	shalt  }
0x66: {  	_ =	shalt  }
0x67: {  	_ =	shalt  }
0x68: {  	_ =	shalt  }
0x69: {  	_ =	shalt  }
0x6a: {  	_ =	shalt  }
0x6b: {  	_ =	shalt  }
0x6c: {  	_ =	shalt  }
0x6d: {  	_ =	shalt  }
0x6e: {  	_ =	shalt  }
0x6f: {  	_ =	shalt  }
0x70: {  	_ =	shalt  }
0x71: {  	_ =	shalt  }
0x72: {  	_ =	shalt  }
0x73: {  	_ =	shalt  }
0x74: {  	_ =	shalt  }
0x75: {  	_ =	shalt  }
0x76: {  	_ =	shalt  }
0x77: {  	_ =	shalt  }
0x78: {  	_ =	shalt  }
0x79: {  	_ =	shalt  }
0x7a: {  	_ =	shalt  }
0x7b: {  	_ =	shalt  }
0x7c: {  	_ =	shalt  }
0x7d: {  	_ =	shalt  }
0x7e: {  	_ =	shalt  }
0x7f: {  	_ =	shalt  }
0x80: {  	_ =	shalt  }
0x81: {  	_ =	shalt  }
0x82: {  	_ =	shalt  }
0x83: {  	_ =	shalt  }
0x84: {  	_ =	shalt  }
0x85: {  	_ =	shalt  }
0x86: {  	_ =	shalt  }
0x87: {  	_ =	shalt  }
.Lfunc_end0:
.L_simem_size_0:
called_computation.1_lowered:
.L_overlay_start_0:
0x88: {  	s2 =	sld [smem:$0x3FD9]  }
0x89: {  	s3 =	sld [smem:$0x3FFE];
	_ =	sdelay $0x1  }
0x8a: {  	s1 =	srdreg.scid  }
0x8b: {  	s0 =	sand.u32 $0x1, s1  }
0x8c: {  	s15 =	sshll.u32 s0, $0xA;
	s2 =	sadd.s32 s3, s2  }
0x8d: {  	s2 =	sadd.s32 s2, s15  }
0x8e: {  	[smem:$0x3FC4] =	sst s2  }
0x8f: {  	_ = 	snop  }
0x90: {  	s16 =	sld [smem:$0x3FD0];
	_ =	sdelay $0x2  }
0x91: {  	s4 =	simm.s32 $0xB;
	s5 =	simm.s32 $0x10;
	s2 =	sld [smem:$0x3FC8]  }
0x92: {  	[smem:s5], [sflag:s4] =	dma.local [hbm:s16], $0x1  }
0x93: {  	_ =	swait.eq [sflag:s4], $0x1  }
0x94: {  	[sflag:s4] =	ssyncset.done $0x0  }
0x95: {  	[sflag:s4] =	ssyncadd.s32 $0xFFFFFFFF  }
0x96: {  	s17 =	sld [smem:$0x11];
	(tm) =	ssettm $0x1  }
0x97: {  	s18 =	sld [smem:$0x3FFB];
	_ =	sdelay $0x3  }
0x98: {  	_ =	strace s18  }
0x99: {  	s3 =	sld [smem:$0x3FFC];
	_ =	sdelay $0x3  }
0x9a: {  	_ =	strace s3  }
0x9b: {  	s3 =	sld [smem:$0x3FFD];
	_ =	sdelay $0x3  }
0x9c: {  	_ =	strace s3  }
0x9d: {  	_ =	strace $0x8FFFFFFF  }
0x9e: {  	s19 =	sld [smem:$0x3FDB];
	_ =	sdelay $0x1  }
0x9f: {  	s20 =	simm.s32 $_scs_section_size  }
0xa0: {  	s6 =	simm.s32 $_size__tile_overlayer_lowered;
	s7 =	simm.s32 $_tile_overlayer_lowered  }
0xa1: {  	s8 =	simm.s32 $0x1BFF;
	s21 =	sshll.u32 s7, $0x1;
	s5 =	sadd.s32 s20, s19  }
0xa2: {  	s22 =	simm.s32 $0x0;
	s6 =	sshll.u32 s6, $0x1;
	s7 =	sadd.s32 s21, s5  }
0xa3: {  	[timem:s22], [sflag:s8] =	dma.local [hbm:s7], s6  }
0xa4: {  	_ =	swait.ge [sflag:s8], s6  }
0xa5: {  	s6 =	ssub.s32 $0x0, s6;
	[sflag:s8] =	ssyncset.done $0x0  }
0xa6: {  	[sflag:s8] =	ssyncadd.s32 s6;
	_ =	sdelay $0x1  }
0xa7: {  	s23 =	simm.s32 $0x1B8B  }
0xa8: {  	_ =	swait.ge [sflag:s23], $0x1  }
0xa9: {  	[sflag:s23] =	ssyncset.done $0x0  }
0xaa: {  	[sflag:s23] =	ssyncadd.s32 $0xFFFFFFFF  }
0xab: {  	s6 =	sld [smem:$0x0]  }
0xac: {  	s7 =	sand.u32 $0xFFFFFFFE, s1  }
0xad: {  	p0 =	sne.s32 s1, s7  }
0xae: {  	s7 =	sshll.u32 @p0 s7, $0xE  }
0xaf: {  	s7 =	sadd.s32 @p0 $0x11B8D, s7;
	s8 =	sshll.u32 @p0 s6, $0x11  }
0xb0: {  	s7 =	sor.u32 @p0 s8, s7  }
0xb1: {  	[sflag:s7] =	ssyncadd.remote.s32 @p0 $0x1;
	_ =	sdelay $0x1  }
0xb2: {  	s7 =	simm.s32 @p0 $0x1B8D  }
0xb3: {  	_ =	swait.eq @p0 [sflag:s7], $0x1  }
0xb4: {  	[sflag:s7] =	ssyncadd.s32 @p0 $0xFFFFFFFF  }
0xb5: {  	s8 =	sshll.u32 @!p0 s1, $0xE  }
0xb6: {  	s8 =	sor.u32 @!p0 $0x4000, s8;
	s7 =	simm.s32 @!p0 $0x1B8D  }
0xb7: {  	s6 =	sshll.u32 @!p0 s6, $0x11;
	s8 =	sadd.s32 @!p0 $0x11B8D, s8;
	_ =	swait.eq @!p0 [sflag:s7], $0x1  }
0xb8: {  	s6 =	sor.u32 @!p0 s6, s8;
	[sflag:s7] =	ssyncadd.s32 @!p0 $0xFFFFFFFF  }
0xb9: {  	s25 =	simm.s32 $0x1B8E;
	s24 =	sld [smem:$0x3FFE];
	[sflag:s6] =	ssyncadd.remote.s32 @!p0 $0x1  }
0xba: {  	s26 =	simm.s32 $execute0_lowered;
	[smem:$0x3FD2] =	sst s25  }
0xbb: {  	s7 =	sshll.u32 s26, $0x1;
	_ =	strace $0x80000049;
	[dreg:$0x1] =	wrdreg $0xFFFFFFFF  }
0xbc: {  	s28 =	simm.s32 $_size_execute0_lowered;
	s5 =	sadd.s32 s5, s7;
	[dreg:$0x0] =	wrdreg $0x0  }
0xbd: {  	s7 =	sshll.u32 s28, $0x1;
	[dreg:$0x2] =	wrdreg s5  }
0xbe: {  	[dreg:$0x3] =	wrdreg s7  }
0xbf: {  	[dreg:$0x4] =	wrdreg $0xC0  }
0xc0: {  	_ =	task [dreg:s22], $0x5FFFF  }
0xc1: {  	[dreg:$0x1] =	wrdreg $0xFFFFFFFF  }
0xc2: {  	[dreg:$0x0] =	wrdreg $0x60  }
0xc3: {  	[dreg:$0x2] =	wrdreg s2  }
0xc4: {  	[dreg:$0x3] =	wrdreg s24  }
0xc5: {  	[dreg:$0x4] =	wrdreg s17  }
0xc6: {  	[dreg:$0x5] =	wrdreg $0xA  }
0xc7: {  	_ =	task.clear_ibuf [dreg:s22], $0x6FFFF;
	_ =	strace $0x90000049  }
0xc8: {  	s29 =	simm.s32 $0xA;
	_ =	strace $0x8000004B  }
0xc9: {  	_ =	swait.ge [sflag:s29], $0x1  }
0xca: {  	[sflag:s29] =	ssyncadd.s32 $0xFFFFFFFF  }
0xcb: {  	_ =	strace $0x9000004B  }
0xcc: {  	_ =	sfence  }
0xcd: {  	s30 =	sld [smem:$0x0];
	_ =	sdelay $0x2  }
0xce: {  	s31 =	sshll.u32 s1, $0xD;
	s1 =	sshrl.u32 s1, $0x2  }
0xcf: {  	s4 =	sand.u32 $0x4000, s31;
	s1 =	sadd.s32 s1, s30  }
0xd0: {  	s0 =	sor.u32 s4, s0;
	s1 =	sshll.u32 s1, $0x11  }
0xd1: {  	s0 =	sor.u32 s1, s0  }
0xd2: {  	s0 =	sadd.s32 $0x8F2B, s0  }
0xd3: {  	[sflag:s0] =	ssyncadd.remote.s32 $0x1  }
0xd4: {  	_ =	sfence.sel $0xFFFF  }
0xd5: {  	[dreg:$0x0] =	wrdreg $0xFFFFFFFF;
	(pc) =	sbr.abs _section_cstart, $3  }
0xd6: {  	[dreg:$0x1] =	wrdreg $0xFFFFFFFF  }
0xd7: {  	_ =	task.clear_ibuf [dreg:s22], $0x2FFFF;
	_ =	strace $0x9FFFFFFF  }
0xd8: {  	(tm) =	ssettm $0x7FFFFFFF  }
0xd9: {  	_ =	shalt  }
tec
execute0_lowered:
.L_overlay_start_1:
0x0: {  	(tag) =	ssettag $0x1  }
0x1: {  	s4 =	rddreg [dreg:$0x0]  }
0x2: {  	s3 =	rddreg [dreg:$0x1]  }
0x3: {  	s5 =	rddreg [dreg:$0x2]  }
0x4: {  	s0 =	rddreg [dreg:$0x3];
	s6 =	srdreg.scid  }
0x5: {  	s2 =	simm.s32 $0x0;
	s1 =	stileid.u32;
	s10 =	simm.s32 $0x0  }
0x6: {  	vm0 =	vmmov $0x1;
	s6 =	sand.u32 $0x1, s6;
	[smem:$0x7FF] =	sst s2;
	s7 =	sshll.u32 s1, $0xA  }
0x7: {  	vm1 =	vcmask $0x308;
	vm2 =	vcmask $0x70C;
	vm3 =	vcmask $0xB10;
	s3 =	sadd.s32 $0x7E0800, s3;
	s8 =	sshll.u32 s6, $0x9;
	s6 =	ssub.s32 $0x2, s6  }
0x8: {  	vm4 =	vcmask $0xF14;
	vm5 =	vcmask $0x1318;
	vm6 =	vcmask $0x171C;
	_ =	strace $0x8000004A;
	s7 =	sor.u32 s8, s7;
	s31 =	sshrl.u32 s6, $0x1  }
0x9: {  	vm7 =	vcmask $0x1B20;
	vm8 =	vcmask $0x1F24;
	vm9 =	vcmask $0x2328;
	s8 =	simm.s32 $0x1;
	s9 =	sshrl.u32 s7, $0x3;
	s7 =	sshll.u32 s7, $0x3  }
0xa: {  	vm10 =	vcmask $0x272C;
	vm11 =	vcmask $0x2B30;
	vm12 =	vcmask $0x2F34;
	s6 =	ssub.s32 s6, s31;
	s4 =	sadd.s32 s4, s9;
	s5 =	sadd.s32 s5, s7  }
0xb: {  	vm13 =	vcmask $0x3338;
	vm14 =	vcmask $0x373C;
	vm15 =	vmmov $0x7fff;
	s6 =	smax.u32 s6, $0x1;
	s7 =	simm.s32 $0x2;
	s9 =	simm.s32 $0x200  }
.LBB2_1:
0xc: {  	[tilespmem:s2], [sflag:$0x2] =	stream.linear.gather [hbm4b:s4+s2], $0x200, $0x38;
	[tilespmem:$0x8200] =	vst v63  }
0xd: {  	_ =	swait.ge [sflag:s7], $0x200  }
0xe: {  	[sflag:s7] =	ssyncset.done $0x0  }
0xf: {  	s11 =	simm.s32 $0x0;
	s12 =	simm.s32 $0x0;
	[sflag:s7] =	ssyncadd.s32 $0xFFFFFE00  }
.LBB2_2:
0x10: {  	v0 =	vld [tilespmem:s11+$0x0];
	_ =	sdelay $0x4  }
0x11: {  	v1 =	vnsel vm0, $0x0, v0  }
0x12: {  	(xrf0) =	vadd.scan.msk.s32 $0xffff, v1;
	_ =	sdelay $0x4  }
0x13: {  	v50 =	vsel vm1, $0x0, v0  }
0x14: {  	v1, _, _ =	vpop (xrf0);
	(xrf0) =	vadd.scan.msk.s32 $0xffff, v50  }
0x15: {  	(v2sf) =	vpush v1, $0xF;
	_ =	sdelay $0x4  }
0x16: {  	v1, _, _ =	vpop (xrf0)  }
0x17: {  	(v2sf) =	vpush v1, $0xF;
	_ =	sdelay $0x1  }
0x18: {  	v51 =	vsel vm2, $0x0, v0  }
0x19: {  	(xrf0) =	vadd.scan.msk.s32 $0xffff, v51;
	_ =	sdelay $0x4  }
0x1a: {  	v52 =	vsel vm3, $0x0, v0  }
0x1b: {  	v1, _, _ =	vpop (xrf0);
	(xrf0) =	vadd.scan.msk.s32 $0xffff, v52;
	s13 =	spop (v2sf)  }
0x1c: {  	(v2sf) =	vpush v1, $0xF;
	s14 =	sshrl.u32 s13, $0x1  }
0x1d: {  	s15 =	sand.u32 $0x1FFF, s13;
	s14 =	sand.u32 $0x1FFE000, s14  }
0x1e: {  	s13 =	sshrl.u32 s13, $0x7;
	s14 =	sor.u32 s15, s14  }
0x1f: {  	s13 =	sand.u32 $0x40, s13;
	s14 =	sshll.u32 s14, $0x7  }
0x20: {  	s14 =	sor.u32 s13, s14  }
0x21: {  	v1, _, _ =	vpop (xrf0);
	s13 =	sshra.s32 s12, $0x2;
	s14 =	sshrl.u32 s14, $0x3;
	s31 =	spop (v2sf)  }
0x22: {  	s30 =	sadd.s32 $0x200, s13;
	(v2sf) =	vpush v1, $0xF;
	s14 =	sadd.s32 s3, s14;
	s16 =	sshrl.u32 s31, $0x1  }
0x23: {  	[tilespmem:s30], [sflag:$0x1] =	stream.linear.gather [hbm4b:s14+s2], $0x40, $0x38;
	[tilespmem:$0x8200] =	vst v63  }
0x24: {  	v53 =	vsel vm4, $0x0, v0;
	s15 =	sand.u32 $0x1FFE000, s16;
	s16 =	sand.u32 $0x1FFF, s31  }
0x25: {  	(xrf0) =	vadd.scan.msk.s32 $0xffff, v53;
	s14 =	sshrl.u32 s31, $0x7;
	s15 =	sor.u32 s16, s15  }
0x26: {  	s14 =	sand.u32 $0x40, s14;
	s15 =	sshll.u32 s15, $0x7  }
0x27: {  	s14 =	sor.u32 s14, s15  }
0x28: {  	s14 =	sshrl.u32 s14, $0x3  }
0x29: {  	s17 =	sadd.s32 $0x240, s13;
	s14 =	sadd.s32 s3, s14  }
0x2a: {  	v54 =	vsel vm5, $0x0, v0;
	[tilespmem:s17], [sflag:$0x1] =	stream.linear.gather [hbm4b:s14+s2], $0x40, $0x38;
	[tilespmem:$0x8200] =	vst v63  }
0x2b: {  	v1, _, _ =	vpop (xrf0);
	(xrf0) =	vadd.scan.msk.s32 $0xffff, v54;
	s18 =	spop (v2sf)  }
0x2c: {  	(v2sf) =	vpush v1, $0xF;
	s19 =	sshrl.u32 s18, $0x1  }
0x2d: {  	s20 =	sand.u32 $0x1FFF, s18;
	s15 =	sand.u32 $0x1FFE000, s19  }
0x2e: {  	s14 =	sshrl.u32 s18, $0x7;
	s15 =	sor.u32 s20, s15  }
0x2f: {  	s14 =	sand.u32 $0x40, s14;
	s15 =	sshll.u32 s15, $0x7  }
0x30: {  	s14 =	sor.u32 s14, s15  }
0x31: {  	v1, _, _ =	vpop (xrf0);
	s14 =	sshrl.u32 s14, $0x3;
	s22 =	spop (v2sf)  }
0x32: {  	s21 =	sadd.s32 $0x280, s13;
	(v2sf) =	vpush v1, $0xF;
	s14 =	sadd.s32 s3, s14;
	s23 =	sshrl.u32 s22, $0x1  }
0x33: {  	[tilespmem:s21], [sflag:$0x1] =	stream.linear.gather [hbm4b:s14+s2], $0x40, $0x38;
	[tilespmem:$0x8200] =	vst v63  }
0x34: {  	v55 =	vsel vm6, $0x0, v0;
	s24 =	sand.u32 $0x1FFF, s22;
	s15 =	sand.u32 $0x1FFE000, s23  }
0x35: {  	(xrf0) =	vadd.scan.msk.s32 $0xffff, v55;
	s14 =	sshrl.u32 s22, $0x7;
	s15 =	sor.u32 s24, s15  }
0x36: {  	s14 =	sand.u32 $0x40, s14;
	s15 =	sshll.u32 s15, $0x7  }
0x37: {  	s14 =	sor.u32 s14, s15  }
0x38: {  	s14 =	sshrl.u32 s14, $0x3  }
0x39: {  	s25 =	sadd.s32 $0x2C0, s13;
	s14 =	sadd.s32 s3, s14  }
0x3a: {  	v56 =	vsel vm7, $0x0, v0;
	[tilespmem:s25], [sflag:$0x1] =	stream.linear.gather [hbm4b:s14+s2], $0x40, $0x38;
	[tilespmem:$0x8200] =	vst v63  }
0x3b: {  	v1, _, _ =	vpop (xrf0);
	(xrf0) =	vadd.scan.msk.s32 $0xffff, v56;
	s26 =	spop (v2sf)  }
0x3c: {  	(v2sf) =	vpush v1, $0xF;
	s28 =	sshrl.u32 s26, $0x1  }
0x3d: {  	s29 =	sand.u32 $0x1FFF, s26;
	s15 =	sand.u32 $0x1FFE000, s28  }
0x3e: {  	s14 =	sshrl.u32 s26, $0x7;
	s15 =	sor.u32 s29, s15  }
0x3f: {  	s14 =	sand.u32 $0x40, s14;
	s15 =	sshll.u32 s15, $0x7  }
0x40: {  	s14 =	sor.u32 s14, s15  }
0x41: {  	v1, _, _ =	vpop (xrf0);
	s14 =	sshrl.u32 s14, $0x3;
	s31 =	spop (v2sf)  }
0x42: {  	s30 =	sadd.s32 $0x300, s13;
	(v2sf) =	vpush v1, $0xF;
	s14 =	sadd.s32 s3, s14;
	s17 =	sshrl.u32 s31, $0x1  }
0x43: {  	[tilespmem:s30], [sflag:$0x1] =	stream.linear.gather [hbm4b:s14+s2], $0x40, $0x38;
	[tilespmem:$0x8200] =	vst v63  }
0x44: {  	v57 =	vsel vm8, $0x0, v0;
	s18 =	sand.u32 $0x1FFF, s31;
	s15 =	sand.u32 $0x1FFE000, s17  }
0x45: {  	(xrf0) =	vadd.scan.msk.s32 $0xffff, v57;
	s14 =	sshrl.u32 s31, $0x7;
	s15 =	sor.u32 s18, s15  }
0x46: {  	s14 =	sand.u32 $0x40, s14;
	s15 =	sshll.u32 s15, $0x7  }
0x47: {  	s14 =	sor.u32 s14, s15  }
0x48: {  	s14 =	sshrl.u32 s14, $0x3  }
0x49: {  	s19 =	sadd.s32 $0x340, s13;
	s14 =	sadd.s32 s3, s14  }
0x4a: {  	v58 =	vsel vm9, $0x0, v0;
	[tilespmem:s19], [sflag:$0x1] =	stream.linear.gather [hbm4b:s14+s2], $0x40, $0x38;
	[tilespmem:$0x8200] =	vst v63  }
0x4b: {  	v1, _, _ =	vpop (xrf0);
	(xrf0) =	vadd.scan.msk.s32 $0xffff, v58;
	s20 =	spop (v2sf)  }
0x4c: {  	(v2sf) =	vpush v1, $0xF;
	s21 =	sshrl.u32 s20, $0x1  }
0x4d: {  	s22 =	sand.u32 $0x1FFF, s20;
	s15 =	sand.u32 $0x1FFE000, s21  }
0x4e: {  	s14 =	sshrl.u32 s20, $0x7;
	s15 =	sor.u32 s22, s15  }
0x4f: {  	s14 =	sand.u32 $0x40, s14;
	s15 =	sshll.u32 s15, $0x7  }
0x50: {  	s14 =	sor.u32 s14, s15  }
0x51: {  	v1, _, _ =	vpop (xrf0);
	s14 =	sshrl.u32 s14, $0x3;
	s24 =	spop (v2sf)  }
0x52: {  	s23 =	sadd.s32 $0x380, s13;
	(v2sf) =	vpush v1, $0xF;
	s14 =	sadd.s32 s3, s14;
	s25 =	sshrl.u32 s24, $0x1  }
0x53: {  	[tilespmem:s23], [sflag:$0x1] =	stream.linear.gather [hbm4b:s14+s2], $0x40, $0x38;
	[tilespmem:$0x8200] =	vst v63  }
0x54: {  	v59 =	vsel vm10, $0x0, v0;
	s26 =	sand.u32 $0x1FFF, s24;
	s15 =	sand.u32 $0x1FFE000, s25  }
0x55: {  	(xrf0) =	vadd.scan.msk.s32 $0xffff, v59;
	s14 =	sshrl.u32 s24, $0x7;
	s15 =	sor.u32 s26, s15  }
0x56: {  	s14 =	sand.u32 $0x40, s14;
	s15 =	sshll.u32 s15, $0x7  }
0x57: {  	s14 =	sor.u32 s14, s15  }
0x58: {  	s14 =	sshrl.u32 s14, $0x3  }
0x59: {  	s28 =	sadd.s32 $0x3C0, s13;
	s14 =	sadd.s32 s3, s14  }
0x5a: {  	v60 =	vsel vm11, $0x0, v0;
	[tilespmem:s28], [sflag:$0x1] =	stream.linear.gather [hbm4b:s14+s2], $0x40, $0x38;
	[tilespmem:$0x8200] =	vst v63  }
0x5b: {  	v1, _, _ =	vpop (xrf0);
	(xrf0) =	vadd.scan.msk.s32 $0xffff, v60;
	s29 =	spop (v2sf)  }
0x5c: {  	(v2sf) =	vpush v1, $0xF;
	s30 =	sshrl.u32 s29, $0x1  }
0x5d: {  	s31 =	sand.u32 $0x1FFF, s29;
	s15 =	sand.u32 $0x1FFE000, s30  }
0x5e: {  	s14 =	sshrl.u32 s29, $0x7;
	s15 =	sor.u32 s31, s15  }
0x5f: {  	s14 =	sand.u32 $0x40, s14;
	s15 =	sshll.u32 s15, $0x7  }
0x60: {  	s14 =	sor.u32 s14, s15  }
0x61: {  	v1, _, _ =	vpop (xrf0);
	s14 =	sshrl.u32 s14, $0x3;
	s18 =	spop (v2sf)  }
0x62: {  	s17 =	sadd.s32 $0x400, s13;
	(v2sf) =	vpush v1, $0xF;
	s14 =	sadd.s32 s3, s14;
	s19 =	sshrl.u32 s18, $0x1  }
0x63: {  	[tilespmem:s17], [sflag:$0x1] =	stream.linear.gather [hbm4b:s14+s2], $0x40, $0x38;
	[tilespmem:$0x8200] =	vst v63  }
0x64: {  	v61 =	vsel vm12, $0x0, v0;
	s20 =	sand.u32 $0x1FFF, s18;
	s15 =	sand.u32 $0x1FFE000, s19  }
0x65: {  	(xrf0) =	vadd.scan.msk.s32 $0xffff, v61;
	s14 =	sshrl.u32 s18, $0x7;
	s15 =	sor.u32 s20, s15  }
0x66: {  	s14 =	sand.u32 $0x40, s14;
	s15 =	sshll.u32 s15, $0x7  }
0x67: {  	s14 =	sor.u32 s14, s15  }
0x68: {  	s14 =	sshrl.u32 s14, $0x3  }
0x69: {  	s21 =	sadd.s32 $0x440, s13;
	s14 =	sadd.s32 s3, s14  }
0x6a: {  	v62 =	vsel vm13, $0x0, v0;
	[tilespmem:s21], [sflag:$0x1] =	stream.linear.gather [hbm4b:s14+s2], $0x40, $0x38;
	[tilespmem:$0x8200] =	vst v63  }
0x6b: {  	v1, _, _ =	vpop (xrf0);
	(xrf0) =	vadd.scan.msk.s32 $0xffff, v62;
	s22 =	spop (v2sf)  }
0x6c: {  	(v2sf) =	vpush v1, $0xF;
	s23 =	sshrl.u32 s22, $0x1  }
0x6d: {  	s24 =	sand.u32 $0x1FFF, s22;
	s15 =	sand.u32 $0x1FFE000, s23  }
0x6e: {  	s14 =	sshrl.u32 s22, $0x7;
	s15 =	sor.u32 s24, s15  }
0x6f: {  	s14 =	sand.u32 $0x40, s14;
	s15 =	sshll.u32 s15, $0x7  }
0x70: {  	s14 =	sor.u32 s14, s15  }
0x71: {  	v1, _, _ =	vpop (xrf0);
	s14 =	sshrl.u32 s14, $0x3;
	s26 =	spop (v2sf)  }
0x72: {  	s25 =	sadd.s32 $0x480, s13;
	(v2sf) =	vpush v1, $0xF;
	s14 =	sadd.s32 s3, s14;
	s28 =	sshrl.u32 s26, $0x1  }
0x73: {  	[tilespmem:s25], [sflag:$0x1] =	stream.linear.gather [hbm4b:s14+s2], $0x40, $0x38;
	[tilespmem:$0x8200] =	vst v63  }
0x74: {  	v2 =	vsel vm14, $0x0, v0;
	s29 =	sand.u32 $0x1FFF, s26;
	s15 =	sand.u32 $0x1FFE000, s28  }
0x75: {  	(xrf0) =	vadd.scan.msk.s32 $0xffff, v2;
	s14 =	sshrl.u32 s26, $0x7;
	s15 =	sor.u32 s29, s15  }
0x76: {  	s14 =	sand.u32 $0x40, s14;
	s15 =	sshll.u32 s15, $0x7  }
0x77: {  	s14 =	sor.u32 s14, s15  }
0x78: {  	s14 =	sshrl.u32 s14, $0x3  }
0x79: {  	s30 =	sadd.s32 $0x4C0, s13;
	s14 =	sadd.s32 s3, s14  }
0x7a: {  	v0 =	vsel vm15, $0x0, v0;
	[tilespmem:s30], [sflag:$0x1] =	stream.linear.gather [hbm4b:s14+s2], $0x40, $0x38;
	[tilespmem:$0x8200] =	vst v63  }
0x7b: {  	v63, _, _ =	vpop (xrf0);
	(xrf0) =	vadd.scan.msk.s32 $0xffff, v0;
	s31 =	spop (v2sf)  }
0x7c: {  	(v2sf) =	vpush v63, $0xF;
	s17 =	sshrl.u32 s31, $0x1  }
0x7d: {  	s18 =	sand.u32 $0x1FFF, s31;
	s15 =	sand.u32 $0x1FFE000, s17  }
0x7e: {  	s14 =	sshrl.u32 s31, $0x7;
	s15 =	sor.u32 s18, s15  }
0x7f: {  	s14 =	sand.u32 $0x40, s14;
	s15 =	sshll.u32 s15, $0x7  }
0x80: {  	s14 =	sor.u32 s14, s15  }
0x81: {  	v0, _, _ =	vpop (xrf0);
	s14 =	sshrl.u32 s14, $0x3;
	s20 =	spop (v2sf)  }
0x82: {  	s19 =	sadd.s32 $0x500, s13;
	(v2sf) =	vpush v0, $0xF;
	s14 =	sadd.s32 s3, s14;
	s21 =	sshrl.u32 s20, $0x1  }
0x83: {  	[tilespmem:s19], [sflag:$0x1] =	stream.linear.gather [hbm4b:s14+s2], $0x40, $0x38;
	[tilespmem:$0x8200] =	vst v63  }
0x84: {  	s22 =	sand.u32 $0x1FFF, s20;
	s15 =	sand.u32 $0x1FFE000, s21  }
0x85: {  	s14 =	sshrl.u32 s20, $0x7;
	s15 =	sor.u32 s22, s15  }
0x86: {  	s14 =	sand.u32 $0x40, s14;
	s15 =	sshll.u32 s15, $0x7  }
0x87: {  	s14 =	sor.u32 s14, s15  }
0x88: {  	s14 =	sshrl.u32 s14, $0x3  }
0x89: {  	s24 =	sadd.s32 $0x540, s13;
	s14 =	sadd.s32 s3, s14  }
0x8a: {  	[tilespmem:s24], [sflag:$0x1] =	stream.linear.gather [hbm4b:s14+s2], $0x40, $0x38;
	[tilespmem:$0x8200] =	vst v63  }
0x8b: {  	s23 =	spop (v2sf)  }
0x8c: {  	s25 =	sshrl.u32 s23, $0x1  }
0x8d: {  	s26 =	sand.u32 $0x1FFF, s23;
	s14 =	sand.u32 $0x1FFE000, s25  }
0x8e: {  	s15 =	sshrl.u32 s23, $0x7;
	s14 =	sor.u32 s26, s14  }
0x8f: {  	s15 =	sand.u32 $0x40, s15;
	s14 =	sshll.u32 s14, $0x7  }
0x90: {  	s14 =	sor.u32 s15, s14  }
0x91: {  	s14 =	sshrl.u32 s14, $0x3;
	s29 =	spop (v2sf)  }
0x92: {  	s28 =	sadd.s32 $0x580, s13;
	s14 =	sadd.s32 s3, s14;
	s30 =	sshrl.u32 s29, $0x1  }
0x93: {  	[tilespmem:s28], [sflag:$0x1] =	stream.linear.gather [hbm4b:s14+s2], $0x40, $0x38;
	[tilespmem:$0x8200] =	vst v63  }
0x94: {  	s31 =	sand.u32 $0x1FFF, s29;
	s15 =	sand.u32 $0x1FFE000, s30  }
0x95: {  	s14 =	sshrl.u32 s29, $0x7;
	s15 =	sor.u32 s31, s15  }
0x96: {  	s14 =	sand.u32 $0x40, s14;
	s15 =	sshll.u32 s15, $0x7  }
0x97: {  	s14 =	sor.u32 s14, s15  }
0x98: {  	s14 =	sshrl.u32 s14, $0x3  }
0x99: {  	s13 =	sadd.s32 $0x5C0, s13;
	s14 =	sadd.s32 s3, s14  }
0x9a: {  	[tilespmem:s13], [sflag:$0x1] =	stream.linear.gather [hbm4b:s14+s2], $0x40, $0x38;
	[tilespmem:$0x8200] =	vst v63  }
0x9b: {  	_ =	swait.ge [sflag:s8], $0x40  }
0x9c: {  	[sflag:s8] =	ssyncset.done $0x0  }
0x9d: {  	[sflag:s8] =	ssyncadd.s32 $0xFFFFFFC0  }
0x9e: {  	_ =	swait.ge [sflag:s8], $0x40  }
0x9f: {  	[sflag:s8] =	ssyncset.done $0x0  }
0xa0: {  	[sflag:s8] =	ssyncadd.s32 $0xFFFFFFC0  }
0xa1: {  	_ =	swait.ge [sflag:s8], $0x40  }
0xa2: {  	[sflag:s8] =	ssyncset.done $0x0  }
0xa3: {  	[sflag:s8] =	ssyncadd.s32 $0xFFFFFFC0  }
0xa4: {  	_ =	swait.ge [sflag:s8], $0x40  }
0xa5: {  	[sflag:s8] =	ssyncset.done $0x0  }
0xa6: {  	[sflag:s8] =	ssyncadd.s32 $0xFFFFFFC0  }
0xa7: {  	_ =	swait.ge [sflag:s8], $0x40  }
0xa8: {  	[sflag:s8] =	ssyncset.done $0x0  }
0xa9: {  	[sflag:s8] =	ssyncadd.s32 $0xFFFFFFC0  }
0xaa: {  	_ =	swait.ge [sflag:s8], $0x40  }
0xab: {  	[sflag:s8] =	ssyncset.done $0x0  }
0xac: {  	[sflag:s8] =	ssyncadd.s32 $0xFFFFFFC0  }
0xad: {  	_ =	swait.ge [sflag:s8], $0x40  }
0xae: {  	[sflag:s8] =	ssyncset.done $0x0  }
0xaf: {  	[sflag:s8] =	ssyncadd.s32 $0xFFFFFFC0  }
0xb0: {  	_ =	swait.ge [sflag:s8], $0x40  }
0xb1: {  	[sflag:s8] =	ssyncset.done $0x0  }
0xb2: {  	[sflag:s8] =	ssyncadd.s32 $0xFFFFFFC0  }
0xb3: {  	_ =	swait.ge [sflag:s8], $0x40  }
0xb4: {  	[sflag:s8] =	ssyncset.done $0x0  }
0xb5: {  	[sflag:s8] =	ssyncadd.s32 $0xFFFFFFC0  }
0xb6: {  	_ =	swait.ge [sflag:s8], $0x40  }
0xb7: {  	[sflag:s8] =	ssyncset.done $0x0  }
0xb8: {  	[sflag:s8] =	ssyncadd.s32 $0xFFFFFFC0  }
0xb9: {  	_ =	swait.ge [sflag:s8], $0x40  }
0xba: {  	[sflag:s8] =	ssyncset.done $0x0  }
0xbb: {  	[sflag:s8] =	ssyncadd.s32 $0xFFFFFFC0  }
0xbc: {  	_ =	swait.ge [sflag:s8], $0x40  }
0xbd: {  	[sflag:s8] =	ssyncset.done $0x0  }
0xbe: {  	[sflag:s8] =	ssyncadd.s32 $0xFFFFFFC0  }
0xbf: {  	_ =	swait.ge [sflag:s8], $0x40  }
0xc0: {  	[sflag:s8] =	ssyncset.done $0x0  }
0xc1: {  	[sflag:s8] =	ssyncadd.s32 $0xFFFFFFC0  }
0xc2: {  	_ =	swait.ge [sflag:s8], $0x40  }
0xc3: {  	[sflag:s8] =	ssyncset.done $0x0  }
0xc4: {  	[sflag:s8] =	ssyncadd.s32 $0xFFFFFFC0  }
0xc5: {  	p0 =	sne.s32 s12, $0x1F000;
	_ =	swait.ge [sflag:s8], $0x40  }
.Ltmp0:
0xc6: {  	[sflag:s8] =	ssyncset.done $0x0;
	(pc) =	sbr.rel @p0 .LBB2_2-.Ltmp0, $4  }
0xc7: {  	[sflag:s8] =	ssyncadd.s32 $0xFFFFFFC0  }
0xc8: {  	_ =	swait.ge [sflag:s8], $0x40  }
0xc9: {  	[sflag:s8] =	ssyncset.done $0x0  }
0xca: {  	s11 =	sadd.s32 $0x10, s11;
	s12 =	sadd.s32 $0x1000, s12;
	[sflag:s8] =	ssyncadd.s32 $0xFFFFFFC0  }
0xcb: {  	s10 =	sadd.s32 $0x1, s10  }
0xcc: {  	p0 =	sne.s32 s10, s6  }
.Ltmp1:
0xcd: {  	_ = 	snop;
	(pc) =	sbr.rel @p0 .LBB2_1-.Ltmp1, $4  }
0xce: {  	[hbm4b:s5+s2] =	stream.linear.scatter [tilespmem:s9], [sflag:$0x2], $0x8000, $0x38;
	[tilespmem:$0x8200] =	vst v63  }
0xcf: {  	_ =	swait.ge [sflag:s7], $0x8000  }
0xd0: {  	[sflag:s7] =	ssyncset.done $0x0  }
0xd1: {  	[sflag:s7] =	ssyncadd.s32 $0xFFFF8000  }
0xd2: {  	_ =	sfence.sel $0x180000  }
0xd3: {  	[bflag:$0x0] =	sbarrier.arrive $0xFFFF  }
0xd4: {  	p0 =	sne.s32 s1, $0x0;
	_ =	strace $0x9000004A  }
0xd5: {  	s0 =	sadd.s32 @!p0 $0x100000, s0;
	[bflag:$0x2] =	sbarrier.arrive $0xFFFF  }
0xd6: {  	[sflag:s0] =	ssyncadd.tile.s32 @!p0 $0x1;
	_ =	shalt  }
.Lfunc_end2:
_tile_overlayer_lowered:
.L_overlay_start_2:
0xd7: {  	(tag) =	ssettag $0x2  }
0xd8: {  	s0 =	rddreg [dreg:$0x0];
	s2 =	stileid.u32  }
0xd9: {  	s1 =	rddreg [dreg:$0x1];
	p0 =	sne.s32 s2, $0x0  }
0xda: {  	s3 =	rddreg [dreg:$0x2];
	[bflag:$0x3] =	sbarrier.arrive $0xFFFF;
	s2 =	simm.s32 @!p0 $0x1C02  }
0xdb: {  	[timem:s3], [sflag:s2] =	dma.local @!p0 [hbm:s0], s1  }
0xdc: {  	s0 =	simm.s32 @!p0 $0x2  }
0xdd: {  	_ =	swait.ge @!p0 [sflag:s0], s1  }
0xde: {  	s1 =	ssub.s32 @!p0 $0x0, s1;
	[sflag:s0] =	ssyncset.done @!p0 $0x0  }
0xdf: {  	[sflag:s0] =	ssyncadd.s32 @!p0 s1  }
0xe0: {  	[bflag:$0x3] =	sbarrier.arrive $0xFFFF  }
0xe1: {  	_ =	shalt  }

// kernel: kernel.7.cloned.1.call-start
scs
__scs_entry_jumppad:
0x0: {  	(pc) =	sbr.rel $0x88, $3  }
0x1: {  	(tag) =	ssettag $0x0;
	lr =	simm.s32 $0x1  }
0x2: {  	[smem:$0x3F9D] =	sst lr;
	_ =	strace $0xD0000000  }
0x3: {  	_ = 	snop  }
0x4: {  	_ = 	snop  }
0x5: {  	_ = 	snop  }
0x6: {  	_ = 	snop  }
0x7: {  	_ = 	snop  }
__scs_overlays_trampoline_lowered:
0x8: {  	[smem:$0x3FAC] =	sst s0  }
0x9: {  	[smem:$0x3FAD] =	sst s1  }
0xa: {  	[smem:$0x3FAE] =	sst s2  }
0xb: {  	[smem:$0x3FAF] =	sst s3  }
0xc: {  	[smem:$0x3FB0] =	sst s4  }
0xd: {  	[smem:$0x3FB1] =	sst s5  }
0xe: {  	[smem:$0x3FB2] =	sst s6  }
0xf: {  	[smem:$0x3FB3] =	sst s7  }
0x10: {  	[smem:$0x3FB4] =	sst s8  }
0x11: {  	[smem:$0x3FB5] =	sst s9;
	s0 =	simm.s32 @!p0 $0x0  }
0x12: {  	s1 =	sld [smem:$0x3F9B];
	s0 =	simm.s32 @p0 $0x1  }
0x13: {  	[smem:$0x3FB6] =	sst s0;
	s0 =	simm.s32 @!p1 $0x0  }
0x14: {  	s2 =	sld [smem:$0x3F9A];
	s0 =	simm.s32 @p1 $0x1  }
0x15: {  	[smem:$0x3FB7] =	sst s0;
	s0 =	simm.s32 @!p2 $0x0  }
0x16: {  	s3 =	sld [smem:$0x3FDB];
	s0 =	simm.s32 @p2 $0x1  }
0x17: {  	s4 =	simm.s32 $0x1BF5;
	[smem:$0x3FB9] =	sst s0  }
0x18: {  	s0 =	sld [smem:$0x3F9C];
	_ =	swait.ge [sflag:s4], $0x0  }
0x19: {  	s7 =	sld [smem:$0x3F9D]  }
0x1a: {  	s8 =	sadd.s32 $0xFFFFE003, lr  }
0x1b: {  	s9 =	sadd.s32 $0xFFFFFEF7, lr;
	s5 =	simm.s32 $0xFFFFFFFF;
	p2 =	slt.u32 s8, $0xFFFFF086  }
0x1c: {  	p1 =	slt.u32 s9, $0xF7A;
	s5 =	simm.s32 @!p2 $0x0  }
0x1d: {  	s5 =	simm.s32 @p1 $0x1;
	p0 =	seq.s32 s7, s2  }
0x1e: {  	s7 =	smul.u32 @!p0 $0xF7A, s2;
	p2 =	seq.s32 @!p0 s5, $0x0  }
0x1f: {  	s9 =	smul.u32 $0xF7A, s1;
	s8 =	simm.s32 @!p0 $0x1BF5;
	p2 =	por !p2, p0  }
0x20: {  	[sflag:s8] =	ssyncset.s32 @!p0 $0xFFFFF086;
	s6 =	sadd.s32 @!p0 s3, s7;
	s7 =	simm.s32 @!p0 $0x108  }
0x21: {  	s3 =	sadd.s32 s3, s9;
	s6 =	sadd.s32 @!p0 $0x88, s6;
	s7 =	simm.s32 @p2 $0x1082  }
0x22: {  	[simem:s7], [sflag:s8] =	dma.local @!p0 [hbm:s6], $0xF7A  }
0x23: {  	s9 =	sor.u32 $0xD0000000, s2;
	s6 =	simm.s32 $0x108;
	_ =	swait.ge @!p0 [sflag:s8], $0x0  }
0x24: {  	s3 =	sadd.s32 $0x88, s3;
	s6 =	simm.s32 @!p1 $0x1082;
	[sflag:s4] =	ssyncset.s32 $0xFFFFF086  }
0x25: {  	[simem:s6], [sflag:s4] =	dma.local [hbm:s3], $0xF7A  }
0x26: {  	[smem:$0x3F9D] =	sst s1;
	(tag) =	ssettag s2;
	_ =	strace s9  }
0x27: {  	s1 =	sld [smem:$0x3FAD]  }
0x28: {  	s2 =	sld [smem:$0x3FAE]  }
0x29: {  	s4 =	sld [smem:$0x3FB0]  }
0x2a: {  	p0 =	seq.s32 s5, $0x0;
	s5 =	sld [smem:$0x3FB1]  }
0x2b: {  	s6 =	sld [smem:$0x3FB2]  }
0x2c: {  	s7 =	sld [smem:$0x3FB3]  }
0x2d: {  	s3 =	simm.s32 $0x108;
	s8 =	sld [smem:$0x3FB4]  }
0x2e: {  	s3 =	simm.s32 @!p0 $0x1082;
	s9 =	sld [smem:$0x3FB5]  }
0x2f: {  	lr =	sadd.s32 s0, s3;
	s0 =	sld [smem:$0x3FAC]  }
0x30: {  	s3 =	sld [smem:$0x3FAF]  }
0x31: {  	[smem:$0x3FB8] =	sst s10  }
0x32: {  	s10 =	sld [smem:$0x3FB6];
	_ =	sdelay $0x3  }
0x33: {  	p0 =	seq.s32 s10, $0x1;
	s10 =	sld [smem:$0x3FB8];
	_ =	sdelay $0x3  }
0x34: {  	[smem:$0x3FB8] =	sst s10  }
0x35: {  	s10 =	sld [smem:$0x3FB7];
	_ =	sdelay $0x3  }
0x36: {  	p1 =	seq.s32 s10, $0x1;
	s10 =	sld [smem:$0x3FB8];
	_ =	sdelay $0x3  }
0x37: {  	[smem:$0x3FB8] =	sst s10  }
0x38: {  	s10 =	sld [smem:$0x3FB9]  }
0x39: {  	_ = 	snop;
	(pc) =	sbr.ind lr, $3  }
0x3a: {  	_ = 	snop  }
0x3b: {  	_ = 	snop  }
0x3c: {  	p2 =	seq.s32 s10, $0x1;
	s10 =	sld [smem:$0x3FB8]  }
0x3d: {  	_ =	shalt  }
0x3e: {  	_ =	shalt  }
0x3f: {  	_ =	shalt  }
0x40: {  	_ =	shalt  }
0x41: {  	_ =	shalt  }
0x42: {  	_ =	shalt  }
0x43: {  	_ =	shalt  }
0x44: {  	_ =	shalt  }
0x45: {  	_ =	shalt  }
0x46: {  	_ =	shalt  }
0x47: {  	_ =	shalt  }
0x48: {  	_ =	shalt  }
0x49: {  	_ =	shalt  }
0x4a: {  	_ =	shalt  }
0x4b: {  	_ =	shalt  }
0x4c: {  	_ =	shalt  }
0x4d: {  	_ =	shalt  }
0x4e: {  	_ =	shalt  }
0x4f: {  	_ =	shalt  }
0x50: {  	_ =	shalt  }
0x51: {  	_ =	shalt  }
0x52: {  	_ =	shalt  }
0x53: {  	_ =	shalt  }
0x54: {  	_ =	shalt  }
0x55: {  	_ =	shalt  }
0x56: {  	_ =	shalt  }
0x57: {  	_ =	shalt  }
0x58: {  	_ =	shalt  }
0x59: {  	_ =	shalt  }
0x5a: {  	_ =	shalt  }
0x5b: {  	_ =	shalt  }
0x5c: {  	_ =	shalt  }
0x5d: {  	_ =	shalt  }
0x5e: {  	_ =	shalt  }
0x5f: {  	_ =	shalt  }
0x60: {  	_ =	shalt  }
0x61: {  	_ =	shalt  }
0x62: {  	_ =	shalt  }
0x63: {  	_ =	shalt  }
0x64: {  	_ =	shalt  }
0x65: {  	_ =	shalt  }
0x66: {  	_ =	shalt  }
0x67: {  	_ =	shalt  }
0x68: {  	_ =	shalt  }
0x69: {  	_ =	shalt  }
0x6a: {  	_ =	shalt  }
0x6b: {  	_ =	shalt  }
0x6c: {  	_ =	shalt  }
0x6d: {  	_ =	shalt  }
0x6e: {  	_ =	shalt  }
0x6f: {  	_ =	shalt  }
0x70: {  	_ =	shalt  }
0x71: {  	_ =	shalt  }
0x72: {  	_ =	shalt  }
0x73: {  	_ =	shalt  }
0x74: {  	_ =	shalt  }
0x75: {  	_ =	shalt  }
0x76: {  	_ =	shalt  }
0x77: {  	_ =	shalt  }
0x78: {  	_ =	shalt  }
0x79: {  	_ =	shalt  }
0x7a: {  	_ =	shalt  }
0x7b: {  	_ =	shalt  }
0x7c: {  	_ =	shalt  }
0x7d: {  	_ =	shalt  }
0x7e: {  	_ =	shalt  }
0x7f: {  	_ =	shalt  }
0x80: {  	_ =	shalt  }
0x81: {  	_ =	shalt  }
0x82: {  	_ =	shalt  }
0x83: {  	_ =	shalt  }
0x84: {  	_ =	shalt  }
0x85: {  	_ =	shalt  }
0x86: {  	_ =	shalt  }
0x87: {  	_ =	shalt  }
.Lfunc_end0:
.L_simem_size_0:
called_computation_lowered:
.L_overlay_start_0:
0x88: {  	s2 =	sld [smem:$0x3FD9]  }
0x89: {  	s3 =	sld [smem:$0x3FFE];
	_ =	sdelay $0x1  }
0x8a: {  	s1 =	srdreg.scid  }
0x8b: {  	s0 =	sand.u32 $0x1, s1  }
0x8c: {  	s17 =	sshll.u32 s0, $0xA;
	s2 =	sadd.s32 s3, s2  }
0x8d: {  	s2 =	sadd.s32 s2, s17  }
0x8e: {  	[smem:$0x3FC4] =	sst s2  }
0x8f: {  	_ = 	snop  }
0x90: {  	s2 =	sld [smem:$0x3FC9];
	(tm) =	ssettm $0x1  }
0x91: {  	s18 =	sld [smem:$0x3FFB];
	_ =	sdelay $0x3  }
0x92: {  	_ =	strace s18  }
0x93: {  	s3 =	sld [smem:$0x3FFC];
	_ =	sdelay $0x3  }
0x94: {  	_ =	strace s3  }
0x95: {  	s3 =	sld [smem:$0x3FFD];
	_ =	sdelay $0x3  }
0x96: {  	_ =	strace s3  }
0x97: {  	_ =	strace $0x8FFFFFFF  }
0x98: {  	s19 =	sld [smem:$0x3FDB];
	_ =	sdelay $0x1  }
0x99: {  	s4 =	simm.s32 $_scs_section_size  }
0x9a: {  	s5 =	simm.s32 $_size__tile_overlayer_lowered;
	s6 =	simm.s32 $_tile_overlayer_lowered  }
0x9b: {  	s22 =	simm.s32 $0x1BFF;
	s21 =	sshll.u32 s6, $0x1;
	s3 =	sadd.s32 s4, s19  }
0x9c: {  	s7 =	simm.s32 $0x0;
	s20 =	sshll.u32 s5, $0x1;
	s5 =	sadd.s32 s21, s3  }
0x9d: {  	[timem:s7], [sflag:s22] =	dma.local [hbm:s5], s20  }
0x9e: {  	_ =	swait.ge [sflag:s22], s20  }
0x9f: {  	s4 =	ssub.s32 $0x0, s20;
	[sflag:s22] =	ssyncset.done $0x0  }
0xa0: {  	[sflag:s22] =	ssyncadd.s32 s4;
	_ =	sdelay $0x1  }
0xa1: {  	s23 =	simm.s32 $0x1B8B  }
0xa2: {  	_ =	swait.ge [sflag:s23], $0x1  }
0xa3: {  	[sflag:s23] =	ssyncset.done $0x0  }
0xa4: {  	s25 =	simm.s32 $0x1B8E;
	s24 =	sld [smem:$0x3FFE];
	[sflag:s23] =	ssyncadd.s32 $0xFFFFFFFF  }
0xa5: {  	s26 =	simm.s32 $execute0_lowered;
	[smem:$0x3FD2] =	sst s25  }
0xa6: {  	s5 =	sshll.u32 s26, $0x1;
	_ =	strace $0x80000046;
	[dreg:$0x1] =	wrdreg $0xFFFFFFFF  }
0xa7: {  	s28 =	simm.s32 $_size_execute0_lowered;
	s3 =	sadd.s32 s3, s5;
	[dreg:$0x0] =	wrdreg $0x0  }
0xa8: {  	s5 =	sshll.u32 s28, $0x1;
	[dreg:$0x2] =	wrdreg s3  }
0xa9: {  	[dreg:$0x3] =	wrdreg s5  }
0xaa: {  	[dreg:$0x4] =	wrdreg $0xC0  }
0xab: {  	_ =	task [dreg:s7], $0x5FFFF  }
0xac: {  	[dreg:$0x1] =	wrdreg $0xFFFFFFFF  }
0xad: {  	[dreg:$0x0] =	wrdreg $0x60  }
0xae: {  	[dreg:$0x2] =	wrdreg s2  }
0xaf: {  	[dreg:$0x3] =	wrdreg s24  }
0xb0: {  	[dreg:$0x4] =	wrdreg $0x9  }
0xb1: {  	_ =	task.clear_ibuf [dreg:s7], $0x5FFFF;
	_ =	strace $0x90000046  }
0xb2: {  	s29 =	simm.s32 $0x9;
	_ =	strace $0x80000048  }
0xb3: {  	_ =	swait.ge [sflag:s29], $0x1  }
0xb4: {  	[sflag:s29] =	ssyncadd.s32 $0xFFFFFFFF  }
0xb5: {  	_ =	strace $0x90000048  }
0xb6: {  	_ =	sfence  }
0xb7: {  	s30 =	sld [smem:$0x0];
	_ =	sdelay $0x2  }
0xb8: {  	s31 =	sshll.u32 s1, $0xD;
	s1 =	sshrl.u32 s1, $0x2  }
0xb9: {  	s3 =	sand.u32 $0x4000, s31;
	s1 =	sadd.s32 s1, s30  }
0xba: {  	s0 =	sor.u32 s3, s0;
	s1 =	sshll.u32 s1, $0x11  }
0xbb: {  	s0 =	sor.u32 s1, s0  }
0xbc: {  	s0 =	sadd.s32 $0x8F2B, s0  }
0xbd: {  	[sflag:s0] =	ssyncadd.remote.s32 $0x1  }
0xbe: {  	_ =	sfence.sel $0xFFFF  }
0xbf: {  	[dreg:$0x0] =	wrdreg $0xFFFFFFFF;
	(pc) =	sbr.abs _section_cstart, $3  }
0xc0: {  	[dreg:$0x1] =	wrdreg $0xFFFFFFFF  }
0xc1: {  	_ =	task.clear_ibuf [dreg:s7], $0x2FFFF;
	_ =	strace $0x9FFFFFFF  }
0xc2: {  	(tm) =	ssettm $0x7FFFFFFF  }
0xc3: {  	_ =	shalt  }
tec
execute0_lowered:
.L_overlay_start_1:
0x0: {  	(tag) =	ssettag $0x1  }
0x1: {  	s4 =	rddreg [dreg:$0x0]  }
0x2: {  	s5 =	rddreg [dreg:$0x1]  }
0x3: {  	s0 =	rddreg [dreg:$0x2];
	s2 =	simm.s32 $0x0;
	s3 =	srdreg.scid  }
0x4: {  	s1 =	stileid.u32;
	s10 =	simm.s32 $0x0;
	s6 =	sand.u32 $0x1, s3  }
0x5: {  	vm0 =	vmmov $0x1;
	[smem:$0x7FF] =	sst s2;
	s7 =	sshll.u32 s1, $0xA;
	s8 =	sshll.u32 s6, $0x9  }
0x6: {  	vm1 =	vcmask $0x308;
	vm2 =	vcmask $0x70C;
	vm3 =	vcmask $0xB10;
	s3 =	sadd.s32 $0x800, s5;
	s6 =	ssub.s32 $0x2, s6;
	s7 =	sor.u32 s8, s7  }
0x7: {  	vm4 =	vcmask $0xF14;
	vm5 =	vcmask $0x1318;
	vm6 =	vcmask $0x171C;
	_ =	strace $0x80000047;
	s9 =	sshrl.u32 s6, $0x1;
	s8 =	sshll.u32 s7, $0x3  }
0x8: {  	vm7 =	vcmask $0x1B20;
	vm8 =	vcmask $0x1F24;
	vm9 =	vcmask $0x2328;
	s7 =	sshrl.u32 s7, $0x3;
	s6 =	ssub.s32 s6, s9;
	s9 =	simm.s32 $0x200  }
0x9: {  	vm10 =	vcmask $0x272C;
	vm11 =	vcmask $0x2B30;
	vm12 =	vcmask $0x2F34;
	s5 =	sadd.s32 s8, s5;
	s4 =	sadd.s32 s4, s7;
	s6 =	smax.u32 s6, $0x1  }
0xa: {  	vm13 =	vcmask $0x3338;
	vm14 =	vcmask $0x373C;
	vm15 =	vmmov $0x7fff;
	s7 =	simm.s32 $0x2;
	s8 =	simm.s32 $0x1;
	s5 =	sadd.s32 $0x7C0800, s5  }
.LBB2_1:
0xb: {  	[tilespmem:s2], [sflag:$0x2] =	stream.linear.gather [hbm4b:s4+s2], $0x200, $0x38;
	[tilespmem:$0x8200] =	vst v63  }
0xc: {  	_ =	swait.ge [sflag:s7], $0x200  }
0xd: {  	[sflag:s7] =	ssyncset.done $0x0  }
0xe: {  	s11 =	simm.s32 $0x0;
	s12 =	simm.s32 $0x0;
	[sflag:s7] =	ssyncadd.s32 $0xFFFFFE00  }
.LBB2_2:
0xf: {  	v0 =	vld [tilespmem:s11+$0x0];
	_ =	sdelay $0x4  }
0x10: {  	v1 =	vnsel vm0, $0x0, v0  }
0x11: {  	(xrf0) =	vadd.scan.msk.s32 $0xffff, v1;
	_ =	sdelay $0x4  }
0x12: {  	v50 =	vsel vm1, $0x0, v0  }
0x13: {  	v1, _, _ =	vpop (xrf0);
	(xrf0) =	vadd.scan.msk.s32 $0xffff, v50  }
0x14: {  	(v2sf) =	vpush v1, $0xF;
	_ =	sdelay $0x4  }
0x15: {  	v1, _, _ =	vpop (xrf0)  }
0x16: {  	(v2sf) =	vpush v1, $0xF;
	_ =	sdelay $0x1  }
0x17: {  	v51 =	vsel vm2, $0x0, v0  }
0x18: {  	(xrf0) =	vadd.scan.msk.s32 $0xffff, v51;
	_ =	sdelay $0x4  }
0x19: {  	v52 =	vsel vm3, $0x0, v0  }
0x1a: {  	v1, _, _ =	vpop (xrf0);
	(xrf0) =	vadd.scan.msk.s32 $0xffff, v52;
	s13 =	spop (v2sf)  }
0x1b: {  	(v2sf) =	vpush v1, $0xF;
	s14 =	sshrl.u32 s13, $0x1  }
0x1c: {  	s15 =	sand.u32 $0x1FFF, s13;
	s14 =	sand.u32 $0x1FFE000, s14  }
0x1d: {  	s13 =	sshrl.u32 s13, $0x7;
	s14 =	sor.u32 s15, s14  }
0x1e: {  	s13 =	sand.u32 $0x40, s13;
	s14 =	sshll.u32 s14, $0x7  }
0x1f: {  	s14 =	sor.u32 s13, s14  }
0x20: {  	v1, _, _ =	vpop (xrf0);
	s13 =	sshra.s32 s12, $0x2;
	s14 =	sshrl.u32 s14, $0x3;
	s31 =	spop (v2sf)  }
0x21: {  	s30 =	sadd.s32 $0x200, s13;
	(v2sf) =	vpush v1, $0xF;
	s14 =	sadd.s32 s3, s14;
	s16 =	sshrl.u32 s31, $0x1  }
0x22: {  	[tilespmem:s30], [sflag:$0x1] =	stream.linear.gather [hbm4b:s14+s2], $0x40, $0x38;
	[tilespmem:$0x8200] =	vst v63  }
0x23: {  	v53 =	vsel vm4, $0x0, v0;
	s15 =	sand.u32 $0x1FFE000, s16;
	s16 =	sand.u32 $0x1FFF, s31  }
0x24: {  	(xrf0) =	vadd.scan.msk.s32 $0xffff, v53;
	s14 =	sshrl.u32 s31, $0x7;
	s15 =	sor.u32 s16, s15  }
0x25: {  	s14 =	sand.u32 $0x40, s14;
	s15 =	sshll.u32 s15, $0x7  }
0x26: {  	s14 =	sor.u32 s14, s15  }
0x27: {  	s14 =	sshrl.u32 s14, $0x3  }
0x28: {  	s17 =	sadd.s32 $0x240, s13;
	s14 =	sadd.s32 s3, s14  }
0x29: {  	v54 =	vsel vm5, $0x0, v0;
	[tilespmem:s17], [sflag:$0x1] =	stream.linear.gather [hbm4b:s14+s2], $0x40, $0x38;
	[tilespmem:$0x8200] =	vst v63  }
0x2a: {  	v1, _, _ =	vpop (xrf0);
	(xrf0) =	vadd.scan.msk.s32 $0xffff, v54;
	s18 =	spop (v2sf)  }
0x2b: {  	(v2sf) =	vpush v1, $0xF;
	s19 =	sshrl.u32 s18, $0x1  }
0x2c: {  	s20 =	sand.u32 $0x1FFF, s18;
	s15 =	sand.u32 $0x1FFE000, s19  }
0x2d: {  	s14 =	sshrl.u32 s18, $0x7;
	s15 =	sor.u32 s20, s15  }
0x2e: {  	s14 =	sand.u32 $0x40, s14;
	s15 =	sshll.u32 s15, $0x7  }
0x2f: {  	s14 =	sor.u32 s14, s15  }
0x30: {  	v1, _, _ =	vpop (xrf0);
	s14 =	sshrl.u32 s14, $0x3;
	s22 =	spop (v2sf)  }
0x31: {  	s21 =	sadd.s32 $0x280, s13;
	(v2sf) =	vpush v1, $0xF;
	s14 =	sadd.s32 s3, s14;
	s23 =	sshrl.u32 s22, $0x1  }
0x32: {  	[tilespmem:s21], [sflag:$0x1] =	stream.linear.gather [hbm4b:s14+s2], $0x40, $0x38;
	[tilespmem:$0x8200] =	vst v63  }
0x33: {  	v55 =	vsel vm6, $0x0, v0;
	s24 =	sand.u32 $0x1FFF, s22;
	s15 =	sand.u32 $0x1FFE000, s23  }
0x34: {  	(xrf0) =	vadd.scan.msk.s32 $0xffff, v55;
	s14 =	sshrl.u32 s22, $0x7;
	s15 =	sor.u32 s24, s15  }
0x35: {  	s14 =	sand.u32 $0x40, s14;
	s15 =	sshll.u32 s15, $0x7  }
0x36: {  	s14 =	sor.u32 s14, s15  }
0x37: {  	s14 =	sshrl.u32 s14, $0x3  }
0x38: {  	s25 =	sadd.s32 $0x2C0, s13;
	s14 =	sadd.s32 s3, s14  }
0x39: {  	v56 =	vsel vm7, $0x0, v0;
	[tilespmem:s25], [sflag:$0x1] =	stream.linear.gather [hbm4b:s14+s2], $0x40, $0x38;
	[tilespmem:$0x8200] =	vst v63  }
0x3a: {  	v1, _, _ =	vpop (xrf0);
	(xrf0) =	vadd.scan.msk.s32 $0xffff, v56;
	s26 =	spop (v2sf)  }
0x3b: {  	(v2sf) =	vpush v1, $0xF;
	s28 =	sshrl.u32 s26, $0x1  }
0x3c: {  	s29 =	sand.u32 $0x1FFF, s26;
	s15 =	sand.u32 $0x1FFE000, s28  }
0x3d: {  	s14 =	sshrl.u32 s26, $0x7;
	s15 =	sor.u32 s29, s15  }
0x3e: {  	s14 =	sand.u32 $0x40, s14;
	s15 =	sshll.u32 s15, $0x7  }
0x3f: {  	s14 =	sor.u32 s14, s15  }
0x40: {  	v1, _, _ =	vpop (xrf0);
	s14 =	sshrl.u32 s14, $0x3;
	s31 =	spop (v2sf)  }
0x41: {  	s30 =	sadd.s32 $0x300, s13;
	(v2sf) =	vpush v1, $0xF;
	s14 =	sadd.s32 s3, s14;
	s17 =	sshrl.u32 s31, $0x1  }
0x42: {  	[tilespmem:s30], [sflag:$0x1] =	stream.linear.gather [hbm4b:s14+s2], $0x40, $0x38;
	[tilespmem:$0x8200] =	vst v63  }
0x43: {  	v57 =	vsel vm8, $0x0, v0;
	s18 =	sand.u32 $0x1FFF, s31;
	s15 =	sand.u32 $0x1FFE000, s17  }
0x44: {  	(xrf0) =	vadd.scan.msk.s32 $0xffff, v57;
	s14 =	sshrl.u32 s31, $0x7;
	s15 =	sor.u32 s18, s15  }
0x45: {  	s14 =	sand.u32 $0x40, s14;
	s15 =	sshll.u32 s15, $0x7  }
0x46: {  	s14 =	sor.u32 s14, s15  }
0x47: {  	s14 =	sshrl.u32 s14, $0x3  }
0x48: {  	s19 =	sadd.s32 $0x340, s13;
	s14 =	sadd.s32 s3, s14  }
0x49: {  	v58 =	vsel vm9, $0x0, v0;
	[tilespmem:s19], [sflag:$0x1] =	stream.linear.gather [hbm4b:s14+s2], $0x40, $0x38;
	[tilespmem:$0x8200] =	vst v63  }
0x4a: {  	v1, _, _ =	vpop (xrf0);
	(xrf0) =	vadd.scan.msk.s32 $0xffff, v58;
	s20 =	spop (v2sf)  }
0x4b: {  	(v2sf) =	vpush v1, $0xF;
	s21 =	sshrl.u32 s20, $0x1  }
0x4c: {  	s22 =	sand.u32 $0x1FFF, s20;
	s15 =	sand.u32 $0x1FFE000, s21  }
0x4d: {  	s14 =	sshrl.u32 s20, $0x7;
	s15 =	sor.u32 s22, s15  }
0x4e: {  	s14 =	sand.u32 $0x40, s14;
	s15 =	sshll.u32 s15, $0x7  }
0x4f: {  	s14 =	sor.u32 s14, s15  }
0x50: {  	v1, _, _ =	vpop (xrf0);
	s14 =	sshrl.u32 s14, $0x3;
	s24 =	spop (v2sf)  }
0x51: {  	s23 =	sadd.s32 $0x380, s13;
	(v2sf) =	vpush v1, $0xF;
	s14 =	sadd.s32 s3, s14;
	s25 =	sshrl.u32 s24, $0x1  }
0x52: {  	[tilespmem:s23], [sflag:$0x1] =	stream.linear.gather [hbm4b:s14+s2], $0x40, $0x38;
	[tilespmem:$0x8200] =	vst v63  }
0x53: {  	v59 =	vsel vm10, $0x0, v0;
	s26 =	sand.u32 $0x1FFF, s24;
	s15 =	sand.u32 $0x1FFE000, s25  }
0x54: {  	(xrf0) =	vadd.scan.msk.s32 $0xffff, v59;
	s14 =	sshrl.u32 s24, $0x7;
	s15 =	sor.u32 s26, s15  }
0x55: {  	s14 =	sand.u32 $0x40, s14;
	s15 =	sshll.u32 s15, $0x7  }
0x56: {  	s14 =	sor.u32 s14, s15  }
0x57: {  	s14 =	sshrl.u32 s14, $0x3  }
0x58: {  	s28 =	sadd.s32 $0x3C0, s13;
	s14 =	sadd.s32 s3, s14  }
0x59: {  	v60 =	vsel vm11, $0x0, v0;
	[tilespmem:s28], [sflag:$0x1] =	stream.linear.gather [hbm4b:s14+s2], $0x40, $0x38;
	[tilespmem:$0x8200] =	vst v63  }
0x5a: {  	v1, _, _ =	vpop (xrf0);
	(xrf0) =	vadd.scan.msk.s32 $0xffff, v60;
	s29 =	spop (v2sf)  }
0x5b: {  	(v2sf) =	vpush v1, $0xF;
	s30 =	sshrl.u32 s29, $0x1  }
0x5c: {  	s31 =	sand.u32 $0x1FFF, s29;
	s15 =	sand.u32 $0x1FFE000, s30  }
0x5d: {  	s14 =	sshrl.u32 s29, $0x7;
	s15 =	sor.u32 s31, s15  }
0x5e: {  	s14 =	sand.u32 $0x40, s14;
	s15 =	sshll.u32 s15, $0x7  }
0x5f: {  	s14 =	sor.u32 s14, s15  }
0x60: {  	v1, _, _ =	vpop (xrf0);
	s14 =	sshrl.u32 s14, $0x3;
	s18 =	spop (v2sf)  }
0x61: {  	s17 =	sadd.s32 $0x400, s13;
	(v2sf) =	vpush v1, $0xF;
	s14 =	sadd.s32 s3, s14;
	s19 =	sshrl.u32 s18, $0x1  }
0x62: {  	[tilespmem:s17], [sflag:$0x1] =	stream.linear.gather [hbm4b:s14+s2], $0x40, $0x38;
	[tilespmem:$0x8200] =	vst v63  }
0x63: {  	v61 =	vsel vm12, $0x0, v0;
	s20 =	sand.u32 $0x1FFF, s18;
	s15 =	sand.u32 $0x1FFE000, s19  }
0x64: {  	(xrf0) =	vadd.scan.msk.s32 $0xffff, v61;
	s14 =	sshrl.u32 s18, $0x7;
	s15 =	sor.u32 s20, s15  }
0x65: {  	s14 =	sand.u32 $0x40, s14;
	s15 =	sshll.u32 s15, $0x7  }
0x66: {  	s14 =	sor.u32 s14, s15  }
0x67: {  	s14 =	sshrl.u32 s14, $0x3  }
0x68: {  	s21 =	sadd.s32 $0x440, s13;
	s14 =	sadd.s32 s3, s14  }
0x69: {  	v62 =	vsel vm13, $0x0, v0;
	[tilespmem:s21], [sflag:$0x1] =	stream.linear.gather [hbm4b:s14+s2], $0x40, $0x38;
	[tilespmem:$0x8200] =	vst v63  }
0x6a: {  	v1, _, _ =	vpop (xrf0);
	(xrf0) =	vadd.scan.msk.s32 $0xffff, v62;
	s22 =	spop (v2sf)  }
0x6b: {  	(v2sf) =	vpush v1, $0xF;
	s23 =	sshrl.u32 s22, $0x1  }
0x6c: {  	s24 =	sand.u32 $0x1FFF, s22;
	s15 =	sand.u32 $0x1FFE000, s23  }
0x6d: {  	s14 =	sshrl.u32 s22, $0x7;
	s15 =	sor.u32 s24, s15  }
0x6e: {  	s14 =	sand.u32 $0x40, s14;
	s15 =	sshll.u32 s15, $0x7  }
0x6f: {  	s14 =	sor.u32 s14, s15  }
0x70: {  	v1, _, _ =	vpop (xrf0);
	s14 =	sshrl.u32 s14, $0x3;
	s26 =	spop (v2sf)  }
0x71: {  	s25 =	sadd.s32 $0x480, s13;
	(v2sf) =	vpush v1, $0xF;
	s14 =	sadd.s32 s3, s14;
	s28 =	sshrl.u32 s26, $0x1  }
0x72: {  	[tilespmem:s25], [sflag:$0x1] =	stream.linear.gather [hbm4b:s14+s2], $0x40, $0x38;
	[tilespmem:$0x8200] =	vst v63  }
0x73: {  	v2 =	vsel vm14, $0x0, v0;
	s29 =	sand.u32 $0x1FFF, s26;
	s15 =	sand.u32 $0x1FFE000, s28  }
0x74: {  	(xrf0) =	vadd.scan.msk.s32 $0xffff, v2;
	s14 =	sshrl.u32 s26, $0x7;
	s15 =	sor.u32 s29, s15  }
0x75: {  	s14 =	sand.u32 $0x40, s14;
	s15 =	sshll.u32 s15, $0x7  }
0x76: {  	s14 =	sor.u32 s14, s15  }
0x77: {  	s14 =	sshrl.u32 s14, $0x3  }
0x78: {  	s30 =	sadd.s32 $0x4C0, s13;
	s14 =	sadd.s32 s3, s14  }
0x79: {  	v0 =	vsel vm15, $0x0, v0;
	[tilespmem:s30], [sflag:$0x1] =	stream.linear.gather [hbm4b:s14+s2], $0x40, $0x38;
	[tilespmem:$0x8200] =	vst v63  }
0x7a: {  	v63, _, _ =	vpop (xrf0);
	(xrf0) =	vadd.scan.msk.s32 $0xffff, v0;
	s31 =	spop (v2sf)  }
0x7b: {  	(v2sf) =	vpush v63, $0xF;
	s17 =	sshrl.u32 s31, $0x1  }
0x7c: {  	s18 =	sand.u32 $0x1FFF, s31;
	s15 =	sand.u32 $0x1FFE000, s17  }
0x7d: {  	s14 =	sshrl.u32 s31, $0x7;
	s15 =	sor.u32 s18, s15  }
0x7e: {  	s14 =	sand.u32 $0x40, s14;
	s15 =	sshll.u32 s15, $0x7  }
0x7f: {  	s14 =	sor.u32 s14, s15  }
0x80: {  	v0, _, _ =	vpop (xrf0);
	s14 =	sshrl.u32 s14, $0x3;
	s20 =	spop (v2sf)  }
0x81: {  	s19 =	sadd.s32 $0x500, s13;
	(v2sf) =	vpush v0, $0xF;
	s14 =	sadd.s32 s3, s14;
	s21 =	sshrl.u32 s20, $0x1  }
0x82: {  	[tilespmem:s19], [sflag:$0x1] =	stream.linear.gather [hbm4b:s14+s2], $0x40, $0x38;
	[tilespmem:$0x8200] =	vst v63  }
0x83: {  	s22 =	sand.u32 $0x1FFF, s20;
	s15 =	sand.u32 $0x1FFE000, s21  }
0x84: {  	s14 =	sshrl.u32 s20, $0x7;
	s15 =	sor.u32 s22, s15  }
0x85: {  	s14 =	sand.u32 $0x40, s14;
	s15 =	sshll.u32 s15, $0x7  }
0x86: {  	s14 =	sor.u32 s14, s15  }
0x87: {  	s14 =	sshrl.u32 s14, $0x3  }
0x88: {  	s24 =	sadd.s32 $0x540, s13;
	s14 =	sadd.s32 s3, s14  }
0x89: {  	[tilespmem:s24], [sflag:$0x1] =	stream.linear.gather [hbm4b:s14+s2], $0x40, $0x38;
	[tilespmem:$0x8200] =	vst v63  }
0x8a: {  	s23 =	spop (v2sf)  }
0x8b: {  	s25 =	sshrl.u32 s23, $0x1  }
0x8c: {  	s26 =	sand.u32 $0x1FFF, s23;
	s14 =	sand.u32 $0x1FFE000, s25  }
0x8d: {  	s15 =	sshrl.u32 s23, $0x7;
	s14 =	sor.u32 s26, s14  }
0x8e: {  	s15 =	sand.u32 $0x40, s15;
	s14 =	sshll.u32 s14, $0x7  }
0x8f: {  	s14 =	sor.u32 s15, s14  }
0x90: {  	s14 =	sshrl.u32 s14, $0x3;
	s29 =	spop (v2sf)  }
0x91: {  	s28 =	sadd.s32 $0x580, s13;
	s14 =	sadd.s32 s3, s14;
	s30 =	sshrl.u32 s29, $0x1  }
0x92: {  	[tilespmem:s28], [sflag:$0x1] =	stream.linear.gather [hbm4b:s14+s2], $0x40, $0x38;
	[tilespmem:$0x8200] =	vst v63  }
0x93: {  	s31 =	sand.u32 $0x1FFF, s29;
	s15 =	sand.u32 $0x1FFE000, s30  }
0x94: {  	s14 =	sshrl.u32 s29, $0x7;
	s15 =	sor.u32 s31, s15  }
0x95: {  	s14 =	sand.u32 $0x40, s14;
	s15 =	sshll.u32 s15, $0x7  }
0x96: {  	s14 =	sor.u32 s14, s15  }
0x97: {  	s14 =	sshrl.u32 s14, $0x3  }
0x98: {  	s13 =	sadd.s32 $0x5C0, s13;
	s14 =	sadd.s32 s3, s14  }
0x99: {  	[tilespmem:s13], [sflag:$0x1] =	stream.linear.gather [hbm4b:s14+s2], $0x40, $0x38;
	[tilespmem:$0x8200] =	vst v63  }
0x9a: {  	_ =	swait.ge [sflag:s8], $0x40  }
0x9b: {  	[sflag:s8] =	ssyncset.done $0x0  }
0x9c: {  	[sflag:s8] =	ssyncadd.s32 $0xFFFFFFC0  }
0x9d: {  	_ =	swait.ge [sflag:s8], $0x40  }
0x9e: {  	[sflag:s8] =	ssyncset.done $0x0  }
0x9f: {  	[sflag:s8] =	ssyncadd.s32 $0xFFFFFFC0  }
0xa0: {  	_ =	swait.ge [sflag:s8], $0x40  }
0xa1: {  	[sflag:s8] =	ssyncset.done $0x0  }
0xa2: {  	[sflag:s8] =	ssyncadd.s32 $0xFFFFFFC0  }
0xa3: {  	_ =	swait.ge [sflag:s8], $0x40  }
0xa4: {  	[sflag:s8] =	ssyncset.done $0x0  }
0xa5: {  	[sflag:s8] =	ssyncadd.s32 $0xFFFFFFC0  }
0xa6: {  	_ =	swait.ge [sflag:s8], $0x40  }
0xa7: {  	[sflag:s8] =	ssyncset.done $0x0  }
0xa8: {  	[sflag:s8] =	ssyncadd.s32 $0xFFFFFFC0  }
0xa9: {  	_ =	swait.ge [sflag:s8], $0x40  }
0xaa: {  	[sflag:s8] =	ssyncset.done $0x0  }
0xab: {  	[sflag:s8] =	ssyncadd.s32 $0xFFFFFFC0  }
0xac: {  	_ =	swait.ge [sflag:s8], $0x40  }
0xad: {  	[sflag:s8] =	ssyncset.done $0x0  }
0xae: {  	[sflag:s8] =	ssyncadd.s32 $0xFFFFFFC0  }
0xaf: {  	_ =	swait.ge [sflag:s8], $0x40  }
0xb0: {  	[sflag:s8] =	ssyncset.done $0x0  }
0xb1: {  	[sflag:s8] =	ssyncadd.s32 $0xFFFFFFC0  }
0xb2: {  	_ =	swait.ge [sflag:s8], $0x40  }
0xb3: {  	[sflag:s8] =	ssyncset.done $0x0  }
0xb4: {  	[sflag:s8] =	ssyncadd.s32 $0xFFFFFFC0  }
0xb5: {  	_ =	swait.ge [sflag:s8], $0x40  }
0xb6: {  	[sflag:s8] =	ssyncset.done $0x0  }
0xb7: {  	[sflag:s8] =	ssyncadd.s32 $0xFFFFFFC0  }
0xb8: {  	_ =	swait.ge [sflag:s8], $0x40  }
0xb9: {  	[sflag:s8] =	ssyncset.done $0x0  }
0xba: {  	[sflag:s8] =	ssyncadd.s32 $0xFFFFFFC0  }
0xbb: {  	_ =	swait.ge [sflag:s8], $0x40  }
0xbc: {  	[sflag:s8] =	ssyncset.done $0x0  }
0xbd: {  	[sflag:s8] =	ssyncadd.s32 $0xFFFFFFC0  }
0xbe: {  	_ =	swait.ge [sflag:s8], $0x40  }
0xbf: {  	[sflag:s8] =	ssyncset.done $0x0  }
0xc0: {  	[sflag:s8] =	ssyncadd.s32 $0xFFFFFFC0  }
0xc1: {  	_ =	swait.ge [sflag:s8], $0x40  }
0xc2: {  	[sflag:s8] =	ssyncset.done $0x0  }
0xc3: {  	[sflag:s8] =	ssyncadd.s32 $0xFFFFFFC0  }
0xc4: {  	p0 =	sne.s32 s12, $0x1F000;
	_ =	swait.ge [sflag:s8], $0x40  }
.Ltmp0:
0xc5: {  	[sflag:s8] =	ssyncset.done $0x0;
	(pc) =	sbr.rel @p0 .LBB2_2-.Ltmp0, $4  }
0xc6: {  	[sflag:s8] =	ssyncadd.s32 $0xFFFFFFC0  }
0xc7: {  	_ =	swait.ge [sflag:s8], $0x40  }
0xc8: {  	[sflag:s8] =	ssyncset.done $0x0  }
0xc9: {  	s11 =	sadd.s32 $0x10, s11;
	s12 =	sadd.s32 $0x1000, s12;
	[sflag:s8] =	ssyncadd.s32 $0xFFFFFFC0  }
0xca: {  	s10 =	sadd.s32 $0x1, s10  }
0xcb: {  	p0 =	sne.s32 s10, s6  }
.Ltmp1:
0xcc: {  	_ = 	snop;
	(pc) =	sbr.rel @p0 .LBB2_1-.Ltmp1, $4  }
0xcd: {  	[hbm4b:s5+s2] =	stream.linear.scatter [tilespmem:s9], [sflag:$0x2], $0x8000, $0x38;
	[tilespmem:$0x8200] =	vst v63  }
0xce: {  	_ =	swait.ge [sflag:s7], $0x8000  }
0xcf: {  	[sflag:s7] =	ssyncset.done $0x0  }
0xd0: {  	[sflag:s7] =	ssyncadd.s32 $0xFFFF8000  }
0xd1: {  	_ =	sfence.sel $0x180000  }
0xd2: {  	[bflag:$0x0] =	sbarrier.arrive $0xFFFF  }
0xd3: {  	p0 =	sne.s32 s1, $0x0;
	_ =	strace $0x90000047  }
0xd4: {  	s0 =	sadd.s32 @!p0 $0x100000, s0;
	[bflag:$0x2] =	sbarrier.arrive $0xFFFF  }
0xd5: {  	[sflag:s0] =	ssyncadd.tile.s32 @!p0 $0x1;
	_ =	shalt  }
.Lfunc_end2:
_tile_overlayer_lowered:
.L_overlay_start_2:
0xd6: {  	(tag) =	ssettag $0x2  }
0xd7: {  	s0 =	rddreg [dreg:$0x0];
	s2 =	stileid.u32  }
0xd8: {  	s1 =	rddreg [dreg:$0x1];
	p0 =	sne.s32 s2, $0x0  }
0xd9: {  	s3 =	rddreg [dreg:$0x2];
	[bflag:$0x3] =	sbarrier.arrive $0xFFFF;
	s2 =	simm.s32 @!p0 $0x1C02  }
0xda: {  	[timem:s3], [sflag:s2] =	dma.local @!p0 [hbm:s0], s1  }
0xdb: {  	s0 =	simm.s32 @!p0 $0x2  }
0xdc: {  	_ =	swait.ge @!p0 [sflag:s0], s1  }
0xdd: {  	s1 =	ssub.s32 @!p0 $0x0, s1;
	[sflag:s0] =	ssyncset.done @!p0 $0x0  }
0xde: {  	[sflag:s0] =	ssyncadd.s32 @!p0 s1  }
0xdf: {  	[bflag:$0x3] =	sbarrier.arrive $0xFFFF  }
0xe0: {  	_ =	shalt  }

</sc_bundles>
